<compile_context>
chip_gen: v7x
topology: tpu7x:2x2x1
jax: 0.10.2.dev20260603
libtpu: 0.0.44.dev20260713+nightly
codegen_flags: <defaults>
</compile_context>

<pallas_src>
import functools

import jax
import jax.numpy as jnp
from jax import lax
from jax.experimental import pallas as pl
from jax.experimental.pallas import tpu as pltpu
from jax.experimental.pallas import tpu_sc as plsc

N = 10000
E = 320000
D = 128

_NC, _NS = 2, 16
_NW = _NC * _NS
_EPW = E // _NW
_K = 125
_NCH = _EPW // _K
_PH = 2
_CPP = _NCH // _PH
_NP = 10240
_RPT = _NP // _NS


def _seg_body(with_cnt, y_hbm, src_hbm, dst_hbm, z128_hbm, ones_hbm,
              *refs):
    if with_cnt:
        sums_hbm, cnt_hbm, srcv, dstv, rows0, rows1, accum, sem0, sem1 = refs
    else:
        sums_hbm, srcv, dstv, rows0, rows1, accum, sem0, sem1 = refs
    c = lax.axis_index("c")
    s = lax.axis_index("s")
    w = s * _NC + c

    if with_cnt:
        pltpu.sync_copy(z128_hbm, accum.at[pl.ds(s * _RPT, _RPT)])
        pltpu.sync_copy(ones_hbm, rows0)
        plsc.subcore_barrier()
        for p in range(_PH):
            pltpu.sync_copy(dst_hbm.at[w, pl.ds(p * _CPP, _CPP)], dstv)

            def grp(j, carry):
                base = j * 8
                for t in range(8):
                    pltpu.async_copy(rows0, accum.at[dstv.at[base + t]],
                                     sem0, add=True)
                for t in range(8):
                    pltpu.make_async_copy(rows0, accum.at[dstv.at[base + t]],
                                          sem0).wait()
                return carry

            lax.fori_loop(0, _CPP // 8, grp, 0)
        plsc.subcore_barrier()
        pltpu.sync_copy(accum.at[pl.ds(s * _RPT, _RPT)],
                        cnt_hbm.at[c, pl.ds(s * _RPT, _RPT)])
        plsc.subcore_barrier()

    pltpu.sync_copy(z128_hbm, accum.at[pl.ds(s * _RPT, _RPT)])
    plsc.subcore_barrier()

    for p in range(_PH):
        pltpu.sync_copy(src_hbm.at[w, pl.ds(p * _CPP, _CPP)], srcv)
        pltpu.sync_copy(dst_hbm.at[w, pl.ds(p * _CPP, _CPP)], dstv)

        pltpu.async_copy(y_hbm.at[srcv.at[0]], rows0, sem0)

        def pair(i, carry):
            g = 2 * i
            pltpu.async_copy(y_hbm.at[srcv.at[g + 1]], rows1, sem1)
            pltpu.make_async_copy(y_hbm.at[srcv.at[g]], rows0, sem0).wait()
            pltpu.sync_copy(rows0, accum.at[dstv.at[g]], add=True)
            pltpu.async_copy(y_hbm.at[srcv.at[g + 2]], rows0, sem0)
            pltpu.make_async_copy(y_hbm.at[srcv.at[g + 1]], rows1, sem1).wait()
            pltpu.sync_copy(rows1, accum.at[dstv.at[g + 1]], add=True)
            return carry

        lax.fori_loop(0, _CPP // 2 - 1, pair, 0)
        g = _CPP - 2
        pltpu.async_copy(y_hbm.at[srcv.at[g + 1]], rows1, sem1)
        pltpu.make_async_copy(y_hbm.at[srcv.at[g]], rows0, sem0).wait()
        pltpu.sync_copy(rows0, accum.at[dstv.at[g]], add=True)
        pltpu.make_async_copy(y_hbm.at[srcv.at[g + 1]], rows1, sem1).wait()
        pltpu.sync_copy(rows1, accum.at[dstv.at[g + 1]], add=True)

    plsc.subcore_barrier()

    pltpu.sync_copy(accum.at[pl.ds(s * _RPT, _RPT)],
                    sums_hbm.at[c, pl.ds(s * _RPT, _RPT)])


@functools.lru_cache(maxsize=None)
def _make_seg(with_cnt):
    mesh = plsc.VectorSubcoreMesh(core_axis_name="c", subcore_axis_name="s",
                                  num_cores=_NC, num_subcores=_NS)
    out = jax.ShapeDtypeStruct((_NC, _NP, D), jnp.float32)
    return pl.kernel(
        functools.partial(_seg_body, with_cnt),
        out_type=(out, out) if with_cnt else out,
        mesh=mesh,
        scratch_types=[
            pltpu.VMEM((_CPP, _K), jnp.int32),
            pltpu.VMEM((_CPP, _K), jnp.int32),
            pltpu.VMEM((_K, D), jnp.float32),
            pltpu.VMEM((_K, D), jnp.float32),
            pltpu.VMEM_SHARED((_NP, D), jnp.float32),
            pltpu.SemaphoreType.DMA,
            pltpu.SemaphoreType.DMA,
        ],
        name="seg_cnt_sc" if with_cnt else "seg_sum_sc",
    )


_R = 400
_NT = N // _R


def _k1_body(x_ref, we_ref, be_ref, wl1_ref, h_ref, y1_ref):
    h = jnp.maximum(
        jnp.dot(x_ref[...], we_ref[...], preferred_element_type=jnp.float32)
        + be_ref[...], 0.0)
    h_ref[...] = h
    y1_ref[...] = jnp.dot(h, wl1_ref[...], preferred_element_type=jnp.float32)


def _kr_body(h_ref, w_ref, b_ref, o_ref):
    o_ref[...] = (jnp.dot(h_ref[...], w_ref[...],
                          preferred_element_type=jnp.float32) + b_ref[...])


def _k2_body(sums_ref, cnt_ref, hr1_ref, wl2_ref, h1_ref, y2_ref):
    sums = sums_ref[0] + sums_ref[1]
    sc128 = jnp.sum(cnt_ref[0] + cnt_ref[1], axis=1, keepdims=True)
    inv = 1.0 / jnp.maximum(sc128 * 0.0078125, 1.0)
    h1 = jnp.maximum(sums * inv + hr1_ref[...], 0.0)
    h1_ref[...] = h1
    y2_ref[...] = jnp.dot(h1, wl2_ref[...], preferred_element_type=jnp.float32)


def _k3_body(sums_ref, cnt_ref, hr2_ref, wc1_ref, bc1_ref,
             wc2_ref, bc2_ref, out_ref, g_ref):
    i = pl.program_id(0)
    sums = sums_ref[0] + sums_ref[1]
    sc128 = jnp.sum(cnt_ref[0] + cnt_ref[1], axis=1, keepdims=True)
    inv = 1.0 / jnp.maximum(sc128 * 0.0078125, 1.0)
    h2 = jnp.maximum(sums * inv + hr2_ref[...], 0.0)

    @pl.when(i == 0)
    def _():
        g_ref[...] = jnp.zeros_like(g_ref)

    g_ref[...] += jnp.sum(h2, axis=0, keepdims=True)

    @pl.when(i == _NT - 1)
    def _():
        g = g_ref[...]
        t = jnp.maximum(
            jnp.dot(g, wc1_ref[...], preferred_element_type=jnp.float32)
            + bc1_ref[...], 0.0)
        out_ref[...] = (jnp.dot(t, wc2_ref[...], preferred_element_type=jnp.float32)
                        + bc2_ref[...])


def _full(shape):
    return pl.BlockSpec(shape, lambda i: (0,) * len(shape))


_k1 = pl.pallas_call(
    _k1_body,
    grid=(_NT,),
    in_specs=[
        pl.BlockSpec((_R, D), lambda i: (i, 0)),
        _full((D, D)), _full((1, D)), _full((D, D)),
    ],
    out_specs=[
        pl.BlockSpec((_R, D), lambda i: (i, 0)),
        pl.BlockSpec((_R, D), lambda i: (i, 0)),
    ],
    out_shape=[
        jax.ShapeDtypeStruct((N, D), jnp.float32),
        jax.ShapeDtypeStruct((N, D), jnp.float32),
    ],
)

_kr = pl.pallas_call(
    _kr_body,
    grid=(_NT,),
    in_specs=[
        pl.BlockSpec((_R, D), lambda i: (i, 0)),
        _full((D, D)), _full((1, D)),
    ],
    out_specs=pl.BlockSpec((_R, D), lambda i: (i, 0)),
    out_shape=jax.ShapeDtypeStruct((N, D), jnp.float32),
)

_k2 = pl.pallas_call(
    _k2_body,
    grid=(_NT,),
    in_specs=[
        pl.BlockSpec((_NC, _R, D), lambda i: (0, i, 0)),
        pl.BlockSpec((_NC, _R, D), lambda i: (0, i, 0)),
        pl.BlockSpec((_R, D), lambda i: (i, 0)),
        _full((D, D)),
    ],
    out_specs=[
        pl.BlockSpec((_R, D), lambda i: (i, 0)),
        pl.BlockSpec((_R, D), lambda i: (i, 0)),
    ],
    out_shape=[
        jax.ShapeDtypeStruct((N, D), jnp.float32),
        jax.ShapeDtypeStruct((N, D), jnp.float32),
    ],
)

_k3 = pl.pallas_call(
    _k3_body,
    grid=(_NT,),
    in_specs=[
        pl.BlockSpec((_NC, _R, D), lambda i: (0, i, 0)),
        pl.BlockSpec((_NC, _R, D), lambda i: (0, i, 0)),
        pl.BlockSpec((_R, D), lambda i: (i, 0)),
        _full((D, 64)), _full((1, 64)),
        _full((64, 128)), _full((1, 128)),
    ],
    out_specs=pl.BlockSpec((1, 128), lambda i: (0, 0)),
    out_shape=jax.ShapeDtypeStruct((1, 128), jnp.float32),
    scratch_shapes=[pltpu.VMEM((1, D), jnp.float32)],
)

def kernel(x, edge_index, W_enc, b_enc, Wl1, Wr1, b1, Wl2, Wr2, b2,
           Wlp, Wrp, bp, Wc1, bc1, Wc2, bc2):
    src = edge_index[0].reshape(_NW, _NCH, _K)
    dst = edge_index[1].reshape(_NW, _NCH, _K)
    z128 = jnp.zeros((_RPT, D), jnp.float32)
    ones = jnp.ones((_K, D), jnp.float32)

    h, y1 = _k1(x, W_enc, b_enc.reshape(1, D), Wl1)
    sums1, cnt = _make_seg(True)(y1, src, dst, z128, ones)
    hr1 = _kr(h, Wr1, b1.reshape(1, D))
    h1, y2 = _k2(sums1, cnt, hr1, Wl2)
    sums2 = _make_seg(False)(y2, src, dst, z128, ones)
    hr2 = _kr(h1, Wr2, b2.reshape(1, D))
    wc2p = jnp.zeros((64, 128), jnp.float32).at[:, :10].set(Wc2)
    bc2p = jnp.zeros((1, 128), jnp.float32).at[0, :10].set(bc2)
    out = _k3(sums2, cnt, hr2, Wc1, bc1.reshape(1, 64), wc2p, bc2p)
    return out[0, :10]

# --- scband reference (transcript-rebuilt; emitter-appended) ---
"""Pipeline reference for scband-cluster-gnn-35923106463765 (READ-ONLY COPY).

The authoritative reference and input builder live on the scoring server;
editing this copy changes nothing except your own understanding.
"""

import jax, jax.numpy as jnp
import numpy as np

N, E, D_ENC, D_GNN, D_FC, N_CLS = 10000, 320000, 128, 128, 64, 10


def sage(x, edge_index, Wl, Wr, b):
    # PyG SAGEConv with mean aggregation: out = lin_l(mean_j x_j) + lin_r(x_i)
    src, dst = edge_index[0], edge_index[1]
    n = x.shape[0]
    msg = x[src]
    sums = jax.ops.segment_sum(msg, dst, num_segments=n)
    cnt = jax.ops.segment_sum(jnp.ones((edge_index.shape[1],), x.dtype), dst, num_segments=n)
    agg = sums / jnp.clip(cnt, 1.0)[:, None]
    return agg @ Wl + x @ Wr + b


def setup_inputs(seed: int = 0):
    key = jax.random.key(seed)
    ks = jax.random.split(key, 20)
    inp = {}
    inp["x"] = jax.random.normal(ks[0], (N, 128), dtype=jnp.float32)
    inp["edge_index"] = jax.random.randint(ks[1], (2, E), 0, N, dtype=jnp.int32)
    s = 0.05
    inp["W_enc"] = jax.random.normal(ks[2], (128, D_ENC), dtype=jnp.float32) * s
    inp["b_enc"] = jnp.zeros((D_ENC,), jnp.float32)
    inp["Wl1"] = jax.random.normal(ks[3], (D_ENC, 128), dtype=jnp.float32) * s
    inp["Wr1"] = jax.random.normal(ks[4], (D_ENC, 128), dtype=jnp.float32) * s
    inp["b1"] = jnp.zeros((128,), jnp.float32)
    inp["Wl2"] = jax.random.normal(ks[5], (128, D_GNN), dtype=jnp.float32) * s
    inp["Wr2"] = jax.random.normal(ks[6], (128, D_GNN), dtype=jnp.float32) * s
    inp["b2"] = jnp.zeros((D_GNN,), jnp.float32)
    inp["Wlp"] = jax.random.normal(ks[7], (D_ENC, 1), dtype=jnp.float32) * s
    inp["Wrp"] = jax.random.normal(ks[8], (D_ENC, 1), dtype=jnp.float32) * s
    inp["bp"] = jnp.zeros((1,), jnp.float32)
    inp["Wc1"] = jax.random.normal(ks[9], (D_GNN, D_FC), dtype=jnp.float32) * s
    inp["bc1"] = jnp.zeros((D_FC,), jnp.float32)
    inp["Wc2"] = jax.random.normal(ks[10], (D_FC, N_CLS), dtype=jnp.float32) * s
    inp["bc2"] = jnp.zeros((N_CLS,), jnp.float32)
    return inp


def reference(x, edge_index, W_enc, b_enc, Wl1, Wr1, b1, Wl2, Wr2, b2, Wlp, Wrp, bp, Wc1, bc1, Wc2, bc2):
    # encoder
    h = jax.nn.relu(x @ W_enc + b_enc)
    # GNNConvStack (SAGEConv x2, raw_last=False -> relu after each)
    h1 = jax.nn.relu(sage(h, edge_index, Wl1, Wr1, b1))
    h2 = jax.nn.relu(sage(h1, edge_index, Wl2, Wr2, b2))
    # gnn_pool + softmax over nodes (dim=0)
    s = jax.nn.softmax(sage(h, edge_index, Wlp, Wrp, bp), axis=0)  # [N, 1]
    # dense_diff_pool applies softmax over cluster dim (size 1 -> all ones), out = s^T x
    s_dd = jax.nn.softmax(s, axis=-1)  # [N, 1]
    graph_embedding = (s_dd.T @ h2)  # [1, d_gnn]; torch squeeze(dim=0) of [1,1,d] -> [1,d]
    # classifier: FullyConnectedStack(raw_last=True)
    pred = jax.nn.relu(graph_embedding @ Wc1 + bc1) @ Wc2 + bc2  # [1, n_classes]
    # unbatched bag -> squeeze
    return pred.squeeze(0)


if False:  # reference __main__ guard neutralized (emitter)
    out = reference(**setup_inputs())
    print(out.shape)

if __name__ == "__main__":
    import jax
    _d = setup_inputs()
    print(jax.jit(kernel)(*tuple(_d.values())))

</pallas_src>

<mosaic_0001>
#map = affine_map<(d0, d1) -> (0, 0)>
#map1 = affine_map<(d0, d1) -> (0, 0, 0)>
module attributes {stable_mosaic.version = 14 : i64} {
  func.func @seg_cnt_sc(%arg0: i32, %arg1: i32, %arg2: memref<10000x128xf32, #tpu.memory_space<hbm>>, %arg3: memref<32x80x125xi32, #tpu.memory_space<hbm>>, %arg4: memref<32x80x125xi32, #tpu.memory_space<hbm>>, %arg5: memref<640x128xf32, #tpu.memory_space<hbm>>, %arg6: memref<125x128xf32, #tpu.memory_space<hbm>>, %arg7: memref<2x10240x128xf32, #tpu.memory_space<hbm>>, %arg8: memref<2x10240x128xf32, #tpu.memory_space<hbm>>, %arg9: memref<40x125xi32, #tpu.memory_space<vmem>>, %arg10: memref<40x125xi32, #tpu.memory_space<vmem>>, %arg11: memref<125x128xf32, #tpu.memory_space<vmem>>, %arg12: memref<125x128xf32, #tpu.memory_space<vmem>>, %arg13: memref<10240x128xf32, #tpu.memory_space<vmem_shared>>, %arg14: memref<!tpu.dma_semaphore, #tpu.memory_space<semaphore_mem>>, %arg15: memref<!tpu.dma_semaphore, #tpu.memory_space<semaphore_mem>>) attributes {dimension_semantics = [#tpu.dimension_semantics<core_parallel>, #tpu.dimension_semantics<subcore_parallel>], iteration_bounds = array<i64: 2, 16>, scalar_prefetch = 0 : i64, scratch_operands = 7 : i64, tpu.core_type = #tpu.core_type<sc_vector_subcore>, window_params = [{transform_indices = #map}, {transform_indices = #map1}, {transform_indices = #map1}, {transform_indices = #map}, {transform_indices = #map}, {transform_indices = #map1}, {transform_indices = #map1}]} {
    %mul3A = arith.constant 2 : i32
    %mul3A_0 = arith.muli %arg1, %mul3A : i32
    %add3A = arith.addi %mul3A_0, %arg0 : i32
    %mul3A_1 = arith.constant 640 : i32
    %mul3A_2 = arith.muli %arg1, %mul3A_1 : i32
    "tpu.region"() ({
      %run_scoped3A_97 = tpu.sem_alloc : memref<!tpu.dma_semaphore, #tpu.memory_space<semaphore_mem>>
      %dma_start3A_98 = arith.constant 0 : i32
      %dma_start3A_99 = tpu.memref_slice %arg13[%mul3A_2, %dma_start3A_98] : memref<10240x128xf32, #tpu.memory_space<vmem_shared>> -> memref<640x128xf32, #tpu.memory_space<vmem_shared>>
      tpu.enqueue_dma source(%arg5 : memref<640x128xf32, #tpu.memory_space<hbm>>) target(%dma_start3A_99 : memref<640x128xf32, #tpu.memory_space<vmem_shared>>) target_semaphore(%run_scoped3A_97 : memref<!tpu.dma_semaphore, #tpu.memory_space<semaphore_mem>>)
      %dma_wait3A_100 = arith.constant 0 : i32
      %dma_wait3A_101 = tpu.memref_slice %arg13[%mul3A_2, %dma_wait3A_100] : memref<10240x128xf32, #tpu.memory_space<vmem_shared>> -> memref<640x128xf32, #tpu.memory_space<vmem_shared>>
      tpu.wait_dma2 semaphore(%run_scoped3A_97 : memref<!tpu.dma_semaphore, #tpu.memory_space<semaphore_mem>>) src(%arg5 : memref<640x128xf32, #tpu.memory_space<hbm>>) dst(%dma_wait3A_101 : memref<640x128xf32, #tpu.memory_space<vmem_shared>>)
      tpu.yield
    }) : () -> ()
    "tpu.region"() ({
      %run_scoped3A_97 = tpu.sem_alloc : memref<!tpu.dma_semaphore, #tpu.memory_space<semaphore_mem>>
      tpu.enqueue_dma source(%arg6 : memref<125x128xf32, #tpu.memory_space<hbm>>) target(%arg11 : memref<125x128xf32, #tpu.memory_space<vmem>>) target_semaphore(%run_scoped3A_97 : memref<!tpu.dma_semaphore, #tpu.memory_space<semaphore_mem>>)
      tpu.wait_dma2 semaphore(%run_scoped3A_97 : memref<!tpu.dma_semaphore, #tpu.memory_space<semaphore_mem>>) src(%arg6 : memref<125x128xf32, #tpu.memory_space<hbm>>) dst(%arg11 : memref<125x128xf32, #tpu.memory_space<vmem>>)
      tpu.yield
    }) : () -> ()
    %barrier3A = arith.constant 0 : index
    tpu.barrier barrier_id(%barrier3A)
    "tpu.region"() ({
      %run_scoped3A_97 = tpu.sem_alloc : memref<!tpu.dma_semaphore, #tpu.memory_space<semaphore_mem>>
      %dma_start3A_98 = arith.constant 0 : i32
      %dma_start3A_99 = arith.constant 0 : i32
      %dma_start3A_100 = tpu.memref_slice %arg4[%add3A, %dma_start3A_98, %dma_start3A_99] : memref<32x80x125xi32, #tpu.memory_space<hbm>> -> memref<1x40x125xi32, #tpu.memory_space<hbm>>
      %dma_start3A_101 = tpu.memref_squeeze %dma_start3A_100 : memref<1x40x125xi32, #tpu.memory_space<hbm>> -> memref<40x125xi32, #tpu.memory_space<hbm>>
      %dma_start3A_102 = arith.constant 0 : i32
      %dma_start3A_103 = arith.constant 0 : i32
      %dma_start3A_104 = tpu.memref_slice %arg4[%add3A, %dma_start3A_102, %dma_start3A_103] : memref<32x80x125xi32, #tpu.memory_space<hbm>> -> memref<1x40x125xi32, #tpu.memory_space<hbm>>
      %dma_start3A_105 = tpu.memref_squeeze %dma_start3A_104 : memref<1x40x125xi32, #tpu.memory_space<hbm>> -> memref<40x125xi32, #tpu.memory_space<hbm>>
      tpu.enqueue_dma source(%dma_start3A_105 : memref<40x125xi32, #tpu.memory_space<hbm>>) target(%arg10 : memref<40x125xi32, #tpu.memory_space<vmem>>) target_semaphore(%run_scoped3A_97 : memref<!tpu.dma_semaphore, #tpu.memory_space<semaphore_mem>>)
      %dma_wait3A_106 = arith.constant 0 : i32
      %dma_wait3A_107 = arith.constant 0 : i32
      %dma_wait3A_108 = tpu.memref_slice %arg4[%add3A, %dma_wait3A_106, %dma_wait3A_107] : memref<32x80x125xi32, #tpu.memory_space<hbm>> -> memref<1x40x125xi32, #tpu.memory_space<hbm>>
      %dma_wait3A_109 = tpu.memref_squeeze %dma_wait3A_108 : memref<1x40x125xi32, #tpu.memory_space<hbm>> -> memref<40x125xi32, #tpu.memory_space<hbm>>
      %dma_wait3A_110 = arith.constant 0 : i32
      %dma_wait3A_111 = arith.constant 0 : i32
      %dma_wait3A_112 = tpu.memref_slice %arg4[%add3A, %dma_wait3A_110, %dma_wait3A_111] : memref<32x80x125xi32, #tpu.memory_space<hbm>> -> memref<1x40x125xi32, #tpu.memory_space<hbm>>
      %dma_wait3A_113 = tpu.memref_squeeze %dma_wait3A_112 : memref<1x40x125xi32, #tpu.memory_space<hbm>> -> memref<40x125xi32, #tpu.memory_space<hbm>>
      tpu.wait_dma2 semaphore(%run_scoped3A_97 : memref<!tpu.dma_semaphore, #tpu.memory_space<semaphore_mem>>) src(%dma_wait3A_113 : memref<40x125xi32, #tpu.memory_space<hbm>>) dst(%arg10 : memref<40x125xi32, #tpu.memory_space<vmem>>)
      tpu.yield
    }) : () -> ()
    %scan3A = arith.constant 0 : i32
    %scan3A_3 = arith.constant 0 : i32
    %scan3A_4 = arith.constant 5 : i32
    %scan3A_5 = arith.addi %scan3A_3, %scan3A_4 : i32
    %scan3A_6 = arith.constant 1 : i32
    scf.for %scan3A_97 = %scan3A_3 to %scan3A_5 step %scan3A_6  : i32 {
      %mul3A_98 = arith.constant 8 : i32
      %mul3A_99 = arith.muli %scan3A_97, %mul3A_98 : i32
      %add3A_100 = arith.constant 0 : i32
      %add3A_101 = arith.addi %mul3A_99, %add3A_100 : i32
      %dma_start3A_102 = arith.constant 0 : i32
      %dma_start3A_103 = tpu.memref_slice %arg10[%add3A_101, %dma_start3A_102] : memref<40x125xi32, #tpu.memory_space<vmem>> -> memref<1x125xi32, #tpu.memory_space<vmem>>
      %dma_start3A_104 = tpu.memref_squeeze %dma_start3A_103 : memref<1x125xi32, #tpu.memory_space<vmem>> -> memref<125xi32, #tpu.memory_space<vmem>>
      %dma_start3A_105 = arith.constant 0 : i32
      %dma_start3A_106 = arith.constant 0 : i32
      %dma_start3A_107 = tpu.memref_slice %arg13[%dma_start3A_105, %dma_start3A_106] : memref<10240x128xf32, #tpu.memory_space<vmem_shared>> -> memref<10240x128xf32, #tpu.memory_space<vmem_shared>>
      tpu.enqueue_indirect_dma source(%arg11 : memref<125x128xf32, #tpu.memory_space<vmem>>) target(%dma_start3A_107 : memref<10240x128xf32, #tpu.memory_space<vmem_shared>>) offsets(%dma_start3A_104 : memref<125xi32, #tpu.memory_space<vmem>>) semaphore(%arg14 : memref<!tpu.dma_semaphore, #tpu.memory_space<semaphore_mem>>) {add = true}
      %add3A_108 = arith.constant 1 : i32
      %add3A_109 = arith.addi %mul3A_99, %add3A_108 : i32
      %dma_start3A_110 = arith.constant 0 : i32
      %dma_start3A_111 = tpu.memref_slice %arg10[%add3A_109, %dma_start3A_110] : memref<40x125xi32, #tpu.memory_space<vmem>> -> memref<1x125xi32, #tpu.memory_space<vmem>>
      %dma_start3A_112 = tpu.memref_squeeze %dma_start3A_111 : memref<1x125xi32, #tpu.memory_space<vmem>> -> memref<125xi32, #tpu.memory_space<vmem>>
      %dma_start3A_113 = arith.constant 0 : i32
      %dma_start3A_114 = arith.constant 0 : i32
      %dma_start3A_115 = tpu.memref_slice %arg13[%dma_start3A_113, %dma_start3A_114] : memref<10240x128xf32, #tpu.memory_space<vmem_shared>> -> memref<10240x128xf32, #tpu.memory_space<vmem_shared>>
      tpu.enqueue_indirect_dma source(%arg11 : memref<125x128xf32, #tpu.memory_space<vmem>>) target(%dma_start3A_115 : memref<10240x128xf32, #tpu.memory_space<vmem_shared>>) offsets(%dma_start3A_112 : memref<125xi32, #tpu.memory_space<vmem>>) semaphore(%arg14 : memref<!tpu.dma_semaphore, #tpu.memory_space<semaphore_mem>>) {add = true}
      %add3A_116 = arith.constant 2 : i32
      %add3A_117 = arith.addi %mul3A_99, %add3A_116 : i32
      %dma_start3A_118 = arith.constant 0 : i32
      %dma_start3A_119 = tpu.memref_slice %arg10[%add3A_117, %dma_start3A_118] : memref<40x125xi32, #tpu.memory_space<vmem>> -> memref<1x125xi32, #tpu.memory_space<vmem>>
      %dma_start3A_120 = tpu.memref_squeeze %dma_start3A_119 : memref<1x125xi32, #tpu.memory_space<vmem>> -> memref<125xi32, #tpu.memory_space<vmem>>
      %dma_start3A_121 = arith.constant 0 : i32
      %dma_start3A_122 = arith.constant 0 : i32
      %dma_start3A_123 = tpu.memref_slice %arg13[%dma_start3A_121, %dma_start3A_122] : memref<10240x128xf32, #tpu.memory_space<vmem_shared>> -> memref<10240x128xf32, #tpu.memory_space<vmem_shared>>
      tpu.enqueue_indirect_dma source(%arg11 : memref<125x128xf32, #tpu.memory_space<vmem>>) target(%dma_start3A_123 : memref<10240x128xf32, #tpu.memory_space<vmem_shared>>) offsets(%dma_start3A_120 : memref<125xi32, #tpu.memory_space<vmem>>) semaphore(%arg14 : memref<!tpu.dma_semaphore, #tpu.memory_space<semaphore_mem>>) {add = true}
      %add3A_124 = arith.constant 3 : i32
      %add3A_125 = arith.addi %mul3A_99, %add3A_124 : i32
      %dma_start3A_126 = arith.constant 0 : i32
      %dma_start3A_127 = tpu.memref_slice %arg10[%add3A_125, %dma_start3A_126] : memref<40x125xi32, #tpu.memory_space<vmem>> -> memref<1x125xi32, #tpu.memory_space<vmem>>
      %dma_start3A_128 = tpu.memref_squeeze %dma_start3A_127 : memref<1x125xi32, #tpu.memory_space<vmem>> -> memref<125xi32, #tpu.memory_space<vmem>>
      %dma_start3A_129 = arith.constant 0 : i32
      %dma_start3A_130 = arith.constant 0 : i32
      %dma_start3A_131 = tpu.memref_slice %arg13[%dma_start3A_129, %dma_start3A_130] : memref<10240x128xf32, #tpu.memory_space<vmem_shared>> -> memref<10240x128xf32, #tpu.memory_space<vmem_shared>>
      tpu.enqueue_indirect_dma source(%arg11 : memref<125x128xf32, #tpu.memory_space<vmem>>) target(%dma_start3A_131 : memref<10240x128xf32, #tpu.memory_space<vmem_shared>>) offsets(%dma_start3A_128 : memref<125xi32, #tpu.memory_space<vmem>>) semaphore(%arg14 : memref<!tpu.dma_semaphore, #tpu.memory_space<semaphore_mem>>) {add = true}
      %add3A_132 = arith.constant 4 : i32
      %add3A_133 = arith.addi %mul3A_99, %add3A_132 : i32
      %dma_start3A_134 = arith.constant 0 : i32
      %dma_start3A_135 = tpu.memref_slice %arg10[%add3A_133, %dma_start3A_134] : memref<40x125xi32, #tpu.memory_space<vmem>> -> memref<1x125xi32, #tpu.memory_space<vmem>>
      %dma_start3A_136 = tpu.memref_squeeze %dma_start3A_135 : memref<1x125xi32, #tpu.memory_space<vmem>> -> memref<125xi32, #tpu.memory_space<vmem>>
      %dma_start3A_137 = arith.constant 0 : i32
      %dma_start3A_138 = arith.constant 0 : i32
      %dma_start3A_139 = tpu.memref_slice %arg13[%dma_start3A_137, %dma_start3A_138] : memref<10240x128xf32, #tpu.memory_space<vmem_shared>> -> memref<10240x128xf32, #tpu.memory_space<vmem_shared>>
      tpu.enqueue_indirect_dma source(%arg11 : memref<125x128xf32, #tpu.memory_space<vmem>>) target(%dma_start3A_139 : memref<10240x128xf32, #tpu.memory_space<vmem_shared>>) offsets(%dma_start3A_136 : memref<125xi32, #tpu.memory_space<vmem>>) semaphore(%arg14 : memref<!tpu.dma_semaphore, #tpu.memory_space<semaphore_mem>>) {add = true}
      %add3A_140 = arith.constant 5 : i32
      %add3A_141 = arith.addi %mul3A_99, %add3A_140 : i32
      %dma_start3A_142 = arith.constant 0 : i32
      %dma_start3A_143 = tpu.memref_slice %arg10[%add3A_141, %dma_start3A_142] : memref<40x125xi32, #tpu.memory_space<vmem>> -> memref<1x125xi32, #tpu.memory_space<vmem>>
      %dma_start3A_144 = tpu.memref_squeeze %dma_start3A_143 : memref<1x125xi32, #tpu.memory_space<vmem>> -> memref<125xi32, #tpu.memory_space<vmem>>
      %dma_start3A_145 = arith.constant 0 : i32
      %dma_start3A_146 = arith.constant 0 : i32
      %dma_start3A_147 = tpu.memref_slice %arg13[%dma_start3A_145, %dma_start3A_146] : memref<10240x128xf32, #tpu.memory_space<vmem_shared>> -> memref<10240x128xf32, #tpu.memory_space<vmem_shared>>
      tpu.enqueue_indirect_dma source(%arg11 : memref<125x128xf32, #tpu.memory_space<vmem>>) target(%dma_start3A_147 : memref<10240x128xf32, #tpu.memory_space<vmem_shared>>) offsets(%dma_start3A_144 : memref<125xi32, #tpu.memory_space<vmem>>) semaphore(%arg14 : memref<!tpu.dma_semaphore, #tpu.memory_space<semaphore_mem>>) {add = true}
      %add3A_148 = arith.constant 6 : i32
      %add3A_149 = arith.addi %mul3A_99, %add3A_148 : i32
      %dma_start3A_150 = arith.constant 0 : i32
      %dma_start3A_151 = tpu.memref_slice %arg10[%add3A_149, %dma_start3A_150] : memref<40x125xi32, #tpu.memory_space<vmem>> -> memref<1x125xi32, #tpu.memory_space<vmem>>
      %dma_start3A_152 = tpu.memref_squeeze %dma_start3A_151 : memref<1x125xi32, #tpu.memory_space<vmem>> -> memref<125xi32, #tpu.memory_space<vmem>>
      %dma_start3A_153 = arith.constant 0 : i32
      %dma_start3A_154 = arith.constant 0 : i32
      %dma_start3A_155 = tpu.memref_slice %arg13[%dma_start3A_153, %dma_start3A_154] : memref<10240x128xf32, #tpu.memory_space<vmem_shared>> -> memref<10240x128xf32, #tpu.memory_space<vmem_shared>>
      tpu.enqueue_indirect_dma source(%arg11 : memref<125x128xf32, #tpu.memory_space<vmem>>) target(%dma_start3A_155 : memref<10240x128xf32, #tpu.memory_space<vmem_shared>>) offsets(%dma_start3A_152 : memref<125xi32, #tpu.memory_space<vmem>>) semaphore(%arg14 : memref<!tpu.dma_semaphore, #tpu.memory_space<semaphore_mem>>) {add = true}
      %add3A_156 = arith.constant 7 : i32
      %add3A_157 = arith.addi %mul3A_99, %add3A_156 : i32
      %dma_start3A_158 = arith.constant 0 : i32
      %dma_start3A_159 = tpu.memref_slice %arg10[%add3A_157, %dma_start3A_158] : memref<40x125xi32, #tpu.memory_space<vmem>> -> memref<1x125xi32, #tpu.memory_space<vmem>>
      %dma_start3A_160 = tpu.memref_squeeze %dma_start3A_159 : memref<1x125xi32, #tpu.memory_space<vmem>> -> memref<125xi32, #tpu.memory_space<vmem>>
      %dma_start3A_161 = arith.constant 0 : i32
      %dma_start3A_162 = arith.constant 0 : i32
      %dma_start3A_163 = tpu.memref_slice %arg13[%dma_start3A_161, %dma_start3A_162] : memref<10240x128xf32, #tpu.memory_space<vmem_shared>> -> memref<10240x128xf32, #tpu.memory_space<vmem_shared>>
      tpu.enqueue_indirect_dma source(%arg11 : memref<125x128xf32, #tpu.memory_space<vmem>>) target(%dma_start3A_163 : memref<10240x128xf32, #tpu.memory_space<vmem_shared>>) offsets(%dma_start3A_160 : memref<125xi32, #tpu.memory_space<vmem>>) semaphore(%arg14 : memref<!tpu.dma_semaphore, #tpu.memory_space<semaphore_mem>>) {add = true}
      %add3A_164 = arith.constant 0 : i32
      %add3A_165 = arith.addi %mul3A_99, %add3A_164 : i32
      %dma_wait3A_166 = arith.constant 0 : i32
      %dma_wait3A_167 = tpu.memref_slice %arg10[%add3A_165, %dma_wait3A_166] : memref<40x125xi32, #tpu.memory_space<vmem>> -> memref<1x125xi32, #tpu.memory_space<vmem>>
      %dma_wait3A_168 = tpu.memref_squeeze %dma_wait3A_167 : memref<1x125xi32, #tpu.memory_space<vmem>> -> memref<125xi32, #tpu.memory_space<vmem>>
      %dma_wait3A_169 = arith.constant 0 : i32
      %dma_wait3A_170 = arith.constant 0 : i32
      %dma_wait3A_171 = tpu.memref_slice %arg13[%dma_wait3A_169, %dma_wait3A_170] : memref<10240x128xf32, #tpu.memory_space<vmem_shared>> -> memref<10240x128xf32, #tpu.memory_space<vmem_shared>>
      tpu.wait_indirect_dma semaphore(%arg14 : memref<!tpu.dma_semaphore, #tpu.memory_space<semaphore_mem>>) src(%arg11 : memref<125x128xf32, #tpu.memory_space<vmem>>) dst(%dma_wait3A_171 : memref<10240x128xf32, #tpu.memory_space<vmem_shared>>)
      %add3A_172 = arith.constant 1 : i32
      %add3A_173 = arith.addi %mul3A_99, %add3A_172 : i32
      %dma_wait3A_174 = arith.constant 0 : i32
      %dma_wait3A_175 = tpu.memref_slice %arg10[%add3A_173, %dma_wait3A_174] : memref<40x125xi32, #tpu.memory_space<vmem>> -> memref<1x125xi32, #tpu.memory_space<vmem>>
      %dma_wait3A_176 = tpu.memref_squeeze %dma_wait3A_175 : memref<1x125xi32, #tpu.memory_space<vmem>> -> memref<125xi32, #tpu.memory_space<vmem>>
      %dma_wait3A_177 = arith.constant 0 : i32
      %dma_wait3A_178 = arith.constant 0 : i32
      %dma_wait3A_179 = tpu.memref_slice %arg13[%dma_wait3A_177, %dma_wait3A_178] : memref<10240x128xf32, #tpu.memory_space<vmem_shared>> -> memref<10240x128xf32, #tpu.memory_space<vmem_shared>>
      tpu.wait_indirect_dma semaphore(%arg14 : memref<!tpu.dma_semaphore, #tpu.memory_space<semaphore_mem>>) src(%arg11 : memref<125x128xf32, #tpu.memory_space<vmem>>) dst(%dma_wait3A_179 : memref<10240x128xf32, #tpu.memory_space<vmem_shared>>)
      %add3A_180 = arith.constant 2 : i32
      %add3A_181 = arith.addi %mul3A_99, %add3A_180 : i32
      %dma_wait3A_182 = arith.constant 0 : i32
      %dma_wait3A_183 = tpu.memref_slice %arg10[%add3A_181, %dma_wait3A_182] : memref<40x125xi32, #tpu.memory_space<vmem>> -> memref<1x125xi32, #tpu.memory_space<vmem>>
      %dma_wait3A_184 = tpu.memref_squeeze %dma_wait3A_183 : memref<1x125xi32, #tpu.memory_space<vmem>> -> memref<125xi32, #tpu.memory_space<vmem>>
      %dma_wait3A_185 = arith.constant 0 : i32
      %dma_wait3A_186 = arith.constant 0 : i32
      %dma_wait3A_187 = tpu.memref_slice %arg13[%dma_wait3A_185, %dma_wait3A_186] : memref<10240x128xf32, #tpu.memory_space<vmem_shared>> -> memref<10240x128xf32, #tpu.memory_space<vmem_shared>>
      tpu.wait_indirect_dma semaphore(%arg14 : memref<!tpu.dma_semaphore, #tpu.memory_space<semaphore_mem>>) src(%arg11 : memref<125x128xf32, #tpu.memory_space<vmem>>) dst(%dma_wait3A_187 : memref<10240x128xf32, #tpu.memory_space<vmem_shared>>)
      %add3A_188 = arith.constant 3 : i32
      %add3A_189 = arith.addi %mul3A_99, %add3A_188 : i32
      %dma_wait3A_190 = arith.constant 0 : i32
      %dma_wait3A_191 = tpu.memref_slice %arg10[%add3A_189, %dma_wait3A_190] : memref<40x125xi32, #tpu.memory_space<vmem>> -> memref<1x125xi32, #tpu.memory_space<vmem>>
      %dma_wait3A_192 = tpu.memref_squeeze %dma_wait3A_191 : memref<1x125xi32, #tpu.memory_space<vmem>> -> memref<125xi32, #tpu.memory_space<vmem>>
      %dma_wait3A_193 = arith.constant 0 : i32
      %dma_wait3A_194 = arith.constant 0 : i32
      %dma_wait3A_195 = tpu.memref_slice %arg13[%dma_wait3A_193, %dma_wait3A_194] : memref<10240x128xf32, #tpu.memory_space<vmem_shared>> -> memref<10240x128xf32, #tpu.memory_space<vmem_shared>>
      tpu.wait_indirect_dma semaphore(%arg14 : memref<!tpu.dma_semaphore, #tpu.memory_space<semaphore_mem>>) src(%arg11 : memref<125x128xf32, #tpu.memory_space<vmem>>) dst(%dma_wait3A_195 : memref<10240x128xf32, #tpu.memory_space<vmem_shared>>)
      %add3A_196 = arith.constant 4 : i32
      %add3A_197 = arith.addi %mul3A_99, %add3A_196 : i32
      %dma_wait3A_198 = arith.constant 0 : i32
      %dma_wait3A_199 = tpu.memref_slice %arg10[%add3A_197, %dma_wait3A_198] : memref<40x125xi32, #tpu.memory_space<vmem>> -> memref<1x125xi32, #tpu.memory_space<vmem>>
      %dma_wait3A_200 = tpu.memref_squeeze %dma_wait3A_199 : memref<1x125xi32, #tpu.memory_space<vmem>> -> memref<125xi32, #tpu.memory_space<vmem>>
      %dma_wait3A_201 = arith.constant 0 : i32
      %dma_wait3A_202 = arith.constant 0 : i32
      %dma_wait3A_203 = tpu.memref_slice %arg13[%dma_wait3A_201, %dma_wait3A_202] : memref<10240x128xf32, #tpu.memory_space<vmem_shared>> -> memref<10240x128xf32, #tpu.memory_space<vmem_shared>>
      tpu.wait_indirect_dma semaphore(%arg14 : memref<!tpu.dma_semaphore, #tpu.memory_space<semaphore_mem>>) src(%arg11 : memref<125x128xf32, #tpu.memory_space<vmem>>) dst(%dma_wait3A_203 : memref<10240x128xf32, #tpu.memory_space<vmem_shared>>)
      %add3A_204 = arith.constant 5 : i32
      %add3A_205 = arith.addi %mul3A_99, %add3A_204 : i32
      %dma_wait3A_206 = arith.constant 0 : i32
      %dma_wait3A_207 = tpu.memref_slice %arg10[%add3A_205, %dma_wait3A_206] : memref<40x125xi32, #tpu.memory_space<vmem>> -> memref<1x125xi32, #tpu.memory_space<vmem>>
      %dma_wait3A_208 = tpu.memref_squeeze %dma_wait3A_207 : memref<1x125xi32, #tpu.memory_space<vmem>> -> memref<125xi32, #tpu.memory_space<vmem>>
      %dma_wait3A_209 = arith.constant 0 : i32
      %dma_wait3A_210 = arith.constant 0 : i32
      %dma_wait3A_211 = tpu.memref_slice %arg13[%dma_wait3A_209, %dma_wait3A_210] : memref<10240x128xf32, #tpu.memory_space<vmem_shared>> -> memref<10240x128xf32, #tpu.memory_space<vmem_shared>>
      tpu.wait_indirect_dma semaphore(%arg14 : memref<!tpu.dma_semaphore, #tpu.memory_space<semaphore_mem>>) src(%arg11 : memref<125x128xf32, #tpu.memory_space<vmem>>) dst(%dma_wait3A_211 : memref<10240x128xf32, #tpu.memory_space<vmem_shared>>)
      %add3A_212 = arith.constant 6 : i32
      %add3A_213 = arith.addi %mul3A_99, %add3A_212 : i32
      %dma_wait3A_214 = arith.constant 0 : i32
      %dma_wait3A_215 = tpu.memref_slice %arg10[%add3A_213, %dma_wait3A_214] : memref<40x125xi32, #tpu.memory_space<vmem>> -> memref<1x125xi32, #tpu.memory_space<vmem>>
      %dma_wait3A_216 = tpu.memref_squeeze %dma_wait3A_215 : memref<1x125xi32, #tpu.memory_space<vmem>> -> memref<125xi32, #tpu.memory_space<vmem>>
      %dma_wait3A_217 = arith.constant 0 : i32
      %dma_wait3A_218 = arith.constant 0 : i32
      %dma_wait3A_219 = tpu.memref_slice %arg13[%dma_wait3A_217, %dma_wait3A_218] : memref<10240x128xf32, #tpu.memory_space<vmem_shared>> -> memref<10240x128xf32, #tpu.memory_space<vmem_shared>>
      tpu.wait_indirect_dma semaphore(%arg14 : memref<!tpu.dma_semaphore, #tpu.memory_space<semaphore_mem>>) src(%arg11 : memref<125x128xf32, #tpu.memory_space<vmem>>) dst(%dma_wait3A_219 : memref<10240x128xf32, #tpu.memory_space<vmem_shared>>)
      %add3A_220 = arith.constant 7 : i32
      %add3A_221 = arith.addi %mul3A_99, %add3A_220 : i32
      %dma_wait3A_222 = arith.constant 0 : i32
      %dma_wait3A_223 = tpu.memref_slice %arg10[%add3A_221, %dma_wait3A_222] : memref<40x125xi32, #tpu.memory_space<vmem>> -> memref<1x125xi32, #tpu.memory_space<vmem>>
      %dma_wait3A_224 = tpu.memref_squeeze %dma_wait3A_223 : memref<1x125xi32, #tpu.memory_space<vmem>> -> memref<125xi32, #tpu.memory_space<vmem>>
      %dma_wait3A_225 = arith.constant 0 : i32
      %dma_wait3A_226 = arith.constant 0 : i32
      %dma_wait3A_227 = tpu.memref_slice %arg13[%dma_wait3A_225, %dma_wait3A_226] : memref<10240x128xf32, #tpu.memory_space<vmem_shared>> -> memref<10240x128xf32, #tpu.memory_space<vmem_shared>>
      tpu.wait_indirect_dma semaphore(%arg14 : memref<!tpu.dma_semaphore, #tpu.memory_space<semaphore_mem>>) src(%arg11 : memref<125x128xf32, #tpu.memory_space<vmem>>) dst(%dma_wait3A_227 : memref<10240x128xf32, #tpu.memory_space<vmem_shared>>)
    }
    %scan3A_7 = arith.constant 5 : i32
    "tpu.region"() ({
      %run_scoped3A_97 = tpu.sem_alloc : memref<!tpu.dma_semaphore, #tpu.memory_space<semaphore_mem>>
      %dma_start3A_98 = arith.constant 40 : i32
      %dma_start3A_99 = arith.constant 0 : i32
      %dma_start3A_100 = tpu.memref_slice %arg4[%add3A, %dma_start3A_98, %dma_start3A_99] : memref<32x80x125xi32, #tpu.memory_space<hbm>> -> memref<1x40x125xi32, #tpu.memory_space<hbm>>
      %dma_start3A_101 = tpu.memref_squeeze %dma_start3A_100 : memref<1x40x125xi32, #tpu.memory_space<hbm>> -> memref<40x125xi32, #tpu.memory_space<hbm>>
      %dma_start3A_102 = arith.constant 40 : i32
      %dma_start3A_103 = arith.constant 0 : i32
      %dma_start3A_104 = tpu.memref_slice %arg4[%add3A, %dma_start3A_102, %dma_start3A_103] : memref<32x80x125xi32, #tpu.memory_space<hbm>> -> memref<1x40x125xi32, #tpu.memory_space<hbm>>
      %dma_start3A_105 = tpu.memref_squeeze %dma_start3A_104 : memref<1x40x125xi32, #tpu.memory_space<hbm>> -> memref<40x125xi32, #tpu.memory_space<hbm>>
      tpu.enqueue_dma source(%dma_start3A_105 : memref<40x125xi32, #tpu.memory_space<hbm>>) target(%arg10 : memref<40x125xi32, #tpu.memory_space<vmem>>) target_semaphore(%run_scoped3A_97 : memref<!tpu.dma_semaphore, #tpu.memory_space<semaphore_mem>>)
      %dma_wait3A_106 = arith.constant 40 : i32
      %dma_wait3A_107 = arith.constant 0 : i32
      %dma_wait3A_108 = tpu.memref_slice %arg4[%add3A, %dma_wait3A_106, %dma_wait3A_107] : memref<32x80x125xi32, #tpu.memory_space<hbm>> -> memref<1x40x125xi32, #tpu.memory_space<hbm>>
      %dma_wait3A_109 = tpu.memref_squeeze %dma_wait3A_108 : memref<1x40x125xi32, #tpu.memory_space<hbm>> -> memref<40x125xi32, #tpu.memory_space<hbm>>
      %dma_wait3A_110 = arith.constant 40 : i32
      %dma_wait3A_111 = arith.constant 0 : i32
      %dma_wait3A_112 = tpu.memref_slice %arg4[%add3A, %dma_wait3A_110, %dma_wait3A_111] : memref<32x80x125xi32, #tpu.memory_space<hbm>> -> memref<1x40x125xi32, #tpu.memory_space<hbm>>
      %dma_wait3A_113 = tpu.memref_squeeze %dma_wait3A_112 : memref<1x40x125xi32, #tpu.memory_space<hbm>> -> memref<40x125xi32, #tpu.memory_space<hbm>>
      tpu.wait_dma2 semaphore(%run_scoped3A_97 : memref<!tpu.dma_semaphore, #tpu.memory_space<semaphore_mem>>) src(%dma_wait3A_113 : memref<40x125xi32, #tpu.memory_space<hbm>>) dst(%arg10 : memref<40x125xi32, #tpu.memory_space<vmem>>)
      tpu.yield
    }) : () -> ()
    %scan3A_8 = arith.constant 0 : i32
    %scan3A_9 = arith.constant 0 : i32
    %scan3A_10 = arith.constant 5 : i32
    %scan3A_11 = arith.addi %scan3A_9, %scan3A_10 : i32
    %scan3A_12 = arith.constant 1 : i32
    scf.for %scan3A_97 = %scan3A_9 to %scan3A_11 step %scan3A_12  : i32 {
      %mul3A_98 = arith.constant 8 : i32
      %mul3A_99 = arith.muli %scan3A_97, %mul3A_98 : i32
      %add3A_100 = arith.constant 0 : i32
      %add3A_101 = arith.addi %mul3A_99, %add3A_100 : i32
      %dma_start3A_102 = arith.constant 0 : i32
      %dma_start3A_103 = tpu.memref_slice %arg10[%add3A_101, %dma_start3A_102] : memref<40x125xi32, #tpu.memory_space<vmem>> -> memref<1x125xi32, #tpu.memory_space<vmem>>
      %dma_start3A_104 = tpu.memref_squeeze %dma_start3A_103 : memref<1x125xi32, #tpu.memory_space<vmem>> -> memref<125xi32, #tpu.memory_space<vmem>>
      %dma_start3A_105 = arith.constant 0 : i32
      %dma_start3A_106 = arith.constant 0 : i32
      %dma_start3A_107 = tpu.memref_slice %arg13[%dma_start3A_105, %dma_start3A_106] : memref<10240x128xf32, #tpu.memory_space<vmem_shared>> -> memref<10240x128xf32, #tpu.memory_space<vmem_shared>>
      tpu.enqueue_indirect_dma source(%arg11 : memref<125x128xf32, #tpu.memory_space<vmem>>) target(%dma_start3A_107 : memref<10240x128xf32, #tpu.memory_space<vmem_shared>>) offsets(%dma_start3A_104 : memref<125xi32, #tpu.memory_space<vmem>>) semaphore(%arg14 : memref<!tpu.dma_semaphore, #tpu.memory_space<semaphore_mem>>) {add = true}
      %add3A_108 = arith.constant 1 : i32
      %add3A_109 = arith.addi %mul3A_99, %add3A_108 : i32
      %dma_start3A_110 = arith.constant 0 : i32
      %dma_start3A_111 = tpu.memref_slice %arg10[%add3A_109, %dma_start3A_110] : memref<40x125xi32, #tpu.memory_space<vmem>> -> memref<1x125xi32, #tpu.memory_space<vmem>>
      %dma_start3A_112 = tpu.memref_squeeze %dma_start3A_111 : memref<1x125xi32, #tpu.memory_space<vmem>> -> memref<125xi32, #tpu.memory_space<vmem>>
      %dma_start3A_113 = arith.constant 0 : i32
      %dma_start3A_114 = arith.constant 0 : i32
      %dma_start3A_115 = tpu.memref_slice %arg13[%dma_start3A_113, %dma_start3A_114] : memref<10240x128xf32, #tpu.memory_space<vmem_shared>> -> memref<10240x128xf32, #tpu.memory_space<vmem_shared>>
      tpu.enqueue_indirect_dma source(%arg11 : memref<125x128xf32, #tpu.memory_space<vmem>>) target(%dma_start3A_115 : memref<10240x128xf32, #tpu.memory_space<vmem_shared>>) offsets(%dma_start3A_112 : memref<125xi32, #tpu.memory_space<vmem>>) semaphore(%arg14 : memref<!tpu.dma_semaphore, #tpu.memory_space<semaphore_mem>>) {add = true}
      %add3A_116 = arith.constant 2 : i32
      %add3A_117 = arith.addi %mul3A_99, %add3A_116 : i32
      %dma_start3A_118 = arith.constant 0 : i32
      %dma_start3A_119 = tpu.memref_slice %arg10[%add3A_117, %dma_start3A_118] : memref<40x125xi32, #tpu.memory_space<vmem>> -> memref<1x125xi32, #tpu.memory_space<vmem>>
      %dma_start3A_120 = tpu.memref_squeeze %dma_start3A_119 : memref<1x125xi32, #tpu.memory_space<vmem>> -> memref<125xi32, #tpu.memory_space<vmem>>
      %dma_start3A_121 = arith.constant 0 : i32
      %dma_start3A_122 = arith.constant 0 : i32
      %dma_start3A_123 = tpu.memref_slice %arg13[%dma_start3A_121, %dma_start3A_122] : memref<10240x128xf32, #tpu.memory_space<vmem_shared>> -> memref<10240x128xf32, #tpu.memory_space<vmem_shared>>
      tpu.enqueue_indirect_dma source(%arg11 : memref<125x128xf32, #tpu.memory_space<vmem>>) target(%dma_start3A_123 : memref<10240x128xf32, #tpu.memory_space<vmem_shared>>) offsets(%dma_start3A_120 : memref<125xi32, #tpu.memory_space<vmem>>) semaphore(%arg14 : memref<!tpu.dma_semaphore, #tpu.memory_space<semaphore_mem>>) {add = true}
      %add3A_124 = arith.constant 3 : i32
      %add3A_125 = arith.addi %mul3A_99, %add3A_124 : i32
      %dma_start3A_126 = arith.constant 0 : i32
      %dma_start3A_127 = tpu.memref_slice %arg10[%add3A_125, %dma_start3A_126] : memref<40x125xi32, #tpu.memory_space<vmem>> -> memref<1x125xi32, #tpu.memory_space<vmem>>
      %dma_start3A_128 = tpu.memref_squeeze %dma_start3A_127 : memref<1x125xi32, #tpu.memory_space<vmem>> -> memref<125xi32, #tpu.memory_space<vmem>>
      %dma_start3A_129 = arith.constant 0 : i32
      %dma_start3A_130 = arith.constant 0 : i32
      %dma_start3A_131 = tpu.memref_slice %arg13[%dma_start3A_129, %dma_start3A_130] : memref<10240x128xf32, #tpu.memory_space<vmem_shared>> -> memref<10240x128xf32, #tpu.memory_space<vmem_shared>>
      tpu.enqueue_indirect_dma source(%arg11 : memref<125x128xf32, #tpu.memory_space<vmem>>) target(%dma_start3A_131 : memref<10240x128xf32, #tpu.memory_space<vmem_shared>>) offsets(%dma_start3A_128 : memref<125xi32, #tpu.memory_space<vmem>>) semaphore(%arg14 : memref<!tpu.dma_semaphore, #tpu.memory_space<semaphore_mem>>) {add = true}
      %add3A_132 = arith.constant 4 : i32
      %add3A_133 = arith.addi %mul3A_99, %add3A_132 : i32
      %dma_start3A_134 = arith.constant 0 : i32
      %dma_start3A_135 = tpu.memref_slice %arg10[%add3A_133, %dma_start3A_134] : memref<40x125xi32, #tpu.memory_space<vmem>> -> memref<1x125xi32, #tpu.memory_space<vmem>>
      %dma_start3A_136 = tpu.memref_squeeze %dma_start3A_135 : memref<1x125xi32, #tpu.memory_space<vmem>> -> memref<125xi32, #tpu.memory_space<vmem>>
      %dma_start3A_137 = arith.constant 0 : i32
      %dma_start3A_138 = arith.constant 0 : i32
      %dma_start3A_139 = tpu.memref_slice %arg13[%dma_start3A_137, %dma_start3A_138] : memref<10240x128xf32, #tpu.memory_space<vmem_shared>> -> memref<10240x128xf32, #tpu.memory_space<vmem_shared>>
      tpu.enqueue_indirect_dma source(%arg11 : memref<125x128xf32, #tpu.memory_space<vmem>>) target(%dma_start3A_139 : memref<10240x128xf32, #tpu.memory_space<vmem_shared>>) offsets(%dma_start3A_136 : memref<125xi32, #tpu.memory_space<vmem>>) semaphore(%arg14 : memref<!tpu.dma_semaphore, #tpu.memory_space<semaphore_mem>>) {add = true}
      %add3A_140 = arith.constant 5 : i32
      %add3A_141 = arith.addi %mul3A_99, %add3A_140 : i32
      %dma_start3A_142 = arith.constant 0 : i32
      %dma_start3A_143 = tpu.memref_slice %arg10[%add3A_141, %dma_start3A_142] : memref<40x125xi32, #tpu.memory_space<vmem>> -> memref<1x125xi32, #tpu.memory_space<vmem>>
      %dma_start3A_144 = tpu.memref_squeeze %dma_start3A_143 : memref<1x125xi32, #tpu.memory_space<vmem>> -> memref<125xi32, #tpu.memory_space<vmem>>
      %dma_start3A_145 = arith.constant 0 : i32
      %dma_start3A_146 = arith.constant 0 : i32
      %dma_start3A_147 = tpu.memref_slice %arg13[%dma_start3A_145, %dma_start3A_146] : memref<10240x128xf32, #tpu.memory_space<vmem_shared>> -> memref<10240x128xf32, #tpu.memory_space<vmem_shared>>
      tpu.enqueue_indirect_dma source(%arg11 : memref<125x128xf32, #tpu.memory_space<vmem>>) target(%dma_start3A_147 : memref<10240x128xf32, #tpu.memory_space<vmem_shared>>) offsets(%dma_start3A_144 : memref<125xi32, #tpu.memory_space<vmem>>) semaphore(%arg14 : memref<!tpu.dma_semaphore, #tpu.memory_space<semaphore_mem>>) {add = true}
      %add3A_148 = arith.constant 6 : i32
      %add3A_149 = arith.addi %mul3A_99, %add3A_148 : i32
      %dma_start3A_150 = arith.constant 0 : i32
      %dma_start3A_151 = tpu.memref_slice %arg10[%add3A_149, %dma_start3A_150] : memref<40x125xi32, #tpu.memory_space<vmem>> -> memref<1x125xi32, #tpu.memory_space<vmem>>
      %dma_start3A_152 = tpu.memref_squeeze %dma_start3A_151 : memref<1x125xi32, #tpu.memory_space<vmem>> -> memref<125xi32, #tpu.memory_space<vmem>>
      %dma_start3A_153 = arith.constant 0 : i32
      %dma_start3A_154 = arith.constant 0 : i32
      %dma_start3A_155 = tpu.memref_slice %arg13[%dma_start3A_153, %dma_start3A_154] : memref<10240x128xf32, #tpu.memory_space<vmem_shared>> -> memref<10240x128xf32, #tpu.memory_space<vmem_shared>>
      tpu.enqueue_indirect_dma source(%arg11 : memref<125x128xf32, #tpu.memory_space<vmem>>) target(%dma_start3A_155 : memref<10240x128xf32, #tpu.memory_space<vmem_shared>>) offsets(%dma_start3A_152 : memref<125xi32, #tpu.memory_space<vmem>>) semaphore(%arg14 : memref<!tpu.dma_semaphore, #tpu.memory_space<semaphore_mem>>) {add = true}
      %add3A_156 = arith.constant 7 : i32
      %add3A_157 = arith.addi %mul3A_99, %add3A_156 : i32
      %dma_start3A_158 = arith.constant 0 : i32
      %dma_start3A_159 = tpu.memref_slice %arg10[%add3A_157, %dma_start3A_158] : memref<40x125xi32, #tpu.memory_space<vmem>> -> memref<1x125xi32, #tpu.memory_space<vmem>>
      %dma_start3A_160 = tpu.memref_squeeze %dma_start3A_159 : memref<1x125xi32, #tpu.memory_space<vmem>> -> memref<125xi32, #tpu.memory_space<vmem>>
      %dma_start3A_161 = arith.constant 0 : i32
      %dma_start3A_162 = arith.constant 0 : i32
      %dma_start3A_163 = tpu.memref_slice %arg13[%dma_start3A_161, %dma_start3A_162] : memref<10240x128xf32, #tpu.memory_space<vmem_shared>> -> memref<10240x128xf32, #tpu.memory_space<vmem_shared>>
      tpu.enqueue_indirect_dma source(%arg11 : memref<125x128xf32, #tpu.memory_space<vmem>>) target(%dma_start3A_163 : memref<10240x128xf32, #tpu.memory_space<vmem_shared>>) offsets(%dma_start3A_160 : memref<125xi32, #tpu.memory_space<vmem>>) semaphore(%arg14 : memref<!tpu.dma_semaphore, #tpu.memory_space<semaphore_mem>>) {add = true}
      %add3A_164 = arith.constant 0 : i32
      %add3A_165 = arith.addi %mul3A_99, %add3A_164 : i32
      %dma_wait3A_166 = arith.constant 0 : i32
      %dma_wait3A_167 = tpu.memref_slice %arg10[%add3A_165, %dma_wait3A_166] : memref<40x125xi32, #tpu.memory_space<vmem>> -> memref<1x125xi32, #tpu.memory_space<vmem>>
      %dma_wait3A_168 = tpu.memref_squeeze %dma_wait3A_167 : memref<1x125xi32, #tpu.memory_space<vmem>> -> memref<125xi32, #tpu.memory_space<vmem>>
      %dma_wait3A_169 = arith.constant 0 : i32
      %dma_wait3A_170 = arith.constant 0 : i32
      %dma_wait3A_171 = tpu.memref_slice %arg13[%dma_wait3A_169, %dma_wait3A_170] : memref<10240x128xf32, #tpu.memory_space<vmem_shared>> -> memref<10240x128xf32, #tpu.memory_space<vmem_shared>>
      tpu.wait_indirect_dma semaphore(%arg14 : memref<!tpu.dma_semaphore, #tpu.memory_space<semaphore_mem>>) src(%arg11 : memref<125x128xf32, #tpu.memory_space<vmem>>) dst(%dma_wait3A_171 : memref<10240x128xf32, #tpu.memory_space<vmem_shared>>)
      %add3A_172 = arith.constant 1 : i32
      %add3A_173 = arith.addi %mul3A_99, %add3A_172 : i32
      %dma_wait3A_174 = arith.constant 0 : i32
      %dma_wait3A_175 = tpu.memref_slice %arg10[%add3A_173, %dma_wait3A_174] : memref<40x125xi32, #tpu.memory_space<vmem>> -> memref<1x125xi32, #tpu.memory_space<vmem>>
      %dma_wait3A_176 = tpu.memref_squeeze %dma_wait3A_175 : memref<1x125xi32, #tpu.memory_space<vmem>> -> memref<125xi32, #tpu.memory_space<vmem>>
      %dma_wait3A_177 = arith.constant 0 : i32
      %dma_wait3A_178 = arith.constant 0 : i32
      %dma_wait3A_179 = tpu.memref_slice %arg13[%dma_wait3A_177, %dma_wait3A_178] : memref<10240x128xf32, #tpu.memory_space<vmem_shared>> -> memref<10240x128xf32, #tpu.memory_space<vmem_shared>>
      tpu.wait_indirect_dma semaphore(%arg14 : memref<!tpu.dma_semaphore, #tpu.memory_space<semaphore_mem>>) src(%arg11 : memref<125x128xf32, #tpu.memory_space<vmem>>) dst(%dma_wait3A_179 : memref<10240x128xf32, #tpu.memory_space<vmem_shared>>)
      %add3A_180 = arith.constant 2 : i32
      %add3A_181 = arith.addi %mul3A_99, %add3A_180 : i32
      %dma_wait3A_182 = arith.constant 0 : i32
      %dma_wait3A_183 = tpu.memref_slice %arg10[%add3A_181, %dma_wait3A_182] : memref<40x125xi32, #tpu.memory_space<vmem>> -> memref<1x125xi32, #tpu.memory_space<vmem>>
      %dma_wait3A_184 = tpu.memref_squeeze %dma_wait3A_183 : memref<1x125xi32, #tpu.memory_space<vmem>> -> memref<125xi32, #tpu.memory_space<vmem>>
      %dma_wait3A_185 = arith.constant 0 : i32
      %dma_wait3A_186 = arith.constant 0 : i32
      %dma_wait3A_187 = tpu.memref_slice %arg13[%dma_wait3A_185, %dma_wait3A_186] : memref<10240x128xf32, #tpu.memory_space<vmem_shared>> -> memref<10240x128xf32, #tpu.memory_space<vmem_shared>>
      tpu.wait_indirect_dma semaphore(%arg14 : memref<!tpu.dma_semaphore, #tpu.memory_space<semaphore_mem>>) src(%arg11 : memref<125x128xf32, #tpu.memory_space<vmem>>) dst(%dma_wait3A_187 : memref<10240x128xf32, #tpu.memory_space<vmem_shared>>)
      %add3A_188 = arith.constant 3 : i32
      %add3A_189 = arith.addi %mul3A_99, %add3A_188 : i32
      %dma_wait3A_190 = arith.constant 0 : i32
      %dma_wait3A_191 = tpu.memref_slice %arg10[%add3A_189, %dma_wait3A_190] : memref<40x125xi32, #tpu.memory_space<vmem>> -> memref<1x125xi32, #tpu.memory_space<vmem>>
      %dma_wait3A_192 = tpu.memref_squeeze %dma_wait3A_191 : memref<1x125xi32, #tpu.memory_space<vmem>> -> memref<125xi32, #tpu.memory_space<vmem>>
      %dma_wait3A_193 = arith.constant 0 : i32
      %dma_wait3A_194 = arith.constant 0 : i32
      %dma_wait3A_195 = tpu.memref_slice %arg13[%dma_wait3A_193, %dma_wait3A_194] : memref<10240x128xf32, #tpu.memory_space<vmem_shared>> -> memref<10240x128xf32, #tpu.memory_space<vmem_shared>>
      tpu.wait_indirect_dma semaphore(%arg14 : memref<!tpu.dma_semaphore, #tpu.memory_space<semaphore_mem>>) src(%arg11 : memref<125x128xf32, #tpu.memory_space<vmem>>) dst(%dma_wait3A_195 : memref<10240x128xf32, #tpu.memory_space<vmem_shared>>)
      %add3A_196 = arith.constant 4 : i32
      %add3A_197 = arith.addi %mul3A_99, %add3A_196 : i32
      %dma_wait3A_198 = arith.constant 0 : i32
      %dma_wait3A_199 = tpu.memref_slice %arg10[%add3A_197, %dma_wait3A_198] : memref<40x125xi32, #tpu.memory_space<vmem>> -> memref<1x125xi32, #tpu.memory_space<vmem>>
      %dma_wait3A_200 = tpu.memref_squeeze %dma_wait3A_199 : memref<1x125xi32, #tpu.memory_space<vmem>> -> memref<125xi32, #tpu.memory_space<vmem>>
      %dma_wait3A_201 = arith.constant 0 : i32
      %dma_wait3A_202 = arith.constant 0 : i32
      %dma_wait3A_203 = tpu.memref_slice %arg13[%dma_wait3A_201, %dma_wait3A_202] : memref<10240x128xf32, #tpu.memory_space<vmem_shared>> -> memref<10240x128xf32, #tpu.memory_space<vmem_shared>>
      tpu.wait_indirect_dma semaphore(%arg14 : memref<!tpu.dma_semaphore, #tpu.memory_space<semaphore_mem>>) src(%arg11 : memref<125x128xf32, #tpu.memory_space<vmem>>) dst(%dma_wait3A_203 : memref<10240x128xf32, #tpu.memory_space<vmem_shared>>)
      %add3A_204 = arith.constant 5 : i32
      %add3A_205 = arith.addi %mul3A_99, %add3A_204 : i32
      %dma_wait3A_206 = arith.constant 0 : i32
      %dma_wait3A_207 = tpu.memref_slice %arg10[%add3A_205, %dma_wait3A_206] : memref<40x125xi32, #tpu.memory_space<vmem>> -> memref<1x125xi32, #tpu.memory_space<vmem>>
      %dma_wait3A_208 = tpu.memref_squeeze %dma_wait3A_207 : memref<1x125xi32, #tpu.memory_space<vmem>> -> memref<125xi32, #tpu.memory_space<vmem>>
      %dma_wait3A_209 = arith.constant 0 : i32
      %dma_wait3A_210 = arith.constant 0 : i32
      %dma_wait3A_211 = tpu.memref_slice %arg13[%dma_wait3A_209, %dma_wait3A_210] : memref<10240x128xf32, #tpu.memory_space<vmem_shared>> -> memref<10240x128xf32, #tpu.memory_space<vmem_shared>>
      tpu.wait_indirect_dma semaphore(%arg14 : memref<!tpu.dma_semaphore, #tpu.memory_space<semaphore_mem>>) src(%arg11 : memref<125x128xf32, #tpu.memory_space<vmem>>) dst(%dma_wait3A_211 : memref<10240x128xf32, #tpu.memory_space<vmem_shared>>)
      %add3A_212 = arith.constant 6 : i32
      %add3A_213 = arith.addi %mul3A_99, %add3A_212 : i32
      %dma_wait3A_214 = arith.constant 0 : i32
      %dma_wait3A_215 = tpu.memref_slice %arg10[%add3A_213, %dma_wait3A_214] : memref<40x125xi32, #tpu.memory_space<vmem>> -> memref<1x125xi32, #tpu.memory_space<vmem>>
      %dma_wait3A_216 = tpu.memref_squeeze %dma_wait3A_215 : memref<1x125xi32, #tpu.memory_space<vmem>> -> memref<125xi32, #tpu.memory_space<vmem>>
      %dma_wait3A_217 = arith.constant 0 : i32
      %dma_wait3A_218 = arith.constant 0 : i32
      %dma_wait3A_219 = tpu.memref_slice %arg13[%dma_wait3A_217, %dma_wait3A_218] : memref<10240x128xf32, #tpu.memory_space<vmem_shared>> -> memref<10240x128xf32, #tpu.memory_space<vmem_shared>>
      tpu.wait_indirect_dma semaphore(%arg14 : memref<!tpu.dma_semaphore, #tpu.memory_space<semaphore_mem>>) src(%arg11 : memref<125x128xf32, #tpu.memory_space<vmem>>) dst(%dma_wait3A_219 : memref<10240x128xf32, #tpu.memory_space<vmem_shared>>)
      %add3A_220 = arith.constant 7 : i32
      %add3A_221 = arith.addi %mul3A_99, %add3A_220 : i32
      %dma_wait3A_222 = arith.constant 0 : i32
      %dma_wait3A_223 = tpu.memref_slice %arg10[%add3A_221, %dma_wait3A_222] : memref<40x125xi32, #tpu.memory_space<vmem>> -> memref<1x125xi32, #tpu.memory_space<vmem>>
      %dma_wait3A_224 = tpu.memref_squeeze %dma_wait3A_223 : memref<1x125xi32, #tpu.memory_space<vmem>> -> memref<125xi32, #tpu.memory_space<vmem>>
      %dma_wait3A_225 = arith.constant 0 : i32
      %dma_wait3A_226 = arith.constant 0 : i32
      %dma_wait3A_227 = tpu.memref_slice %arg13[%dma_wait3A_225, %dma_wait3A_226] : memref<10240x128xf32, #tpu.memory_space<vmem_shared>> -> memref<10240x128xf32, #tpu.memory_space<vmem_shared>>
      tpu.wait_indirect_dma semaphore(%arg14 : memref<!tpu.dma_semaphore, #tpu.memory_space<semaphore_mem>>) src(%arg11 : memref<125x128xf32, #tpu.memory_space<vmem>>) dst(%dma_wait3A_227 : memref<10240x128xf32, #tpu.memory_space<vmem_shared>>)
    }
    %scan3A_13 = arith.constant 5 : i32
    %barrier3A_14 = arith.constant 0 : index
    tpu.barrier barrier_id(%barrier3A_14)
    %mul3A_15 = arith.constant 640 : i32
    %mul3A_16 = arith.muli %arg1, %mul3A_15 : i32
    %mul3A_17 = arith.constant 640 : i32
    %mul3A_18 = arith.muli %arg1, %mul3A_17 : i32
    "tpu.region"() ({
      %run_scoped3A_97 = tpu.sem_alloc : memref<!tpu.dma_semaphore, #tpu.memory_space<semaphore_mem>>
      %dma_start3A_98 = arith.constant 0 : i32
      %dma_start3A_99 = tpu.memref_slice %arg8[%arg0, %mul3A_18, %dma_start3A_98] : memref<2x10240x128xf32, #tpu.memory_space<hbm>> -> memref<1x640x128xf32, #tpu.memory_space<hbm>>
      %dma_start3A_100 = tpu.memref_squeeze %dma_start3A_99 : memref<1x640x128xf32, #tpu.memory_space<hbm>> -> memref<640x128xf32, #tpu.memory_space<hbm>>
      %dma_start3A_101 = arith.constant 0 : i32
      %dma_start3A_102 = tpu.memref_slice %arg13[%mul3A_16, %dma_start3A_101] : memref<10240x128xf32, #tpu.memory_space<vmem_shared>> -> memref<640x128xf32, #tpu.memory_space<vmem_shared>>
      tpu.enqueue_dma source(%dma_start3A_102 : memref<640x128xf32, #tpu.memory_space<vmem_shared>>) target(%dma_start3A_100 : memref<640x128xf32, #tpu.memory_space<hbm>>) target_semaphore(%run_scoped3A_97 : memref<!tpu.dma_semaphore, #tpu.memory_space<semaphore_mem>>)
      %dma_wait3A_103 = arith.constant 0 : i32
      %dma_wait3A_104 = tpu.memref_slice %arg8[%arg0, %mul3A_18, %dma_wait3A_103] : memref<2x10240x128xf32, #tpu.memory_space<hbm>> -> memref<1x640x128xf32, #tpu.memory_space<hbm>>
      %dma_wait3A_105 = tpu.memref_squeeze %dma_wait3A_104 : memref<1x640x128xf32, #tpu.memory_space<hbm>> -> memref<640x128xf32, #tpu.memory_space<hbm>>
      %dma_wait3A_106 = arith.constant 0 : i32
      %dma_wait3A_107 = tpu.memref_slice %arg13[%mul3A_16, %dma_wait3A_106] : memref<10240x128xf32, #tpu.memory_space<vmem_shared>> -> memref<640x128xf32, #tpu.memory_space<vmem_shared>>
      tpu.wait_dma2 semaphore(%run_scoped3A_97 : memref<!tpu.dma_semaphore, #tpu.memory_space<semaphore_mem>>) src(%dma_wait3A_107 : memref<640x128xf32, #tpu.memory_space<vmem_shared>>) dst(%dma_wait3A_105 : memref<640x128xf32, #tpu.memory_space<hbm>>)
      tpu.yield
    }) : () -> ()
    %barrier3A_19 = arith.constant 0 : index
    tpu.barrier barrier_id(%barrier3A_19)
    %mul3A_20 = arith.constant 640 : i32
    %mul3A_21 = arith.muli %arg1, %mul3A_20 : i32
    "tpu.region"() ({
      %run_scoped3A_97 = tpu.sem_alloc : memref<!tpu.dma_semaphore, #tpu.memory_space<semaphore_mem>>
      %dma_start3A_98 = arith.constant 0 : i32
      %dma_start3A_99 = tpu.memref_slice %arg13[%mul3A_21, %dma_start3A_98] : memref<10240x128xf32, #tpu.memory_space<vmem_shared>> -> memref<640x128xf32, #tpu.memory_space<vmem_shared>>
      tpu.enqueue_dma source(%arg5 : memref<640x128xf32, #tpu.memory_space<hbm>>) target(%dma_start3A_99 : memref<640x128xf32, #tpu.memory_space<vmem_shared>>) target_semaphore(%run_scoped3A_97 : memref<!tpu.dma_semaphore, #tpu.memory_space<semaphore_mem>>)
      %dma_wait3A_100 = arith.constant 0 : i32
      %dma_wait3A_101 = tpu.memref_slice %arg13[%mul3A_21, %dma_wait3A_100] : memref<10240x128xf32, #tpu.memory_space<vmem_shared>> -> memref<640x128xf32, #tpu.memory_space<vmem_shared>>
      tpu.wait_dma2 semaphore(%run_scoped3A_97 : memref<!tpu.dma_semaphore, #tpu.memory_space<semaphore_mem>>) src(%arg5 : memref<640x128xf32, #tpu.memory_space<hbm>>) dst(%dma_wait3A_101 : memref<640x128xf32, #tpu.memory_space<vmem_shared>>)
      tpu.yield
    }) : () -> ()
    %barrier3A_22 = arith.constant 0 : index
    tpu.barrier barrier_id(%barrier3A_22)
    "tpu.region"() ({
      %run_scoped3A_97 = tpu.sem_alloc : memref<!tpu.dma_semaphore, #tpu.memory_space<semaphore_mem>>
      %dma_start3A_98 = arith.constant 0 : i32
      %dma_start3A_99 = arith.constant 0 : i32
      %dma_start3A_100 = tpu.memref_slice %arg3[%add3A, %dma_start3A_98, %dma_start3A_99] : memref<32x80x125xi32, #tpu.memory_space<hbm>> -> memref<1x40x125xi32, #tpu.memory_space<hbm>>
      %dma_start3A_101 = tpu.memref_squeeze %dma_start3A_100 : memref<1x40x125xi32, #tpu.memory_space<hbm>> -> memref<40x125xi32, #tpu.memory_space<hbm>>
      %dma_start3A_102 = arith.constant 0 : i32
      %dma_start3A_103 = arith.constant 0 : i32
      %dma_start3A_104 = tpu.memref_slice %arg3[%add3A, %dma_start3A_102, %dma_start3A_103] : memref<32x80x125xi32, #tpu.memory_space<hbm>> -> memref<1x40x125xi32, #tpu.memory_space<hbm>>
      %dma_start3A_105 = tpu.memref_squeeze %dma_start3A_104 : memref<1x40x125xi32, #tpu.memory_space<hbm>> -> memref<40x125xi32, #tpu.memory_space<hbm>>
      tpu.enqueue_dma source(%dma_start3A_105 : memref<40x125xi32, #tpu.memory_space<hbm>>) target(%arg9 : memref<40x125xi32, #tpu.memory_space<vmem>>) target_semaphore(%run_scoped3A_97 : memref<!tpu.dma_semaphore, #tpu.memory_space<semaphore_mem>>)
      %dma_wait3A_106 = arith.constant 0 : i32
      %dma_wait3A_107 = arith.constant 0 : i32
      %dma_wait3A_108 = tpu.memref_slice %arg3[%add3A, %dma_wait3A_106, %dma_wait3A_107] : memref<32x80x125xi32, #tpu.memory_space<hbm>> -> memref<1x40x125xi32, #tpu.memory_space<hbm>>
      %dma_wait3A_109 = tpu.memref_squeeze %dma_wait3A_108 : memref<1x40x125xi32, #tpu.memory_space<hbm>> -> memref<40x125xi32, #tpu.memory_space<hbm>>
      %dma_wait3A_110 = arith.constant 0 : i32
      %dma_wait3A_111 = arith.constant 0 : i32
      %dma_wait3A_112 = tpu.memref_slice %arg3[%add3A, %dma_wait3A_110, %dma_wait3A_111] : memref<32x80x125xi32, #tpu.memory_space<hbm>> -> memref<1x40x125xi32, #tpu.memory_space<hbm>>
      %dma_wait3A_113 = tpu.memref_squeeze %dma_wait3A_112 : memref<1x40x125xi32, #tpu.memory_space<hbm>> -> memref<40x125xi32, #tpu.memory_space<hbm>>
      tpu.wait_dma2 semaphore(%run_scoped3A_97 : memref<!tpu.dma_semaphore, #tpu.memory_space<semaphore_mem>>) src(%dma_wait3A_113 : memref<40x125xi32, #tpu.memory_space<hbm>>) dst(%arg9 : memref<40x125xi32, #tpu.memory_space<vmem>>)
      tpu.yield
    }) : () -> ()
    "tpu.region"() ({
      %run_scoped3A_97 = tpu.sem_alloc : memref<!tpu.dma_semaphore, #tpu.memory_space<semaphore_mem>>
      %dma_start3A_98 = arith.constant 0 : i32
      %dma_start3A_99 = arith.constant 0 : i32
      %dma_start3A_100 = tpu.memref_slice %arg4[%add3A, %dma_start3A_98, %dma_start3A_99] : memref<32x80x125xi32, #tpu.memory_space<hbm>> -> memref<1x40x125xi32, #tpu.memory_space<hbm>>
      %dma_start3A_101 = tpu.memref_squeeze %dma_start3A_100 : memref<1x40x125xi32, #tpu.memory_space<hbm>> -> memref<40x125xi32, #tpu.memory_space<hbm>>
      %dma_start3A_102 = arith.constant 0 : i32
      %dma_start3A_103 = arith.constant 0 : i32
      %dma_start3A_104 = tpu.memref_slice %arg4[%add3A, %dma_start3A_102, %dma_start3A_103] : memref<32x80x125xi32, #tpu.memory_space<hbm>> -> memref<1x40x125xi32, #tpu.memory_space<hbm>>
      %dma_start3A_105 = tpu.memref_squeeze %dma_start3A_104 : memref<1x40x125xi32, #tpu.memory_space<hbm>> -> memref<40x125xi32, #tpu.memory_space<hbm>>
      tpu.enqueue_dma source(%dma_start3A_105 : memref<40x125xi32, #tpu.memory_space<hbm>>) target(%arg10 : memref<40x125xi32, #tpu.memory_space<vmem>>) target_semaphore(%run_scoped3A_97 : memref<!tpu.dma_semaphore, #tpu.memory_space<semaphore_mem>>)
      %dma_wait3A_106 = arith.constant 0 : i32
      %dma_wait3A_107 = arith.constant 0 : i32
      %dma_wait3A_108 = tpu.memref_slice %arg4[%add3A, %dma_wait3A_106, %dma_wait3A_107] : memref<32x80x125xi32, #tpu.memory_space<hbm>> -> memref<1x40x125xi32, #tpu.memory_space<hbm>>
      %dma_wait3A_109 = tpu.memref_squeeze %dma_wait3A_108 : memref<1x40x125xi32, #tpu.memory_space<hbm>> -> memref<40x125xi32, #tpu.memory_space<hbm>>
      %dma_wait3A_110 = arith.constant 0 : i32
      %dma_wait3A_111 = arith.constant 0 : i32
      %dma_wait3A_112 = tpu.memref_slice %arg4[%add3A, %dma_wait3A_110, %dma_wait3A_111] : memref<32x80x125xi32, #tpu.memory_space<hbm>> -> memref<1x40x125xi32, #tpu.memory_space<hbm>>
      %dma_wait3A_113 = tpu.memref_squeeze %dma_wait3A_112 : memref<1x40x125xi32, #tpu.memory_space<hbm>> -> memref<40x125xi32, #tpu.memory_space<hbm>>
      tpu.wait_dma2 semaphore(%run_scoped3A_97 : memref<!tpu.dma_semaphore, #tpu.memory_space<semaphore_mem>>) src(%dma_wait3A_113 : memref<40x125xi32, #tpu.memory_space<hbm>>) dst(%arg10 : memref<40x125xi32, #tpu.memory_space<vmem>>)
      tpu.yield
    }) : () -> ()
    %dma_start3A = arith.constant 0 : i32
    %dma_start3A_23 = arith.constant 0 : i32
    %dma_start3A_24 = tpu.memref_slice %arg9[%dma_start3A, %dma_start3A_23] : memref<40x125xi32, #tpu.memory_space<vmem>> -> memref<1x125xi32, #tpu.memory_space<vmem>>
    %dma_start3A_25 = tpu.memref_squeeze %dma_start3A_24 : memref<1x125xi32, #tpu.memory_space<vmem>> -> memref<125xi32, #tpu.memory_space<vmem>>
    %dma_start3A_26 = arith.constant 0 : i32
    %dma_start3A_27 = arith.constant 0 : i32
    %dma_start3A_28 = tpu.memref_slice %arg2[%dma_start3A_26, %dma_start3A_27] : memref<10000x128xf32, #tpu.memory_space<hbm>> -> memref<10000x128xf32, #tpu.memory_space<hbm>>
    tpu.enqueue_indirect_dma source(%dma_start3A_28 : memref<10000x128xf32, #tpu.memory_space<hbm>>) target(%arg11 : memref<125x128xf32, #tpu.memory_space<vmem>>) offsets(%dma_start3A_25 : memref<125xi32, #tpu.memory_space<vmem>>) semaphore(%arg14 : memref<!tpu.dma_semaphore, #tpu.memory_space<semaphore_mem>>)
    %scan3A_29 = arith.constant 0 : i32
    %scan3A_30 = arith.constant 0 : i32
    %scan3A_31 = arith.constant 19 : i32
    %scan3A_32 = arith.addi %scan3A_30, %scan3A_31 : i32
    %scan3A_33 = arith.constant 1 : i32
    scf.for %scan3A_97 = %scan3A_30 to %scan3A_32 step %scan3A_33  : i32 {
      %mul3A_98 = arith.constant 2 : i32
      %mul3A_99 = arith.muli %mul3A_98, %scan3A_97 : i32
      %add3A_100 = arith.constant 1 : i32
      %add3A_101 = arith.addi %mul3A_99, %add3A_100 : i32
      %dma_start3A_102 = arith.constant 0 : i32
      %dma_start3A_103 = tpu.memref_slice %arg9[%add3A_101, %dma_start3A_102] : memref<40x125xi32, #tpu.memory_space<vmem>> -> memref<1x125xi32, #tpu.memory_space<vmem>>
      %dma_start3A_104 = tpu.memref_squeeze %dma_start3A_103 : memref<1x125xi32, #tpu.memory_space<vmem>> -> memref<125xi32, #tpu.memory_space<vmem>>
      %dma_start3A_105 = arith.constant 0 : i32
      %dma_start3A_106 = arith.constant 0 : i32
      %dma_start3A_107 = tpu.memref_slice %arg2[%dma_start3A_105, %dma_start3A_106] : memref<10000x128xf32, #tpu.memory_space<hbm>> -> memref<10000x128xf32, #tpu.memory_space<hbm>>
      tpu.enqueue_indirect_dma source(%dma_start3A_107 : memref<10000x128xf32, #tpu.memory_space<hbm>>) target(%arg12 : memref<125x128xf32, #tpu.memory_space<vmem>>) offsets(%dma_start3A_104 : memref<125xi32, #tpu.memory_space<vmem>>) semaphore(%arg15 : memref<!tpu.dma_semaphore, #tpu.memory_space<semaphore_mem>>)
      %dma_wait3A_108 = arith.constant 0 : i32
      %dma_wait3A_109 = tpu.memref_slice %arg9[%mul3A_99, %dma_wait3A_108] : memref<40x125xi32, #tpu.memory_space<vmem>> -> memref<1x125xi32, #tpu.memory_space<vmem>>
      %dma_wait3A_110 = tpu.memref_squeeze %dma_wait3A_109 : memref<1x125xi32, #tpu.memory_space<vmem>> -> memref<125xi32, #tpu.memory_space<vmem>>
      %dma_wait3A_111 = arith.constant 0 : i32
      %dma_wait3A_112 = arith.constant 0 : i32
      %dma_wait3A_113 = tpu.memref_slice %arg2[%dma_wait3A_111, %dma_wait3A_112] : memref<10000x128xf32, #tpu.memory_space<hbm>> -> memref<10000x128xf32, #tpu.memory_space<hbm>>
      tpu.wait_indirect_dma semaphore(%arg14 : memref<!tpu.dma_semaphore, #tpu.memory_space<semaphore_mem>>) src(%dma_wait3A_113 : memref<10000x128xf32, #tpu.memory_space<hbm>>) dst(%arg11 : memref<125x128xf32, #tpu.memory_space<vmem>>)
      "tpu.region"() ({
        %run_scoped3A_132 = tpu.sem_alloc : memref<!tpu.dma_semaphore, #tpu.memory_space<semaphore_mem>>
        %dma_start3A_133 = arith.constant 0 : i32
        %dma_start3A_134 = tpu.memref_slice %arg10[%mul3A_99, %dma_start3A_133] : memref<40x125xi32, #tpu.memory_space<vmem>> -> memref<1x125xi32, #tpu.memory_space<vmem>>
        %dma_start3A_135 = tpu.memref_squeeze %dma_start3A_134 : memref<1x125xi32, #tpu.memory_space<vmem>> -> memref<125xi32, #tpu.memory_space<vmem>>
        %dma_start3A_136 = arith.constant 0 : i32
        %dma_start3A_137 = arith.constant 0 : i32
        %dma_start3A_138 = tpu.memref_slice %arg13[%dma_start3A_136, %dma_start3A_137] : memref<10240x128xf32, #tpu.memory_space<vmem_shared>> -> memref<10240x128xf32, #tpu.memory_space<vmem_shared>>
        tpu.enqueue_indirect_dma source(%arg11 : memref<125x128xf32, #tpu.memory_space<vmem>>) target(%dma_start3A_138 : memref<10240x128xf32, #tpu.memory_space<vmem_shared>>) offsets(%dma_start3A_135 : memref<125xi32, #tpu.memory_space<vmem>>) semaphore(%run_scoped3A_132 : memref<!tpu.dma_semaphore, #tpu.memory_space<semaphore_mem>>) {add = true}
        %dma_wait3A_139 = arith.constant 0 : i32
        %dma_wait3A_140 = tpu.memref_slice %arg10[%mul3A_99, %dma_wait3A_139] : memref<40x125xi32, #tpu.memory_space<vmem>> -> memref<1x125xi32, #tpu.memory_space<vmem>>
        %dma_wait3A_141 = tpu.memref_squeeze %dma_wait3A_140 : memref<1x125xi32, #tpu.memory_space<vmem>> -> memref<125xi32, #tpu.memory_space<vmem>>
        %dma_wait3A_142 = arith.constant 0 : i32
        %dma_wait3A_143 = arith.constant 0 : i32
        %dma_wait3A_144 = tpu.memref_slice %arg13[%dma_wait3A_142, %dma_wait3A_143] : memref<10240x128xf32, #tpu.memory_space<vmem_shared>> -> memref<10240x128xf32, #tpu.memory_space<vmem_shared>>
        tpu.wait_indirect_dma semaphore(%run_scoped3A_132 : memref<!tpu.dma_semaphore, #tpu.memory_space<semaphore_mem>>) src(%arg11 : memref<125x128xf32, #tpu.memory_space<vmem>>) dst(%dma_wait3A_144 : memref<10240x128xf32, #tpu.memory_space<vmem_shared>>)
        tpu.yield
      }) : () -> ()
      %add3A_114 = arith.constant 2 : i32
      %add3A_115 = arith.addi %mul3A_99, %add3A_114 : i32
      %dma_start3A_116 = arith.constant 0 : i32
      %dma_start3A_117 = tpu.memref_slice %arg9[%add3A_115, %dma_start3A_116] : memref<40x125xi32, #tpu.memory_space<vmem>> -> memref<1x125xi32, #tpu.memory_space<vmem>>
      %dma_start3A_118 = tpu.memref_squeeze %dma_start3A_117 : memref<1x125xi32, #tpu.memory_space<vmem>> -> memref<125xi32, #tpu.memory_space<vmem>>
      %dma_start3A_119 = arith.constant 0 : i32
      %dma_start3A_120 = arith.constant 0 : i32
      %dma_start3A_121 = tpu.memref_slice %arg2[%dma_start3A_119, %dma_start3A_120] : memref<10000x128xf32, #tpu.memory_space<hbm>> -> memref<10000x128xf32, #tpu.memory_space<hbm>>
      tpu.enqueue_indirect_dma source(%dma_start3A_121 : memref<10000x128xf32, #tpu.memory_space<hbm>>) target(%arg11 : memref<125x128xf32, #tpu.memory_space<vmem>>) offsets(%dma_start3A_118 : memref<125xi32, #tpu.memory_space<vmem>>) semaphore(%arg14 : memref<!tpu.dma_semaphore, #tpu.memory_space<semaphore_mem>>)
      %add3A_122 = arith.constant 1 : i32
      %add3A_123 = arith.addi %mul3A_99, %add3A_122 : i32
      %dma_wait3A_124 = arith.constant 0 : i32
      %dma_wait3A_125 = tpu.memref_slice %arg9[%add3A_123, %dma_wait3A_124] : memref<40x125xi32, #tpu.memory_space<vmem>> -> memref<1x125xi32, #tpu.memory_space<vmem>>
      %dma_wait3A_126 = tpu.memref_squeeze %dma_wait3A_125 : memref<1x125xi32, #tpu.memory_space<vmem>> -> memref<125xi32, #tpu.memory_space<vmem>>
      %dma_wait3A_127 = arith.constant 0 : i32
      %dma_wait3A_128 = arith.constant 0 : i32
      %dma_wait3A_129 = tpu.memref_slice %arg2[%dma_wait3A_127, %dma_wait3A_128] : memref<10000x128xf32, #tpu.memory_space<hbm>> -> memref<10000x128xf32, #tpu.memory_space<hbm>>
      tpu.wait_indirect_dma semaphore(%arg15 : memref<!tpu.dma_semaphore, #tpu.memory_space<semaphore_mem>>) src(%dma_wait3A_129 : memref<10000x128xf32, #tpu.memory_space<hbm>>) dst(%arg12 : memref<125x128xf32, #tpu.memory_space<vmem>>)
      %add3A_130 = arith.constant 1 : i32
      %add3A_131 = arith.addi %mul3A_99, %add3A_130 : i32
      "tpu.region"() ({
        %run_scoped3A_132 = tpu.sem_alloc : memref<!tpu.dma_semaphore, #tpu.memory_space<semaphore_mem>>
        %dma_start3A_133 = arith.constant 0 : i32
        %dma_start3A_134 = tpu.memref_slice %arg10[%add3A_131, %dma_start3A_133] : memref<40x125xi32, #tpu.memory_space<vmem>> -> memref<1x125xi32, #tpu.memory_space<vmem>>
        %dma_start3A_135 = tpu.memref_squeeze %dma_start3A_134 : memref<1x125xi32, #tpu.memory_space<vmem>> -> memref<125xi32, #tpu.memory_space<vmem>>
        %dma_start3A_136 = arith.constant 0 : i32
        %dma_start3A_137 = arith.constant 0 : i32
        %dma_start3A_138 = tpu.memref_slice %arg13[%dma_start3A_136, %dma_start3A_137] : memref<10240x128xf32, #tpu.memory_space<vmem_shared>> -> memref<10240x128xf32, #tpu.memory_space<vmem_shared>>
        tpu.enqueue_indirect_dma source(%arg12 : memref<125x128xf32, #tpu.memory_space<vmem>>) target(%dma_start3A_138 : memref<10240x128xf32, #tpu.memory_space<vmem_shared>>) offsets(%dma_start3A_135 : memref<125xi32, #tpu.memory_space<vmem>>) semaphore(%run_scoped3A_132 : memref<!tpu.dma_semaphore, #tpu.memory_space<semaphore_mem>>) {add = true}
        %dma_wait3A_139 = arith.constant 0 : i32
        %dma_wait3A_140 = tpu.memref_slice %arg10[%add3A_131, %dma_wait3A_139] : memref<40x125xi32, #tpu.memory_space<vmem>> -> memref<1x125xi32, #tpu.memory_space<vmem>>
        %dma_wait3A_141 = tpu.memref_squeeze %dma_wait3A_140 : memref<1x125xi32, #tpu.memory_space<vmem>> -> memref<125xi32, #tpu.memory_space<vmem>>
        %dma_wait3A_142 = arith.constant 0 : i32
        %dma_wait3A_143 = arith.constant 0 : i32
        %dma_wait3A_144 = tpu.memref_slice %arg13[%dma_wait3A_142, %dma_wait3A_143] : memref<10240x128xf32, #tpu.memory_space<vmem_shared>> -> memref<10240x128xf32, #tpu.memory_space<vmem_shared>>
        tpu.wait_indirect_dma semaphore(%run_scoped3A_132 : memref<!tpu.dma_semaphore, #tpu.memory_space<semaphore_mem>>) src(%arg12 : memref<125x128xf32, #tpu.memory_space<vmem>>) dst(%dma_wait3A_144 : memref<10240x128xf32, #tpu.memory_space<vmem_shared>>)
        tpu.yield
      }) : () -> ()
    }
    %scan3A_34 = arith.constant 19 : i32
    %dma_start3A_35 = arith.constant 39 : i32
    %dma_start3A_36 = arith.constant 0 : i32
    %dma_start3A_37 = tpu.memref_slice %arg9[%dma_start3A_35, %dma_start3A_36] : memref<40x125xi32, #tpu.memory_space<vmem>> -> memref<1x125xi32, #tpu.memory_space<vmem>>
    %dma_start3A_38 = tpu.memref_squeeze %dma_start3A_37 : memref<1x125xi32, #tpu.memory_space<vmem>> -> memref<125xi32, #tpu.memory_space<vmem>>
    %dma_start3A_39 = arith.constant 0 : i32
    %dma_start3A_40 = arith.constant 0 : i32
    %dma_start3A_41 = tpu.memref_slice %arg2[%dma_start3A_39, %dma_start3A_40] : memref<10000x128xf32, #tpu.memory_space<hbm>> -> memref<10000x128xf32, #tpu.memory_space<hbm>>
    tpu.enqueue_indirect_dma source(%dma_start3A_41 : memref<10000x128xf32, #tpu.memory_space<hbm>>) target(%arg12 : memref<125x128xf32, #tpu.memory_space<vmem>>) offsets(%dma_start3A_38 : memref<125xi32, #tpu.memory_space<vmem>>) semaphore(%arg15 : memref<!tpu.dma_semaphore, #tpu.memory_space<semaphore_mem>>)
    %dma_wait3A = arith.constant 38 : i32
    %dma_wait3A_42 = arith.constant 0 : i32
    %dma_wait3A_43 = tpu.memref_slice %arg9[%dma_wait3A, %dma_wait3A_42] : memref<40x125xi32, #tpu.memory_space<vmem>> -> memref<1x125xi32, #tpu.memory_space<vmem>>
    %dma_wait3A_44 = tpu.memref_squeeze %dma_wait3A_43 : memref<1x125xi32, #tpu.memory_space<vmem>> -> memref<125xi32, #tpu.memory_space<vmem>>
    %dma_wait3A_45 = arith.constant 0 : i32
    %dma_wait3A_46 = arith.constant 0 : i32
    %dma_wait3A_47 = tpu.memref_slice %arg2[%dma_wait3A_45, %dma_wait3A_46] : memref<10000x128xf32, #tpu.memory_space<hbm>> -> memref<10000x128xf32, #tpu.memory_space<hbm>>
    tpu.wait_indirect_dma semaphore(%arg14 : memref<!tpu.dma_semaphore, #tpu.memory_space<semaphore_mem>>) src(%dma_wait3A_47 : memref<10000x128xf32, #tpu.memory_space<hbm>>) dst(%arg11 : memref<125x128xf32, #tpu.memory_space<vmem>>)
    %run_scoped3A = arith.constant 38 : i32
    "tpu.region"() ({
      %run_scoped3A_97 = tpu.sem_alloc : memref<!tpu.dma_semaphore, #tpu.memory_space<semaphore_mem>>
      %dma_start3A_98 = arith.constant 0 : i32
      %dma_start3A_99 = tpu.memref_slice %arg10[%run_scoped3A, %dma_start3A_98] : memref<40x125xi32, #tpu.memory_space<vmem>> -> memref<1x125xi32, #tpu.memory_space<vmem>>
      %dma_start3A_100 = tpu.memref_squeeze %dma_start3A_99 : memref<1x125xi32, #tpu.memory_space<vmem>> -> memref<125xi32, #tpu.memory_space<vmem>>
      %dma_start3A_101 = arith.constant 0 : i32
      %dma_start3A_102 = arith.constant 0 : i32
      %dma_start3A_103 = tpu.memref_slice %arg13[%dma_start3A_101, %dma_start3A_102] : memref<10240x128xf32, #tpu.memory_space<vmem_shared>> -> memref<10240x128xf32, #tpu.memory_space<vmem_shared>>
      tpu.enqueue_indirect_dma source(%arg11 : memref<125x128xf32, #tpu.memory_space<vmem>>) target(%dma_start3A_103 : memref<10240x128xf32, #tpu.memory_space<vmem_shared>>) offsets(%dma_start3A_100 : memref<125xi32, #tpu.memory_space<vmem>>) semaphore(%run_scoped3A_97 : memref<!tpu.dma_semaphore, #tpu.memory_space<semaphore_mem>>) {add = true}
      %dma_wait3A_104 = arith.constant 0 : i32
      %dma_wait3A_105 = tpu.memref_slice %arg10[%run_scoped3A, %dma_wait3A_104] : memref<40x125xi32, #tpu.memory_space<vmem>> -> memref<1x125xi32, #tpu.memory_space<vmem>>
      %dma_wait3A_106 = tpu.memref_squeeze %dma_wait3A_105 : memref<1x125xi32, #tpu.memory_space<vmem>> -> memref<125xi32, #tpu.memory_space<vmem>>
      %dma_wait3A_107 = arith.constant 0 : i32
      %dma_wait3A_108 = arith.constant 0 : i32
      %dma_wait3A_109 = tpu.memref_slice %arg13[%dma_wait3A_107, %dma_wait3A_108] : memref<10240x128xf32, #tpu.memory_space<vmem_shared>> -> memref<10240x128xf32, #tpu.memory_space<vmem_shared>>
      tpu.wait_indirect_dma semaphore(%run_scoped3A_97 : memref<!tpu.dma_semaphore, #tpu.memory_space<semaphore_mem>>) src(%arg11 : memref<125x128xf32, #tpu.memory_space<vmem>>) dst(%dma_wait3A_109 : memref<10240x128xf32, #tpu.memory_space<vmem_shared>>)
      tpu.yield
    }) : () -> ()
    %dma_wait3A_48 = arith.constant 39 : i32
    %dma_wait3A_49 = arith.constant 0 : i32
    %dma_wait3A_50 = tpu.memref_slice %arg9[%dma_wait3A_48, %dma_wait3A_49] : memref<40x125xi32, #tpu.memory_space<vmem>> -> memref<1x125xi32, #tpu.memory_space<vmem>>
    %dma_wait3A_51 = tpu.memref_squeeze %dma_wait3A_50 : memref<1x125xi32, #tpu.memory_space<vmem>> -> memref<125xi32, #tpu.memory_space<vmem>>
    %dma_wait3A_52 = arith.constant 0 : i32
    %dma_wait3A_53 = arith.constant 0 : i32
    %dma_wait3A_54 = tpu.memref_slice %arg2[%dma_wait3A_52, %dma_wait3A_53] : memref<10000x128xf32, #tpu.memory_space<hbm>> -> memref<10000x128xf32, #tpu.memory_space<hbm>>
    tpu.wait_indirect_dma semaphore(%arg15 : memref<!tpu.dma_semaphore, #tpu.memory_space<semaphore_mem>>) src(%dma_wait3A_54 : memref<10000x128xf32, #tpu.memory_space<hbm>>) dst(%arg12 : memref<125x128xf32, #tpu.memory_space<vmem>>)
    %run_scoped3A_55 = arith.constant 39 : i32
    "tpu.region"() ({
      %run_scoped3A_97 = tpu.sem_alloc : memref<!tpu.dma_semaphore, #tpu.memory_space<semaphore_mem>>
      %dma_start3A_98 = arith.constant 0 : i32
      %dma_start3A_99 = tpu.memref_slice %arg10[%run_scoped3A_55, %dma_start3A_98] : memref<40x125xi32, #tpu.memory_space<vmem>> -> memref<1x125xi32, #tpu.memory_space<vmem>>
      %dma_start3A_100 = tpu.memref_squeeze %dma_start3A_99 : memref<1x125xi32, #tpu.memory_space<vmem>> -> memref<125xi32, #tpu.memory_space<vmem>>
      %dma_start3A_101 = arith.constant 0 : i32
      %dma_start3A_102 = arith.constant 0 : i32
      %dma_start3A_103 = tpu.memref_slice %arg13[%dma_start3A_101, %dma_start3A_102] : memref<10240x128xf32, #tpu.memory_space<vmem_shared>> -> memref<10240x128xf32, #tpu.memory_space<vmem_shared>>
      tpu.enqueue_indirect_dma source(%arg12 : memref<125x128xf32, #tpu.memory_space<vmem>>) target(%dma_start3A_103 : memref<10240x128xf32, #tpu.memory_space<vmem_shared>>) offsets(%dma_start3A_100 : memref<125xi32, #tpu.memory_space<vmem>>) semaphore(%run_scoped3A_97 : memref<!tpu.dma_semaphore, #tpu.memory_space<semaphore_mem>>) {add = true}
      %dma_wait3A_104 = arith.constant 0 : i32
      %dma_wait3A_105 = tpu.memref_slice %arg10[%run_scoped3A_55, %dma_wait3A_104] : memref<40x125xi32, #tpu.memory_space<vmem>> -> memref<1x125xi32, #tpu.memory_space<vmem>>
      %dma_wait3A_106 = tpu.memref_squeeze %dma_wait3A_105 : memref<1x125xi32, #tpu.memory_space<vmem>> -> memref<125xi32, #tpu.memory_space<vmem>>
      %dma_wait3A_107 = arith.constant 0 : i32
      %dma_wait3A_108 = arith.constant 0 : i32
      %dma_wait3A_109 = tpu.memref_slice %arg13[%dma_wait3A_107, %dma_wait3A_108] : memref<10240x128xf32, #tpu.memory_space<vmem_shared>> -> memref<10240x128xf32, #tpu.memory_space<vmem_shared>>
      tpu.wait_indirect_dma semaphore(%run_scoped3A_97 : memref<!tpu.dma_semaphore, #tpu.memory_space<semaphore_mem>>) src(%arg12 : memref<125x128xf32, #tpu.memory_space<vmem>>) dst(%dma_wait3A_109 : memref<10240x128xf32, #tpu.memory_space<vmem_shared>>)
      tpu.yield
    }) : () -> ()
    "tpu.region"() ({
      %run_scoped3A_97 = tpu.sem_alloc : memref<!tpu.dma_semaphore, #tpu.memory_space<semaphore_mem>>
      %dma_start3A_98 = arith.constant 40 : i32
      %dma_start3A_99 = arith.constant 0 : i32
      %dma_start3A_100 = tpu.memref_slice %arg3[%add3A, %dma_start3A_98, %dma_start3A_99] : memref<32x80x125xi32, #tpu.memory_space<hbm>> -> memref<1x40x125xi32, #tpu.memory_space<hbm>>
      %dma_start3A_101 = tpu.memref_squeeze %dma_start3A_100 : memref<1x40x125xi32, #tpu.memory_space<hbm>> -> memref<40x125xi32, #tpu.memory_space<hbm>>
      %dma_start3A_102 = arith.constant 40 : i32
      %dma_start3A_103 = arith.constant 0 : i32
      %dma_start3A_104 = tpu.memref_slice %arg3[%add3A, %dma_start3A_102, %dma_start3A_103] : memref<32x80x125xi32, #tpu.memory_space<hbm>> -> memref<1x40x125xi32, #tpu.memory_space<hbm>>
      %dma_start3A_105 = tpu.memref_squeeze %dma_start3A_104 : memref<1x40x125xi32, #tpu.memory_space<hbm>> -> memref<40x125xi32, #tpu.memory_space<hbm>>
      tpu.enqueue_dma source(%dma_start3A_105 : memref<40x125xi32, #tpu.memory_space<hbm>>) target(%arg9 : memref<40x125xi32, #tpu.memory_space<vmem>>) target_semaphore(%run_scoped3A_97 : memref<!tpu.dma_semaphore, #tpu.memory_space<semaphore_mem>>)
      %dma_wait3A_106 = arith.constant 40 : i32
      %dma_wait3A_107 = arith.constant 0 : i32
      %dma_wait3A_108 = tpu.memref_slice %arg3[%add3A, %dma_wait3A_106, %dma_wait3A_107] : memref<32x80x125xi32, #tpu.memory_space<hbm>> -> memref<1x40x125xi32, #tpu.memory_space<hbm>>
      %dma_wait3A_109 = tpu.memref_squeeze %dma_wait3A_108 : memref<1x40x125xi32, #tpu.memory_space<hbm>> -> memref<40x125xi32, #tpu.memory_space<hbm>>
      %dma_wait3A_110 = arith.constant 40 : i32
      %dma_wait3A_111 = arith.constant 0 : i32
      %dma_wait3A_112 = tpu.memref_slice %arg3[%add3A, %dma_wait3A_110, %dma_wait3A_111] : memref<32x80x125xi32, #tpu.memory_space<hbm>> -> memref<1x40x125xi32, #tpu.memory_space<hbm>>
      %dma_wait3A_113 = tpu.memref_squeeze %dma_wait3A_112 : memref<1x40x125xi32, #tpu.memory_space<hbm>> -> memref<40x125xi32, #tpu.memory_space<hbm>>
      tpu.wait_dma2 semaphore(%run_scoped3A_97 : memref<!tpu.dma_semaphore, #tpu.memory_space<semaphore_mem>>) src(%dma_wait3A_113 : memref<40x125xi32, #tpu.memory_space<hbm>>) dst(%arg9 : memref<40x125xi32, #tpu.memory_space<vmem>>)
      tpu.yield
    }) : () -> ()
    "tpu.region"() ({
      %run_scoped3A_97 = tpu.sem_alloc : memref<!tpu.dma_semaphore, #tpu.memory_space<semaphore_mem>>
      %dma_start3A_98 = arith.constant 40 : i32
      %dma_start3A_99 = arith.constant 0 : i32
      %dma_start3A_100 = tpu.memref_slice %arg4[%add3A, %dma_start3A_98, %dma_start3A_99] : memref<32x80x125xi32, #tpu.memory_space<hbm>> -> memref<1x40x125xi32, #tpu.memory_space<hbm>>
      %dma_start3A_101 = tpu.memref_squeeze %dma_start3A_100 : memref<1x40x125xi32, #tpu.memory_space<hbm>> -> memref<40x125xi32, #tpu.memory_space<hbm>>
      %dma_start3A_102 = arith.constant 40 : i32
      %dma_start3A_103 = arith.constant 0 : i32
      %dma_start3A_104 = tpu.memref_slice %arg4[%add3A, %dma_start3A_102, %dma_start3A_103] : memref<32x80x125xi32, #tpu.memory_space<hbm>> -> memref<1x40x125xi32, #tpu.memory_space<hbm>>
      %dma_start3A_105 = tpu.memref_squeeze %dma_start3A_104 : memref<1x40x125xi32, #tpu.memory_space<hbm>> -> memref<40x125xi32, #tpu.memory_space<hbm>>
      tpu.enqueue_dma source(%dma_start3A_105 : memref<40x125xi32, #tpu.memory_space<hbm>>) target(%arg10 : memref<40x125xi32, #tpu.memory_space<vmem>>) target_semaphore(%run_scoped3A_97 : memref<!tpu.dma_semaphore, #tpu.memory_space<semaphore_mem>>)
      %dma_wait3A_106 = arith.constant 40 : i32
      %dma_wait3A_107 = arith.constant 0 : i32
      %dma_wait3A_108 = tpu.memref_slice %arg4[%add3A, %dma_wait3A_106, %dma_wait3A_107] : memref<32x80x125xi32, #tpu.memory_space<hbm>> -> memref<1x40x125xi32, #tpu.memory_space<hbm>>
      %dma_wait3A_109 = tpu.memref_squeeze %dma_wait3A_108 : memref<1x40x125xi32, #tpu.memory_space<hbm>> -> memref<40x125xi32, #tpu.memory_space<hbm>>
      %dma_wait3A_110 = arith.constant 40 : i32
      %dma_wait3A_111 = arith.constant 0 : i32
      %dma_wait3A_112 = tpu.memref_slice %arg4[%add3A, %dma_wait3A_110, %dma_wait3A_111] : memref<32x80x125xi32, #tpu.memory_space<hbm>> -> memref<1x40x125xi32, #tpu.memory_space<hbm>>
      %dma_wait3A_113 = tpu.memref_squeeze %dma_wait3A_112 : memref<1x40x125xi32, #tpu.memory_space<hbm>> -> memref<40x125xi32, #tpu.memory_space<hbm>>
      tpu.wait_dma2 semaphore(%run_scoped3A_97 : memref<!tpu.dma_semaphore, #tpu.memory_space<semaphore_mem>>) src(%dma_wait3A_113 : memref<40x125xi32, #tpu.memory_space<hbm>>) dst(%arg10 : memref<40x125xi32, #tpu.memory_space<vmem>>)
      tpu.yield
    }) : () -> ()
    %dma_start3A_56 = arith.constant 0 : i32
    %dma_start3A_57 = arith.constant 0 : i32
    %dma_start3A_58 = tpu.memref_slice %arg9[%dma_start3A_56, %dma_start3A_57] : memref<40x125xi32, #tpu.memory_space<vmem>> -> memref<1x125xi32, #tpu.memory_space<vmem>>
    %dma_start3A_59 = tpu.memref_squeeze %dma_start3A_58 : memref<1x125xi32, #tpu.memory_space<vmem>> -> memref<125xi32, #tpu.memory_space<vmem>>
    %dma_start3A_60 = arith.constant 0 : i32
    %dma_start3A_61 = arith.constant 0 : i32
    %dma_start3A_62 = tpu.memref_slice %arg2[%dma_start3A_60, %dma_start3A_61] : memref<10000x128xf32, #tpu.memory_space<hbm>> -> memref<10000x128xf32, #tpu.memory_space<hbm>>
    tpu.enqueue_indirect_dma source(%dma_start3A_62 : memref<10000x128xf32, #tpu.memory_space<hbm>>) target(%arg11 : memref<125x128xf32, #tpu.memory_space<vmem>>) offsets(%dma_start3A_59 : memref<125xi32, #tpu.memory_space<vmem>>) semaphore(%arg14 : memref<!tpu.dma_semaphore, #tpu.memory_space<semaphore_mem>>)
    %scan3A_63 = arith.constant 0 : i32
    %scan3A_64 = arith.constant 0 : i32
    %scan3A_65 = arith.constant 19 : i32
    %scan3A_66 = arith.addi %scan3A_64, %scan3A_65 : i32
    %scan3A_67 = arith.constant 1 : i32
    scf.for %scan3A_97 = %scan3A_64 to %scan3A_66 step %scan3A_67  : i32 {
      %mul3A_98 = arith.constant 2 : i32
      %mul3A_99 = arith.muli %mul3A_98, %scan3A_97 : i32
      %add3A_100 = arith.constant 1 : i32
      %add3A_101 = arith.addi %mul3A_99, %add3A_100 : i32
      %dma_start3A_102 = arith.constant 0 : i32
      %dma_start3A_103 = tpu.memref_slice %arg9[%add3A_101, %dma_start3A_102] : memref<40x125xi32, #tpu.memory_space<vmem>> -> memref<1x125xi32, #tpu.memory_space<vmem>>
      %dma_start3A_104 = tpu.memref_squeeze %dma_start3A_103 : memref<1x125xi32, #tpu.memory_space<vmem>> -> memref<125xi32, #tpu.memory_space<vmem>>
      %dma_start3A_105 = arith.constant 0 : i32
      %dma_start3A_106 = arith.constant 0 : i32
      %dma_start3A_107 = tpu.memref_slice %arg2[%dma_start3A_105, %dma_start3A_106] : memref<10000x128xf32, #tpu.memory_space<hbm>> -> memref<10000x128xf32, #tpu.memory_space<hbm>>
      tpu.enqueue_indirect_dma source(%dma_start3A_107 : memref<10000x128xf32, #tpu.memory_space<hbm>>) target(%arg12 : memref<125x128xf32, #tpu.memory_space<vmem>>) offsets(%dma_start3A_104 : memref<125xi32, #tpu.memory_space<vmem>>) semaphore(%arg15 : memref<!tpu.dma_semaphore, #tpu.memory_space<semaphore_mem>>)
      %dma_wait3A_108 = arith.constant 0 : i32
      %dma_wait3A_109 = tpu.memref_slice %arg9[%mul3A_99, %dma_wait3A_108] : memref<40x125xi32, #tpu.memory_space<vmem>> -> memref<1x125xi32, #tpu.memory_space<vmem>>
      %dma_wait3A_110 = tpu.memref_squeeze %dma_wait3A_109 : memref<1x125xi32, #tpu.memory_space<vmem>> -> memref<125xi32, #tpu.memory_space<vmem>>
      %dma_wait3A_111 = arith.constant 0 : i32
      %dma_wait3A_112 = arith.constant 0 : i32
      %dma_wait3A_113 = tpu.memref_slice %arg2[%dma_wait3A_111, %dma_wait3A_112] : memref<10000x128xf32, #tpu.memory_space<hbm>> -> memref<10000x128xf32, #tpu.memory_space<hbm>>
      tpu.wait_indirect_dma semaphore(%arg14 : memref<!tpu.dma_semaphore, #tpu.memory_space<semaphore_mem>>) src(%dma_wait3A_113 : memref<10000x128xf32, #tpu.memory_space<hbm>>) dst(%arg11 : memref<125x128xf32, #tpu.memory_space<vmem>>)
      "tpu.region"() ({
        %run_scoped3A_132 = tpu.sem_alloc : memref<!tpu.dma_semaphore, #tpu.memory_space<semaphore_mem>>
        %dma_start3A_133 = arith.constant 0 : i32
        %dma_start3A_134 = tpu.memref_slice %arg10[%mul3A_99, %dma_start3A_133] : memref<40x125xi32, #tpu.memory_space<vmem>> -> memref<1x125xi32, #tpu.memory_space<vmem>>
        %dma_start3A_135 = tpu.memref_squeeze %dma_start3A_134 : memref<1x125xi32, #tpu.memory_space<vmem>> -> memref<125xi32, #tpu.memory_space<vmem>>
        %dma_start3A_136 = arith.constant 0 : i32
        %dma_start3A_137 = arith.constant 0 : i32
        %dma_start3A_138 = tpu.memref_slice %arg13[%dma_start3A_136, %dma_start3A_137] : memref<10240x128xf32, #tpu.memory_space<vmem_shared>> -> memref<10240x128xf32, #tpu.memory_space<vmem_shared>>
        tpu.enqueue_indirect_dma source(%arg11 : memref<125x128xf32, #tpu.memory_space<vmem>>) target(%dma_start3A_138 : memref<10240x128xf32, #tpu.memory_space<vmem_shared>>) offsets(%dma_start3A_135 : memref<125xi32, #tpu.memory_space<vmem>>) semaphore(%run_scoped3A_132 : memref<!tpu.dma_semaphore, #tpu.memory_space<semaphore_mem>>) {add = true}
        %dma_wait3A_139 = arith.constant 0 : i32
        %dma_wait3A_140 = tpu.memref_slice %arg10[%mul3A_99, %dma_wait3A_139] : memref<40x125xi32, #tpu.memory_space<vmem>> -> memref<1x125xi32, #tpu.memory_space<vmem>>
        %dma_wait3A_141 = tpu.memref_squeeze %dma_wait3A_140 : memref<1x125xi32, #tpu.memory_space<vmem>> -> memref<125xi32, #tpu.memory_space<vmem>>
        %dma_wait3A_142 = arith.constant 0 : i32
        %dma_wait3A_143 = arith.constant 0 : i32
        %dma_wait3A_144 = tpu.memref_slice %arg13[%dma_wait3A_142, %dma_wait3A_143] : memref<10240x128xf32, #tpu.memory_space<vmem_shared>> -> memref<10240x128xf32, #tpu.memory_space<vmem_shared>>
        tpu.wait_indirect_dma semaphore(%run_scoped3A_132 : memref<!tpu.dma_semaphore, #tpu.memory_space<semaphore_mem>>) src(%arg11 : memref<125x128xf32, #tpu.memory_space<vmem>>) dst(%dma_wait3A_144 : memref<10240x128xf32, #tpu.memory_space<vmem_shared>>)
        tpu.yield
      }) : () -> ()
      %add3A_114 = arith.constant 2 : i32
      %add3A_115 = arith.addi %mul3A_99, %add3A_114 : i32
      %dma_start3A_116 = arith.constant 0 : i32
      %dma_start3A_117 = tpu.memref_slice %arg9[%add3A_115, %dma_start3A_116] : memref<40x125xi32, #tpu.memory_space<vmem>> -> memref<1x125xi32, #tpu.memory_space<vmem>>
      %dma_start3A_118 = tpu.memref_squeeze %dma_start3A_117 : memref<1x125xi32, #tpu.memory_space<vmem>> -> memref<125xi32, #tpu.memory_space<vmem>>
      %dma_start3A_119 = arith.constant 0 : i32
      %dma_start3A_120 = arith.constant 0 : i32
      %dma_start3A_121 = tpu.memref_slice %arg2[%dma_start3A_119, %dma_start3A_120] : memref<10000x128xf32, #tpu.memory_space<hbm>> -> memref<10000x128xf32, #tpu.memory_space<hbm>>
      tpu.enqueue_indirect_dma source(%dma_start3A_121 : memref<10000x128xf32, #tpu.memory_space<hbm>>) target(%arg11 : memref<125x128xf32, #tpu.memory_space<vmem>>) offsets(%dma_start3A_118 : memref<125xi32, #tpu.memory_space<vmem>>) semaphore(%arg14 : memref<!tpu.dma_semaphore, #tpu.memory_space<semaphore_mem>>)
      %add3A_122 = arith.constant 1 : i32
      %add3A_123 = arith.addi %mul3A_99, %add3A_122 : i32
      %dma_wait3A_124 = arith.constant 0 : i32
      %dma_wait3A_125 = tpu.memref_slice %arg9[%add3A_123, %dma_wait3A_124] : memref<40x125xi32, #tpu.memory_space<vmem>> -> memref<1x125xi32, #tpu.memory_space<vmem>>
      %dma_wait3A_126 = tpu.memref_squeeze %dma_wait3A_125 : memref<1x125xi32, #tpu.memory_space<vmem>> -> memref<125xi32, #tpu.memory_space<vmem>>
      %dma_wait3A_127 = arith.constant 0 : i32
      %dma_wait3A_128 = arith.constant 0 : i32
      %dma_wait3A_129 = tpu.memref_slice %arg2[%dma_wait3A_127, %dma_wait3A_128] : memref<10000x128xf32, #tpu.memory_space<hbm>> -> memref<10000x128xf32, #tpu.memory_space<hbm>>
      tpu.wait_indirect_dma semaphore(%arg15 : memref<!tpu.dma_semaphore, #tpu.memory_space<semaphore_mem>>) src(%dma_wait3A_129 : memref<10000x128xf32, #tpu.memory_space<hbm>>) dst(%arg12 : memref<125x128xf32, #tpu.memory_space<vmem>>)
      %add3A_130 = arith.constant 1 : i32
      %add3A_131 = arith.addi %mul3A_99, %add3A_130 : i32
      "tpu.region"() ({
        %run_scoped3A_132 = tpu.sem_alloc : memref<!tpu.dma_semaphore, #tpu.memory_space<semaphore_mem>>
        %dma_start3A_133 = arith.constant 0 : i32
        %dma_start3A_134 = tpu.memref_slice %arg10[%add3A_131, %dma_start3A_133] : memref<40x125xi32, #tpu.memory_space<vmem>> -> memref<1x125xi32, #tpu.memory_space<vmem>>
        %dma_start3A_135 = tpu.memref_squeeze %dma_start3A_134 : memref<1x125xi32, #tpu.memory_space<vmem>> -> memref<125xi32, #tpu.memory_space<vmem>>
        %dma_start3A_136 = arith.constant 0 : i32
        %dma_start3A_137 = arith.constant 0 : i32
        %dma_start3A_138 = tpu.memref_slice %arg13[%dma_start3A_136, %dma_start3A_137] : memref<10240x128xf32, #tpu.memory_space<vmem_shared>> -> memref<10240x128xf32, #tpu.memory_space<vmem_shared>>
        tpu.enqueue_indirect_dma source(%arg12 : memref<125x128xf32, #tpu.memory_space<vmem>>) target(%dma_start3A_138 : memref<10240x128xf32, #tpu.memory_space<vmem_shared>>) offsets(%dma_start3A_135 : memref<125xi32, #tpu.memory_space<vmem>>) semaphore(%run_scoped3A_132 : memref<!tpu.dma_semaphore, #tpu.memory_space<semaphore_mem>>) {add = true}
        %dma_wait3A_139 = arith.constant 0 : i32
        %dma_wait3A_140 = tpu.memref_slice %arg10[%add3A_131, %dma_wait3A_139] : memref<40x125xi32, #tpu.memory_space<vmem>> -> memref<1x125xi32, #tpu.memory_space<vmem>>
        %dma_wait3A_141 = tpu.memref_squeeze %dma_wait3A_140 : memref<1x125xi32, #tpu.memory_space<vmem>> -> memref<125xi32, #tpu.memory_space<vmem>>
        %dma_wait3A_142 = arith.constant 0 : i32
        %dma_wait3A_143 = arith.constant 0 : i32
        %dma_wait3A_144 = tpu.memref_slice %arg13[%dma_wait3A_142, %dma_wait3A_143] : memref<10240x128xf32, #tpu.memory_space<vmem_shared>> -> memref<10240x128xf32, #tpu.memory_space<vmem_shared>>
        tpu.wait_indirect_dma semaphore(%run_scoped3A_132 : memref<!tpu.dma_semaphore, #tpu.memory_space<semaphore_mem>>) src(%arg12 : memref<125x128xf32, #tpu.memory_space<vmem>>) dst(%dma_wait3A_144 : memref<10240x128xf32, #tpu.memory_space<vmem_shared>>)
        tpu.yield
      }) : () -> ()
    }
    %scan3A_68 = arith.constant 19 : i32
    %dma_start3A_69 = arith.constant 39 : i32
    %dma_start3A_70 = arith.constant 0 : i32
    %dma_start3A_71 = tpu.memref_slice %arg9[%dma_start3A_69, %dma_start3A_70] : memref<40x125xi32, #tpu.memory_space<vmem>> -> memref<1x125xi32, #tpu.memory_space<vmem>>
    %dma_start3A_72 = tpu.memref_squeeze %dma_start3A_71 : memref<1x125xi32, #tpu.memory_space<vmem>> -> memref<125xi32, #tpu.memory_space<vmem>>
    %dma_start3A_73 = arith.constant 0 : i32
    %dma_start3A_74 = arith.constant 0 : i32
    %dma_start3A_75 = tpu.memref_slice %arg2[%dma_start3A_73, %dma_start3A_74] : memref<10000x128xf32, #tpu.memory_space<hbm>> -> memref<10000x128xf32, #tpu.memory_space<hbm>>
    tpu.enqueue_indirect_dma source(%dma_start3A_75 : memref<10000x128xf32, #tpu.memory_space<hbm>>) target(%arg12 : memref<125x128xf32, #tpu.memory_space<vmem>>) offsets(%dma_start3A_72 : memref<125xi32, #tpu.memory_space<vmem>>) semaphore(%arg15 : memref<!tpu.dma_semaphore, #tpu.memory_space<semaphore_mem>>)
    %dma_wait3A_76 = arith.constant 38 : i32
    %dma_wait3A_77 = arith.constant 0 : i32
    %dma_wait3A_78 = tpu.memref_slice %arg9[%dma_wait3A_76, %dma_wait3A_77] : memref<40x125xi32, #tpu.memory_space<vmem>> -> memref<1x125xi32, #tpu.memory_space<vmem>>
    %dma_wait3A_79 = tpu.memref_squeeze %dma_wait3A_78 : memref<1x125xi32, #tpu.memory_space<vmem>> -> memref<125xi32, #tpu.memory_space<vmem>>
    %dma_wait3A_80 = arith.constant 0 : i32
    %dma_wait3A_81 = arith.constant 0 : i32
    %dma_wait3A_82 = tpu.memref_slice %arg2[%dma_wait3A_80, %dma_wait3A_81] : memref<10000x128xf32, #tpu.memory_space<hbm>> -> memref<10000x128xf32, #tpu.memory_space<hbm>>
    tpu.wait_indirect_dma semaphore(%arg14 : memref<!tpu.dma_semaphore, #tpu.memory_space<semaphore_mem>>) src(%dma_wait3A_82 : memref<10000x128xf32, #tpu.memory_space<hbm>>) dst(%arg11 : memref<125x128xf32, #tpu.memory_space<vmem>>)
    %run_scoped3A_83 = arith.constant 38 : i32
    "tpu.region"() ({
      %run_scoped3A_97 = tpu.sem_alloc : memref<!tpu.dma_semaphore, #tpu.memory_space<semaphore_mem>>
      %dma_start3A_98 = arith.constant 0 : i32
      %dma_start3A_99 = tpu.memref_slice %arg10[%run_scoped3A_83, %dma_start3A_98] : memref<40x125xi32, #tpu.memory_space<vmem>> -> memref<1x125xi32, #tpu.memory_space<vmem>>
      %dma_start3A_100 = tpu.memref_squeeze %dma_start3A_99 : memref<1x125xi32, #tpu.memory_space<vmem>> -> memref<125xi32, #tpu.memory_space<vmem>>
      %dma_start3A_101 = arith.constant 0 : i32
      %dma_start3A_102 = arith.constant 0 : i32
      %dma_start3A_103 = tpu.memref_slice %arg13[%dma_start3A_101, %dma_start3A_102] : memref<10240x128xf32, #tpu.memory_space<vmem_shared>> -> memref<10240x128xf32, #tpu.memory_space<vmem_shared>>
      tpu.enqueue_indirect_dma source(%arg11 : memref<125x128xf32, #tpu.memory_space<vmem>>) target(%dma_start3A_103 : memref<10240x128xf32, #tpu.memory_space<vmem_shared>>) offsets(%dma_start3A_100 : memref<125xi32, #tpu.memory_space<vmem>>) semaphore(%run_scoped3A_97 : memref<!tpu.dma_semaphore, #tpu.memory_space<semaphore_mem>>) {add = true}
      %dma_wait3A_104 = arith.constant 0 : i32
      %dma_wait3A_105 = tpu.memref_slice %arg10[%run_scoped3A_83, %dma_wait3A_104] : memref<40x125xi32, #tpu.memory_space<vmem>> -> memref<1x125xi32, #tpu.memory_space<vmem>>
      %dma_wait3A_106 = tpu.memref_squeeze %dma_wait3A_105 : memref<1x125xi32, #tpu.memory_space<vmem>> -> memref<125xi32, #tpu.memory_space<vmem>>
      %dma_wait3A_107 = arith.constant 0 : i32
      %dma_wait3A_108 = arith.constant 0 : i32
      %dma_wait3A_109 = tpu.memref_slice %arg13[%dma_wait3A_107, %dma_wait3A_108] : memref<10240x128xf32, #tpu.memory_space<vmem_shared>> -> memref<10240x128xf32, #tpu.memory_space<vmem_shared>>
      tpu.wait_indirect_dma semaphore(%run_scoped3A_97 : memref<!tpu.dma_semaphore, #tpu.memory_space<semaphore_mem>>) src(%arg11 : memref<125x128xf32, #tpu.memory_space<vmem>>) dst(%dma_wait3A_109 : memref<10240x128xf32, #tpu.memory_space<vmem_shared>>)
      tpu.yield
    }) : () -> ()
    %dma_wait3A_84 = arith.constant 39 : i32
    %dma_wait3A_85 = arith.constant 0 : i32
    %dma_wait3A_86 = tpu.memref_slice %arg9[%dma_wait3A_84, %dma_wait3A_85] : memref<40x125xi32, #tpu.memory_space<vmem>> -> memref<1x125xi32, #tpu.memory_space<vmem>>
    %dma_wait3A_87 = tpu.memref_squeeze %dma_wait3A_86 : memref<1x125xi32, #tpu.memory_space<vmem>> -> memref<125xi32, #tpu.memory_space<vmem>>
    %dma_wait3A_88 = arith.constant 0 : i32
    %dma_wait3A_89 = arith.constant 0 : i32
    %dma_wait3A_90 = tpu.memref_slice %arg2[%dma_wait3A_88, %dma_wait3A_89] : memref<10000x128xf32, #tpu.memory_space<hbm>> -> memref<10000x128xf32, #tpu.memory_space<hbm>>
    tpu.wait_indirect_dma semaphore(%arg15 : memref<!tpu.dma_semaphore, #tpu.memory_space<semaphore_mem>>) src(%dma_wait3A_90 : memref<10000x128xf32, #tpu.memory_space<hbm>>) dst(%arg12 : memref<125x128xf32, #tpu.memory_space<vmem>>)
    %run_scoped3A_91 = arith.constant 39 : i32
    "tpu.region"() ({
      %run_scoped3A_97 = tpu.sem_alloc : memref<!tpu.dma_semaphore, #tpu.memory_space<semaphore_mem>>
      %dma_start3A_98 = arith.constant 0 : i32
      %dma_start3A_99 = tpu.memref_slice %arg10[%run_scoped3A_91, %dma_start3A_98] : memref<40x125xi32, #tpu.memory_space<vmem>> -> memref<1x125xi32, #tpu.memory_space<vmem>>
      %dma_start3A_100 = tpu.memref_squeeze %dma_start3A_99 : memref<1x125xi32, #tpu.memory_space<vmem>> -> memref<125xi32, #tpu.memory_space<vmem>>
      %dma_start3A_101 = arith.constant 0 : i32
      %dma_start3A_102 = arith.constant 0 : i32
      %dma_start3A_103 = tpu.memref_slice %arg13[%dma_start3A_101, %dma_start3A_102] : memref<10240x128xf32, #tpu.memory_space<vmem_shared>> -> memref<10240x128xf32, #tpu.memory_space<vmem_shared>>
      tpu.enqueue_indirect_dma source(%arg12 : memref<125x128xf32, #tpu.memory_space<vmem>>) target(%dma_start3A_103 : memref<10240x128xf32, #tpu.memory_space<vmem_shared>>) offsets(%dma_start3A_100 : memref<125xi32, #tpu.memory_space<vmem>>) semaphore(%run_scoped3A_97 : memref<!tpu.dma_semaphore, #tpu.memory_space<semaphore_mem>>) {add = true}
      %dma_wait3A_104 = arith.constant 0 : i32
      %dma_wait3A_105 = tpu.memref_slice %arg10[%run_scoped3A_91, %dma_wait3A_104] : memref<40x125xi32, #tpu.memory_space<vmem>> -> memref<1x125xi32, #tpu.memory_space<vmem>>
      %dma_wait3A_106 = tpu.memref_squeeze %dma_wait3A_105 : memref<1x125xi32, #tpu.memory_space<vmem>> -> memref<125xi32, #tpu.memory_space<vmem>>
      %dma_wait3A_107 = arith.constant 0 : i32
      %dma_wait3A_108 = arith.constant 0 : i32
      %dma_wait3A_109 = tpu.memref_slice %arg13[%dma_wait3A_107, %dma_wait3A_108] : memref<10240x128xf32, #tpu.memory_space<vmem_shared>> -> memref<10240x128xf32, #tpu.memory_space<vmem_shared>>
      tpu.wait_indirect_dma semaphore(%run_scoped3A_97 : memref<!tpu.dma_semaphore, #tpu.memory_space<semaphore_mem>>) src(%arg12 : memref<125x128xf32, #tpu.memory_space<vmem>>) dst(%dma_wait3A_109 : memref<10240x128xf32, #tpu.memory_space<vmem_shared>>)
      tpu.yield
    }) : () -> ()
    %barrier3A_92 = arith.constant 0 : index
    tpu.barrier barrier_id(%barrier3A_92)
    %mul3A_93 = arith.constant 640 : i32
    %mul3A_94 = arith.muli %arg1, %mul3A_93 : i32
    %mul3A_95 = arith.constant 640 : i32
    %mul3A_96 = arith.muli %arg1, %mul3A_95 : i32
    "tpu.region"() ({
      %run_scoped3A_97 = tpu.sem_alloc : memref<!tpu.dma_semaphore, #tpu.memory_space<semaphore_mem>>
      %dma_start3A_98 = arith.constant 0 : i32
      %dma_start3A_99 = tpu.memref_slice %arg7[%arg0, %mul3A_96, %dma_start3A_98] : memref<2x10240x128xf32, #tpu.memory_space<hbm>> -> memref<1x640x128xf32, #tpu.memory_space<hbm>>
      %dma_start3A_100 = tpu.memref_squeeze %dma_start3A_99 : memref<1x640x128xf32, #tpu.memory_space<hbm>> -> memref<640x128xf32, #tpu.memory_space<hbm>>
      %dma_start3A_101 = arith.constant 0 : i32
      %dma_start3A_102 = tpu.memref_slice %arg13[%mul3A_94, %dma_start3A_101] : memref<10240x128xf32, #tpu.memory_space<vmem_shared>> -> memref<640x128xf32, #tpu.memory_space<vmem_shared>>
      tpu.enqueue_dma source(%dma_start3A_102 : memref<640x128xf32, #tpu.memory_space<vmem_shared>>) target(%dma_start3A_100 : memref<640x128xf32, #tpu.memory_space<hbm>>) target_semaphore(%run_scoped3A_97 : memref<!tpu.dma_semaphore, #tpu.memory_space<semaphore_mem>>)
      %dma_wait3A_103 = arith.constant 0 : i32
      %dma_wait3A_104 = tpu.memref_slice %arg7[%arg0, %mul3A_96, %dma_wait3A_103] : memref<2x10240x128xf32, #tpu.memory_space<hbm>> -> memref<1x640x128xf32, #tpu.memory_space<hbm>>
      %dma_wait3A_105 = tpu.memref_squeeze %dma_wait3A_104 : memref<1x640x128xf32, #tpu.memory_space<hbm>> -> memref<640x128xf32, #tpu.memory_space<hbm>>
      %dma_wait3A_106 = arith.constant 0 : i32
      %dma_wait3A_107 = tpu.memref_slice %arg13[%mul3A_94, %dma_wait3A_106] : memref<10240x128xf32, #tpu.memory_space<vmem_shared>> -> memref<640x128xf32, #tpu.memory_space<vmem_shared>>
      tpu.wait_dma2 semaphore(%run_scoped3A_97 : memref<!tpu.dma_semaphore, #tpu.memory_space<semaphore_mem>>) src(%dma_wait3A_107 : memref<640x128xf32, #tpu.memory_space<vmem_shared>>) dst(%dma_wait3A_105 : memref<640x128xf32, #tpu.memory_space<hbm>>)
      tpu.yield
    }) : () -> ()
    return
  }
}

#map = affine_map<(d0, d1) -> (0, 0)>
#map1 = affine_map<(d0, d1) -> (0, 0, 0)>
module attributes {stable_mosaic.version = 14 : i64} {
  func.func @seg_sum_sc(%arg0: i32, %arg1: i32, %arg2: memref<10000x128xf32, #tpu.memory_space<hbm>>, %arg3: memref<32x80x125xi32, #tpu.memory_space<hbm>>, %arg4: memref<32x80x125xi32, #tpu.memory_space<hbm>>, %arg5: memref<640x128xf32, #tpu.memory_space<hbm>>, %arg6: memref<125x128xf32, #tpu.memory_space<hbm>>, %arg7: memref<2x10240x128xf32, #tpu.memory_space<hbm>>, %arg8: memref<40x125xi32, #tpu.memory_space<vmem>>, %arg9: memref<40x125xi32, #tpu.memory_space<vmem>>, %arg10: memref<125x128xf32, #tpu.memory_space<vmem>>, %arg11: memref<125x128xf32, #tpu.memory_space<vmem>>, %arg12: memref<10240x128xf32, #tpu.memory_space<vmem_shared>>, %arg13: memref<!tpu.dma_semaphore, #tpu.memory_space<semaphore_mem>>, %arg14: memref<!tpu.dma_semaphore, #tpu.memory_space<semaphore_mem>>) attributes {dimension_semantics = [#tpu.dimension_semantics<core_parallel>, #tpu.dimension_semantics<subcore_parallel>], iteration_bounds = array<i64: 2, 16>, scalar_prefetch = 0 : i64, scratch_operands = 7 : i64, tpu.core_type = #tpu.core_type<sc_vector_subcore>, window_params = [{transform_indices = #map}, {transform_indices = #map1}, {transform_indices = #map1}, {transform_indices = #map}, {transform_indices = #map}, {transform_indices = #map1}]} {
    %mul3A = arith.constant 2 : i32
    %mul3A_0 = arith.muli %arg1, %mul3A : i32
    %add3A = arith.addi %mul3A_0, %arg0 : i32
    %mul3A_1 = arith.constant 640 : i32
    %mul3A_2 = arith.muli %arg1, %mul3A_1 : i32
    "tpu.region"() ({
      %run_scoped3A_76 = tpu.sem_alloc : memref<!tpu.dma_semaphore, #tpu.memory_space<semaphore_mem>>
      %dma_start3A_77 = arith.constant 0 : i32
      %dma_start3A_78 = tpu.memref_slice %arg12[%mul3A_2, %dma_start3A_77] : memref<10240x128xf32, #tpu.memory_space<vmem_shared>> -> memref<640x128xf32, #tpu.memory_space<vmem_shared>>
      tpu.enqueue_dma source(%arg5 : memref<640x128xf32, #tpu.memory_space<hbm>>) target(%dma_start3A_78 : memref<640x128xf32, #tpu.memory_space<vmem_shared>>) target_semaphore(%run_scoped3A_76 : memref<!tpu.dma_semaphore, #tpu.memory_space<semaphore_mem>>)
      %dma_wait3A_79 = arith.constant 0 : i32
      %dma_wait3A_80 = tpu.memref_slice %arg12[%mul3A_2, %dma_wait3A_79] : memref<10240x128xf32, #tpu.memory_space<vmem_shared>> -> memref<640x128xf32, #tpu.memory_space<vmem_shared>>
      tpu.wait_dma2 semaphore(%run_scoped3A_76 : memref<!tpu.dma_semaphore, #tpu.memory_space<semaphore_mem>>) src(%arg5 : memref<640x128xf32, #tpu.memory_space<hbm>>) dst(%dma_wait3A_80 : memref<640x128xf32, #tpu.memory_space<vmem_shared>>)
      tpu.yield
    }) : () -> ()
    %barrier3A = arith.constant 0 : index
    tpu.barrier barrier_id(%barrier3A)
    "tpu.region"() ({
      %run_scoped3A_76 = tpu.sem_alloc : memref<!tpu.dma_semaphore, #tpu.memory_space<semaphore_mem>>
      %dma_start3A_77 = arith.constant 0 : i32
      %dma_start3A_78 = arith.constant 0 : i32
      %dma_start3A_79 = tpu.memref_slice %arg3[%add3A, %dma_start3A_77, %dma_start3A_78] : memref<32x80x125xi32, #tpu.memory_space<hbm>> -> memref<1x40x125xi32, #tpu.memory_space<hbm>>
      %dma_start3A_80 = tpu.memref_squeeze %dma_start3A_79 : memref<1x40x125xi32, #tpu.memory_space<hbm>> -> memref<40x125xi32, #tpu.memory_space<hbm>>
      %dma_start3A_81 = arith.constant 0 : i32
      %dma_start3A_82 = arith.constant 0 : i32
      %dma_start3A_83 = tpu.memref_slice %arg3[%add3A, %dma_start3A_81, %dma_start3A_82] : memref<32x80x125xi32, #tpu.memory_space<hbm>> -> memref<1x40x125xi32, #tpu.memory_space<hbm>>
      %dma_start3A_84 = tpu.memref_squeeze %dma_start3A_83 : memref<1x40x125xi32, #tpu.memory_space<hbm>> -> memref<40x125xi32, #tpu.memory_space<hbm>>
      tpu.enqueue_dma source(%dma_start3A_84 : memref<40x125xi32, #tpu.memory_space<hbm>>) target(%arg8 : memref<40x125xi32, #tpu.memory_space<vmem>>) target_semaphore(%run_scoped3A_76 : memref<!tpu.dma_semaphore, #tpu.memory_space<semaphore_mem>>)
      %dma_wait3A_85 = arith.constant 0 : i32
      %dma_wait3A_86 = arith.constant 0 : i32
      %dma_wait3A_87 = tpu.memref_slice %arg3[%add3A, %dma_wait3A_85, %dma_wait3A_86] : memref<32x80x125xi32, #tpu.memory_space<hbm>> -> memref<1x40x125xi32, #tpu.memory_space<hbm>>
      %dma_wait3A_88 = tpu.memref_squeeze %dma_wait3A_87 : memref<1x40x125xi32, #tpu.memory_space<hbm>> -> memref<40x125xi32, #tpu.memory_space<hbm>>
      %dma_wait3A_89 = arith.constant 0 : i32
      %dma_wait3A_90 = arith.constant 0 : i32
      %dma_wait3A_91 = tpu.memref_slice %arg3[%add3A, %dma_wait3A_89, %dma_wait3A_90] : memref<32x80x125xi32, #tpu.memory_space<hbm>> -> memref<1x40x125xi32, #tpu.memory_space<hbm>>
      %dma_wait3A_92 = tpu.memref_squeeze %dma_wait3A_91 : memref<1x40x125xi32, #tpu.memory_space<hbm>> -> memref<40x125xi32, #tpu.memory_space<hbm>>
      tpu.wait_dma2 semaphore(%run_scoped3A_76 : memref<!tpu.dma_semaphore, #tpu.memory_space<semaphore_mem>>) src(%dma_wait3A_92 : memref<40x125xi32, #tpu.memory_space<hbm>>) dst(%arg8 : memref<40x125xi32, #tpu.memory_space<vmem>>)
      tpu.yield
    }) : () -> ()
    "tpu.region"() ({
      %run_scoped3A_76 = tpu.sem_alloc : memref<!tpu.dma_semaphore, #tpu.memory_space<semaphore_mem>>
      %dma_start3A_77 = arith.constant 0 : i32
      %dma_start3A_78 = arith.constant 0 : i32
      %dma_start3A_79 = tpu.memref_slice %arg4[%add3A, %dma_start3A_77, %dma_start3A_78] : memref<32x80x125xi32, #tpu.memory_space<hbm>> -> memref<1x40x125xi32, #tpu.memory_space<hbm>>
      %dma_start3A_80 = tpu.memref_squeeze %dma_start3A_79 : memref<1x40x125xi32, #tpu.memory_space<hbm>> -> memref<40x125xi32, #tpu.memory_space<hbm>>
      %dma_start3A_81 = arith.constant 0 : i32
      %dma_start3A_82 = arith.constant 0 : i32
      %dma_start3A_83 = tpu.memref_slice %arg4[%add3A, %dma_start3A_81, %dma_start3A_82] : memref<32x80x125xi32, #tpu.memory_space<hbm>> -> memref<1x40x125xi32, #tpu.memory_space<hbm>>
      %dma_start3A_84 = tpu.memref_squeeze %dma_start3A_83 : memref<1x40x125xi32, #tpu.memory_space<hbm>> -> memref<40x125xi32, #tpu.memory_space<hbm>>
      tpu.enqueue_dma source(%dma_start3A_84 : memref<40x125xi32, #tpu.memory_space<hbm>>) target(%arg9 : memref<40x125xi32, #tpu.memory_space<vmem>>) target_semaphore(%run_scoped3A_76 : memref<!tpu.dma_semaphore, #tpu.memory_space<semaphore_mem>>)
      %dma_wait3A_85 = arith.constant 0 : i32
      %dma_wait3A_86 = arith.constant 0 : i32
      %dma_wait3A_87 = tpu.memref_slice %arg4[%add3A, %dma_wait3A_85, %dma_wait3A_86] : memref<32x80x125xi32, #tpu.memory_space<hbm>> -> memref<1x40x125xi32, #tpu.memory_space<hbm>>
      %dma_wait3A_88 = tpu.memref_squeeze %dma_wait3A_87 : memref<1x40x125xi32, #tpu.memory_space<hbm>> -> memref<40x125xi32, #tpu.memory_space<hbm>>
      %dma_wait3A_89 = arith.constant 0 : i32
      %dma_wait3A_90 = arith.constant 0 : i32
      %dma_wait3A_91 = tpu.memref_slice %arg4[%add3A, %dma_wait3A_89, %dma_wait3A_90] : memref<32x80x125xi32, #tpu.memory_space<hbm>> -> memref<1x40x125xi32, #tpu.memory_space<hbm>>
      %dma_wait3A_92 = tpu.memref_squeeze %dma_wait3A_91 : memref<1x40x125xi32, #tpu.memory_space<hbm>> -> memref<40x125xi32, #tpu.memory_space<hbm>>
      tpu.wait_dma2 semaphore(%run_scoped3A_76 : memref<!tpu.dma_semaphore, #tpu.memory_space<semaphore_mem>>) src(%dma_wait3A_92 : memref<40x125xi32, #tpu.memory_space<hbm>>) dst(%arg9 : memref<40x125xi32, #tpu.memory_space<vmem>>)
      tpu.yield
    }) : () -> ()
    %dma_start3A = arith.constant 0 : i32
    %dma_start3A_3 = arith.constant 0 : i32
    %dma_start3A_4 = tpu.memref_slice %arg8[%dma_start3A, %dma_start3A_3] : memref<40x125xi32, #tpu.memory_space<vmem>> -> memref<1x125xi32, #tpu.memory_space<vmem>>
    %dma_start3A_5 = tpu.memref_squeeze %dma_start3A_4 : memref<1x125xi32, #tpu.memory_space<vmem>> -> memref<125xi32, #tpu.memory_space<vmem>>
    %dma_start3A_6 = arith.constant 0 : i32
    %dma_start3A_7 = arith.constant 0 : i32
    %dma_start3A_8 = tpu.memref_slice %arg2[%dma_start3A_6, %dma_start3A_7] : memref<10000x128xf32, #tpu.memory_space<hbm>> -> memref<10000x128xf32, #tpu.memory_space<hbm>>
    tpu.enqueue_indirect_dma source(%dma_start3A_8 : memref<10000x128xf32, #tpu.memory_space<hbm>>) target(%arg10 : memref<125x128xf32, #tpu.memory_space<vmem>>) offsets(%dma_start3A_5 : memref<125xi32, #tpu.memory_space<vmem>>) semaphore(%arg13 : memref<!tpu.dma_semaphore, #tpu.memory_space<semaphore_mem>>)
    %scan3A = arith.constant 0 : i32
    %scan3A_9 = arith.constant 0 : i32
    %scan3A_10 = arith.constant 19 : i32
    %scan3A_11 = arith.addi %scan3A_9, %scan3A_10 : i32
    %scan3A_12 = arith.constant 1 : i32
    scf.for %scan3A_76 = %scan3A_9 to %scan3A_11 step %scan3A_12  : i32 {
      %mul3A_77 = arith.constant 2 : i32
      %mul3A_78 = arith.muli %mul3A_77, %scan3A_76 : i32
      %add3A_79 = arith.constant 1 : i32
      %add3A_80 = arith.addi %mul3A_78, %add3A_79 : i32
      %dma_start3A_81 = arith.constant 0 : i32
      %dma_start3A_82 = tpu.memref_slice %arg8[%add3A_80, %dma_start3A_81] : memref<40x125xi32, #tpu.memory_space<vmem>> -> memref<1x125xi32, #tpu.memory_space<vmem>>
      %dma_start3A_83 = tpu.memref_squeeze %dma_start3A_82 : memref<1x125xi32, #tpu.memory_space<vmem>> -> memref<125xi32, #tpu.memory_space<vmem>>
      %dma_start3A_84 = arith.constant 0 : i32
      %dma_start3A_85 = arith.constant 0 : i32
      %dma_start3A_86 = tpu.memref_slice %arg2[%dma_start3A_84, %dma_start3A_85] : memref<10000x128xf32, #tpu.memory_space<hbm>> -> memref<10000x128xf32, #tpu.memory_space<hbm>>
      tpu.enqueue_indirect_dma source(%dma_start3A_86 : memref<10000x128xf32, #tpu.memory_space<hbm>>) target(%arg11 : memref<125x128xf32, #tpu.memory_space<vmem>>) offsets(%dma_start3A_83 : memref<125xi32, #tpu.memory_space<vmem>>) semaphore(%arg14 : memref<!tpu.dma_semaphore, #tpu.memory_space<semaphore_mem>>)
      %dma_wait3A_87 = arith.constant 0 : i32
      %dma_wait3A_88 = tpu.memref_slice %arg8[%mul3A_78, %dma_wait3A_87] : memref<40x125xi32, #tpu.memory_space<vmem>> -> memref<1x125xi32, #tpu.memory_space<vmem>>
      %dma_wait3A_89 = tpu.memref_squeeze %dma_wait3A_88 : memref<1x125xi32, #tpu.memory_space<vmem>> -> memref<125xi32, #tpu.memory_space<vmem>>
      %dma_wait3A_90 = arith.constant 0 : i32
      %dma_wait3A_91 = arith.constant 0 : i32
      %dma_wait3A_92 = tpu.memref_slice %arg2[%dma_wait3A_90, %dma_wait3A_91] : memref<10000x128xf32, #tpu.memory_space<hbm>> -> memref<10000x128xf32, #tpu.memory_space<hbm>>
      tpu.wait_indirect_dma semaphore(%arg13 : memref<!tpu.dma_semaphore, #tpu.memory_space<semaphore_mem>>) src(%dma_wait3A_92 : memref<10000x128xf32, #tpu.memory_space<hbm>>) dst(%arg10 : memref<125x128xf32, #tpu.memory_space<vmem>>)
      "tpu.region"() ({
        %run_scoped3A_111 = tpu.sem_alloc : memref<!tpu.dma_semaphore, #tpu.memory_space<semaphore_mem>>
        %dma_start3A_112 = arith.constant 0 : i32
        %dma_start3A_113 = tpu.memref_slice %arg9[%mul3A_78, %dma_start3A_112] : memref<40x125xi32, #tpu.memory_space<vmem>> -> memref<1x125xi32, #tpu.memory_space<vmem>>
        %dma_start3A_114 = tpu.memref_squeeze %dma_start3A_113 : memref<1x125xi32, #tpu.memory_space<vmem>> -> memref<125xi32, #tpu.memory_space<vmem>>
        %dma_start3A_115 = arith.constant 0 : i32
        %dma_start3A_116 = arith.constant 0 : i32
        %dma_start3A_117 = tpu.memref_slice %arg12[%dma_start3A_115, %dma_start3A_116] : memref<10240x128xf32, #tpu.memory_space<vmem_shared>> -> memref<10240x128xf32, #tpu.memory_space<vmem_shared>>
        tpu.enqueue_indirect_dma source(%arg10 : memref<125x128xf32, #tpu.memory_space<vmem>>) target(%dma_start3A_117 : memref<10240x128xf32, #tpu.memory_space<vmem_shared>>) offsets(%dma_start3A_114 : memref<125xi32, #tpu.memory_space<vmem>>) semaphore(%run_scoped3A_111 : memref<!tpu.dma_semaphore, #tpu.memory_space<semaphore_mem>>) {add = true}
        %dma_wait3A_118 = arith.constant 0 : i32
        %dma_wait3A_119 = tpu.memref_slice %arg9[%mul3A_78, %dma_wait3A_118] : memref<40x125xi32, #tpu.memory_space<vmem>> -> memref<1x125xi32, #tpu.memory_space<vmem>>
        %dma_wait3A_120 = tpu.memref_squeeze %dma_wait3A_119 : memref<1x125xi32, #tpu.memory_space<vmem>> -> memref<125xi32, #tpu.memory_space<vmem>>
        %dma_wait3A_121 = arith.constant 0 : i32
        %dma_wait3A_122 = arith.constant 0 : i32
        %dma_wait3A_123 = tpu.memref_slice %arg12[%dma_wait3A_121, %dma_wait3A_122] : memref<10240x128xf32, #tpu.memory_space<vmem_shared>> -> memref<10240x128xf32, #tpu.memory_space<vmem_shared>>
        tpu.wait_indirect_dma semaphore(%run_scoped3A_111 : memref<!tpu.dma_semaphore, #tpu.memory_space<semaphore_mem>>) src(%arg10 : memref<125x128xf32, #tpu.memory_space<vmem>>) dst(%dma_wait3A_123 : memref<10240x128xf32, #tpu.memory_space<vmem_shared>>)
        tpu.yield
      }) : () -> ()
      %add3A_93 = arith.constant 2 : i32
      %add3A_94 = arith.addi %mul3A_78, %add3A_93 : i32
      %dma_start3A_95 = arith.constant 0 : i32
      %dma_start3A_96 = tpu.memref_slice %arg8[%add3A_94, %dma_start3A_95] : memref<40x125xi32, #tpu.memory_space<vmem>> -> memref<1x125xi32, #tpu.memory_space<vmem>>
      %dma_start3A_97 = tpu.memref_squeeze %dma_start3A_96 : memref<1x125xi32, #tpu.memory_space<vmem>> -> memref<125xi32, #tpu.memory_space<vmem>>
      %dma_start3A_98 = arith.constant 0 : i32
      %dma_start3A_99 = arith.constant 0 : i32
      %dma_start3A_100 = tpu.memref_slice %arg2[%dma_start3A_98, %dma_start3A_99] : memref<10000x128xf32, #tpu.memory_space<hbm>> -> memref<10000x128xf32, #tpu.memory_space<hbm>>
      tpu.enqueue_indirect_dma source(%dma_start3A_100 : memref<10000x128xf32, #tpu.memory_space<hbm>>) target(%arg10 : memref<125x128xf32, #tpu.memory_space<vmem>>) offsets(%dma_start3A_97 : memref<125xi32, #tpu.memory_space<vmem>>) semaphore(%arg13 : memref<!tpu.dma_semaphore, #tpu.memory_space<semaphore_mem>>)
      %add3A_101 = arith.constant 1 : i32
      %add3A_102 = arith.addi %mul3A_78, %add3A_101 : i32
      %dma_wait3A_103 = arith.constant 0 : i32
      %dma_wait3A_104 = tpu.memref_slice %arg8[%add3A_102, %dma_wait3A_103] : memref<40x125xi32, #tpu.memory_space<vmem>> -> memref<1x125xi32, #tpu.memory_space<vmem>>
      %dma_wait3A_105 = tpu.memref_squeeze %dma_wait3A_104 : memref<1x125xi32, #tpu.memory_space<vmem>> -> memref<125xi32, #tpu.memory_space<vmem>>
      %dma_wait3A_106 = arith.constant 0 : i32
      %dma_wait3A_107 = arith.constant 0 : i32
      %dma_wait3A_108 = tpu.memref_slice %arg2[%dma_wait3A_106, %dma_wait3A_107] : memref<10000x128xf32, #tpu.memory_space<hbm>> -> memref<10000x128xf32, #tpu.memory_space<hbm>>
      tpu.wait_indirect_dma semaphore(%arg14 : memref<!tpu.dma_semaphore, #tpu.memory_space<semaphore_mem>>) src(%dma_wait3A_108 : memref<10000x128xf32, #tpu.memory_space<hbm>>) dst(%arg11 : memref<125x128xf32, #tpu.memory_space<vmem>>)
      %add3A_109 = arith.constant 1 : i32
      %add3A_110 = arith.addi %mul3A_78, %add3A_109 : i32
      "tpu.region"() ({
        %run_scoped3A_111 = tpu.sem_alloc : memref<!tpu.dma_semaphore, #tpu.memory_space<semaphore_mem>>
        %dma_start3A_112 = arith.constant 0 : i32
        %dma_start3A_113 = tpu.memref_slice %arg9[%add3A_110, %dma_start3A_112] : memref<40x125xi32, #tpu.memory_space<vmem>> -> memref<1x125xi32, #tpu.memory_space<vmem>>
        %dma_start3A_114 = tpu.memref_squeeze %dma_start3A_113 : memref<1x125xi32, #tpu.memory_space<vmem>> -> memref<125xi32, #tpu.memory_space<vmem>>
        %dma_start3A_115 = arith.constant 0 : i32
        %dma_start3A_116 = arith.constant 0 : i32
        %dma_start3A_117 = tpu.memref_slice %arg12[%dma_start3A_115, %dma_start3A_116] : memref<10240x128xf32, #tpu.memory_space<vmem_shared>> -> memref<10240x128xf32, #tpu.memory_space<vmem_shared>>
        tpu.enqueue_indirect_dma source(%arg11 : memref<125x128xf32, #tpu.memory_space<vmem>>) target(%dma_start3A_117 : memref<10240x128xf32, #tpu.memory_space<vmem_shared>>) offsets(%dma_start3A_114 : memref<125xi32, #tpu.memory_space<vmem>>) semaphore(%run_scoped3A_111 : memref<!tpu.dma_semaphore, #tpu.memory_space<semaphore_mem>>) {add = true}
        %dma_wait3A_118 = arith.constant 0 : i32
        %dma_wait3A_119 = tpu.memref_slice %arg9[%add3A_110, %dma_wait3A_118] : memref<40x125xi32, #tpu.memory_space<vmem>> -> memref<1x125xi32, #tpu.memory_space<vmem>>
        %dma_wait3A_120 = tpu.memref_squeeze %dma_wait3A_119 : memref<1x125xi32, #tpu.memory_space<vmem>> -> memref<125xi32, #tpu.memory_space<vmem>>
        %dma_wait3A_121 = arith.constant 0 : i32
        %dma_wait3A_122 = arith.constant 0 : i32
        %dma_wait3A_123 = tpu.memref_slice %arg12[%dma_wait3A_121, %dma_wait3A_122] : memref<10240x128xf32, #tpu.memory_space<vmem_shared>> -> memref<10240x128xf32, #tpu.memory_space<vmem_shared>>
        tpu.wait_indirect_dma semaphore(%run_scoped3A_111 : memref<!tpu.dma_semaphore, #tpu.memory_space<semaphore_mem>>) src(%arg11 : memref<125x128xf32, #tpu.memory_space<vmem>>) dst(%dma_wait3A_123 : memref<10240x128xf32, #tpu.memory_space<vmem_shared>>)
        tpu.yield
      }) : () -> ()
    }
    %scan3A_13 = arith.constant 19 : i32
    %dma_start3A_14 = arith.constant 39 : i32
    %dma_start3A_15 = arith.constant 0 : i32
    %dma_start3A_16 = tpu.memref_slice %arg8[%dma_start3A_14, %dma_start3A_15] : memref<40x125xi32, #tpu.memory_space<vmem>> -> memref<1x125xi32, #tpu.memory_space<vmem>>
    %dma_start3A_17 = tpu.memref_squeeze %dma_start3A_16 : memref<1x125xi32, #tpu.memory_space<vmem>> -> memref<125xi32, #tpu.memory_space<vmem>>
    %dma_start3A_18 = arith.constant 0 : i32
    %dma_start3A_19 = arith.constant 0 : i32
    %dma_start3A_20 = tpu.memref_slice %arg2[%dma_start3A_18, %dma_start3A_19] : memref<10000x128xf32, #tpu.memory_space<hbm>> -> memref<10000x128xf32, #tpu.memory_space<hbm>>
    tpu.enqueue_indirect_dma source(%dma_start3A_20 : memref<10000x128xf32, #tpu.memory_space<hbm>>) target(%arg11 : memref<125x128xf32, #tpu.memory_space<vmem>>) offsets(%dma_start3A_17 : memref<125xi32, #tpu.memory_space<vmem>>) semaphore(%arg14 : memref<!tpu.dma_semaphore, #tpu.memory_space<semaphore_mem>>)
    %dma_wait3A = arith.constant 38 : i32
    %dma_wait3A_21 = arith.constant 0 : i32
    %dma_wait3A_22 = tpu.memref_slice %arg8[%dma_wait3A, %dma_wait3A_21] : memref<40x125xi32, #tpu.memory_space<vmem>> -> memref<1x125xi32, #tpu.memory_space<vmem>>
    %dma_wait3A_23 = tpu.memref_squeeze %dma_wait3A_22 : memref<1x125xi32, #tpu.memory_space<vmem>> -> memref<125xi32, #tpu.memory_space<vmem>>
    %dma_wait3A_24 = arith.constant 0 : i32
    %dma_wait3A_25 = arith.constant 0 : i32
    %dma_wait3A_26 = tpu.memref_slice %arg2[%dma_wait3A_24, %dma_wait3A_25] : memref<10000x128xf32, #tpu.memory_space<hbm>> -> memref<10000x128xf32, #tpu.memory_space<hbm>>
    tpu.wait_indirect_dma semaphore(%arg13 : memref<!tpu.dma_semaphore, #tpu.memory_space<semaphore_mem>>) src(%dma_wait3A_26 : memref<10000x128xf32, #tpu.memory_space<hbm>>) dst(%arg10 : memref<125x128xf32, #tpu.memory_space<vmem>>)
    %run_scoped3A = arith.constant 38 : i32
    "tpu.region"() ({
      %run_scoped3A_76 = tpu.sem_alloc : memref<!tpu.dma_semaphore, #tpu.memory_space<semaphore_mem>>
      %dma_start3A_77 = arith.constant 0 : i32
      %dma_start3A_78 = tpu.memref_slice %arg9[%run_scoped3A, %dma_start3A_77] : memref<40x125xi32, #tpu.memory_space<vmem>> -> memref<1x125xi32, #tpu.memory_space<vmem>>
      %dma_start3A_79 = tpu.memref_squeeze %dma_start3A_78 : memref<1x125xi32, #tpu.memory_space<vmem>> -> memref<125xi32, #tpu.memory_space<vmem>>
      %dma_start3A_80 = arith.constant 0 : i32
      %dma_start3A_81 = arith.constant 0 : i32
      %dma_start3A_82 = tpu.memref_slice %arg12[%dma_start3A_80, %dma_start3A_81] : memref<10240x128xf32, #tpu.memory_space<vmem_shared>> -> memref<10240x128xf32, #tpu.memory_space<vmem_shared>>
      tpu.enqueue_indirect_dma source(%arg10 : memref<125x128xf32, #tpu.memory_space<vmem>>) target(%dma_start3A_82 : memref<10240x128xf32, #tpu.memory_space<vmem_shared>>) offsets(%dma_start3A_79 : memref<125xi32, #tpu.memory_space<vmem>>) semaphore(%run_scoped3A_76 : memref<!tpu.dma_semaphore, #tpu.memory_space<semaphore_mem>>) {add = true}
      %dma_wait3A_83 = arith.constant 0 : i32
      %dma_wait3A_84 = tpu.memref_slice %arg9[%run_scoped3A, %dma_wait3A_83] : memref<40x125xi32, #tpu.memory_space<vmem>> -> memref<1x125xi32, #tpu.memory_space<vmem>>
      %dma_wait3A_85 = tpu.memref_squeeze %dma_wait3A_84 : memref<1x125xi32, #tpu.memory_space<vmem>> -> memref<125xi32, #tpu.memory_space<vmem>>
      %dma_wait3A_86 = arith.constant 0 : i32
      %dma_wait3A_87 = arith.constant 0 : i32
      %dma_wait3A_88 = tpu.memref_slice %arg12[%dma_wait3A_86, %dma_wait3A_87] : memref<10240x128xf32, #tpu.memory_space<vmem_shared>> -> memref<10240x128xf32, #tpu.memory_space<vmem_shared>>
      tpu.wait_indirect_dma semaphore(%run_scoped3A_76 : memref<!tpu.dma_semaphore, #tpu.memory_space<semaphore_mem>>) src(%arg10 : memref<125x128xf32, #tpu.memory_space<vmem>>) dst(%dma_wait3A_88 : memref<10240x128xf32, #tpu.memory_space<vmem_shared>>)
      tpu.yield
    }) : () -> ()
    %dma_wait3A_27 = arith.constant 39 : i32
    %dma_wait3A_28 = arith.constant 0 : i32
    %dma_wait3A_29 = tpu.memref_slice %arg8[%dma_wait3A_27, %dma_wait3A_28] : memref<40x125xi32, #tpu.memory_space<vmem>> -> memref<1x125xi32, #tpu.memory_space<vmem>>
    %dma_wait3A_30 = tpu.memref_squeeze %dma_wait3A_29 : memref<1x125xi32, #tpu.memory_space<vmem>> -> memref<125xi32, #tpu.memory_space<vmem>>
    %dma_wait3A_31 = arith.constant 0 : i32
    %dma_wait3A_32 = arith.constant 0 : i32
    %dma_wait3A_33 = tpu.memref_slice %arg2[%dma_wait3A_31, %dma_wait3A_32] : memref<10000x128xf32, #tpu.memory_space<hbm>> -> memref<10000x128xf32, #tpu.memory_space<hbm>>
    tpu.wait_indirect_dma semaphore(%arg14 : memref<!tpu.dma_semaphore, #tpu.memory_space<semaphore_mem>>) src(%dma_wait3A_33 : memref<10000x128xf32, #tpu.memory_space<hbm>>) dst(%arg11 : memref<125x128xf32, #tpu.memory_space<vmem>>)
    %run_scoped3A_34 = arith.constant 39 : i32
    "tpu.region"() ({
      %run_scoped3A_76 = tpu.sem_alloc : memref<!tpu.dma_semaphore, #tpu.memory_space<semaphore_mem>>
      %dma_start3A_77 = arith.constant 0 : i32
      %dma_start3A_78 = tpu.memref_slice %arg9[%run_scoped3A_34, %dma_start3A_77] : memref<40x125xi32, #tpu.memory_space<vmem>> -> memref<1x125xi32, #tpu.memory_space<vmem>>
      %dma_start3A_79 = tpu.memref_squeeze %dma_start3A_78 : memref<1x125xi32, #tpu.memory_space<vmem>> -> memref<125xi32, #tpu.memory_space<vmem>>
      %dma_start3A_80 = arith.constant 0 : i32
      %dma_start3A_81 = arith.constant 0 : i32
      %dma_start3A_82 = tpu.memref_slice %arg12[%dma_start3A_80, %dma_start3A_81] : memref<10240x128xf32, #tpu.memory_space<vmem_shared>> -> memref<10240x128xf32, #tpu.memory_space<vmem_shared>>
      tpu.enqueue_indirect_dma source(%arg11 : memref<125x128xf32, #tpu.memory_space<vmem>>) target(%dma_start3A_82 : memref<10240x128xf32, #tpu.memory_space<vmem_shared>>) offsets(%dma_start3A_79 : memref<125xi32, #tpu.memory_space<vmem>>) semaphore(%run_scoped3A_76 : memref<!tpu.dma_semaphore, #tpu.memory_space<semaphore_mem>>) {add = true}
      %dma_wait3A_83 = arith.constant 0 : i32
      %dma_wait3A_84 = tpu.memref_slice %arg9[%run_scoped3A_34, %dma_wait3A_83] : memref<40x125xi32, #tpu.memory_space<vmem>> -> memref<1x125xi32, #tpu.memory_space<vmem>>
      %dma_wait3A_85 = tpu.memref_squeeze %dma_wait3A_84 : memref<1x125xi32, #tpu.memory_space<vmem>> -> memref<125xi32, #tpu.memory_space<vmem>>
      %dma_wait3A_86 = arith.constant 0 : i32
      %dma_wait3A_87 = arith.constant 0 : i32
      %dma_wait3A_88 = tpu.memref_slice %arg12[%dma_wait3A_86, %dma_wait3A_87] : memref<10240x128xf32, #tpu.memory_space<vmem_shared>> -> memref<10240x128xf32, #tpu.memory_space<vmem_shared>>
      tpu.wait_indirect_dma semaphore(%run_scoped3A_76 : memref<!tpu.dma_semaphore, #tpu.memory_space<semaphore_mem>>) src(%arg11 : memref<125x128xf32, #tpu.memory_space<vmem>>) dst(%dma_wait3A_88 : memref<10240x128xf32, #tpu.memory_space<vmem_shared>>)
      tpu.yield
    }) : () -> ()
    "tpu.region"() ({
      %run_scoped3A_76 = tpu.sem_alloc : memref<!tpu.dma_semaphore, #tpu.memory_space<semaphore_mem>>
      %dma_start3A_77 = arith.constant 40 : i32
      %dma_start3A_78 = arith.constant 0 : i32
      %dma_start3A_79 = tpu.memref_slice %arg3[%add3A, %dma_start3A_77, %dma_start3A_78] : memref<32x80x125xi32, #tpu.memory_space<hbm>> -> memref<1x40x125xi32, #tpu.memory_space<hbm>>
      %dma_start3A_80 = tpu.memref_squeeze %dma_start3A_79 : memref<1x40x125xi32, #tpu.memory_space<hbm>> -> memref<40x125xi32, #tpu.memory_space<hbm>>
      %dma_start3A_81 = arith.constant 40 : i32
      %dma_start3A_82 = arith.constant 0 : i32
      %dma_start3A_83 = tpu.memref_slice %arg3[%add3A, %dma_start3A_81, %dma_start3A_82] : memref<32x80x125xi32, #tpu.memory_space<hbm>> -> memref<1x40x125xi32, #tpu.memory_space<hbm>>
      %dma_start3A_84 = tpu.memref_squeeze %dma_start3A_83 : memref<1x40x125xi32, #tpu.memory_space<hbm>> -> memref<40x125xi32, #tpu.memory_space<hbm>>
      tpu.enqueue_dma source(%dma_start3A_84 : memref<40x125xi32, #tpu.memory_space<hbm>>) target(%arg8 : memref<40x125xi32, #tpu.memory_space<vmem>>) target_semaphore(%run_scoped3A_76 : memref<!tpu.dma_semaphore, #tpu.memory_space<semaphore_mem>>)
      %dma_wait3A_85 = arith.constant 40 : i32
      %dma_wait3A_86 = arith.constant 0 : i32
      %dma_wait3A_87 = tpu.memref_slice %arg3[%add3A, %dma_wait3A_85, %dma_wait3A_86] : memref<32x80x125xi32, #tpu.memory_space<hbm>> -> memref<1x40x125xi32, #tpu.memory_space<hbm>>
      %dma_wait3A_88 = tpu.memref_squeeze %dma_wait3A_87 : memref<1x40x125xi32, #tpu.memory_space<hbm>> -> memref<40x125xi32, #tpu.memory_space<hbm>>
      %dma_wait3A_89 = arith.constant 40 : i32
      %dma_wait3A_90 = arith.constant 0 : i32
      %dma_wait3A_91 = tpu.memref_slice %arg3[%add3A, %dma_wait3A_89, %dma_wait3A_90] : memref<32x80x125xi32, #tpu.memory_space<hbm>> -> memref<1x40x125xi32, #tpu.memory_space<hbm>>
      %dma_wait3A_92 = tpu.memref_squeeze %dma_wait3A_91 : memref<1x40x125xi32, #tpu.memory_space<hbm>> -> memref<40x125xi32, #tpu.memory_space<hbm>>
      tpu.wait_dma2 semaphore(%run_scoped3A_76 : memref<!tpu.dma_semaphore, #tpu.memory_space<semaphore_mem>>) src(%dma_wait3A_92 : memref<40x125xi32, #tpu.memory_space<hbm>>) dst(%arg8 : memref<40x125xi32, #tpu.memory_space<vmem>>)
      tpu.yield
    }) : () -> ()
    "tpu.region"() ({
      %run_scoped3A_76 = tpu.sem_alloc : memref<!tpu.dma_semaphore, #tpu.memory_space<semaphore_mem>>
      %dma_start3A_77 = arith.constant 40 : i32
      %dma_start3A_78 = arith.constant 0 : i32
      %dma_start3A_79 = tpu.memref_slice %arg4[%add3A, %dma_start3A_77, %dma_start3A_78] : memref<32x80x125xi32, #tpu.memory_space<hbm>> -> memref<1x40x125xi32, #tpu.memory_space<hbm>>
      %dma_start3A_80 = tpu.memref_squeeze %dma_start3A_79 : memref<1x40x125xi32, #tpu.memory_space<hbm>> -> memref<40x125xi32, #tpu.memory_space<hbm>>
      %dma_start3A_81 = arith.constant 40 : i32
      %dma_start3A_82 = arith.constant 0 : i32
      %dma_start3A_83 = tpu.memref_slice %arg4[%add3A, %dma_start3A_81, %dma_start3A_82] : memref<32x80x125xi32, #tpu.memory_space<hbm>> -> memref<1x40x125xi32, #tpu.memory_space<hbm>>
      %dma_start3A_84 = tpu.memref_squeeze %dma_start3A_83 : memref<1x40x125xi32, #tpu.memory_space<hbm>> -> memref<40x125xi32, #tpu.memory_space<hbm>>
      tpu.enqueue_dma source(%dma_start3A_84 : memref<40x125xi32, #tpu.memory_space<hbm>>) target(%arg9 : memref<40x125xi32, #tpu.memory_space<vmem>>) target_semaphore(%run_scoped3A_76 : memref<!tpu.dma_semaphore, #tpu.memory_space<semaphore_mem>>)
      %dma_wait3A_85 = arith.constant 40 : i32
      %dma_wait3A_86 = arith.constant 0 : i32
      %dma_wait3A_87 = tpu.memref_slice %arg4[%add3A, %dma_wait3A_85, %dma_wait3A_86] : memref<32x80x125xi32, #tpu.memory_space<hbm>> -> memref<1x40x125xi32, #tpu.memory_space<hbm>>
      %dma_wait3A_88 = tpu.memref_squeeze %dma_wait3A_87 : memref<1x40x125xi32, #tpu.memory_space<hbm>> -> memref<40x125xi32, #tpu.memory_space<hbm>>
      %dma_wait3A_89 = arith.constant 40 : i32
      %dma_wait3A_90 = arith.constant 0 : i32
      %dma_wait3A_91 = tpu.memref_slice %arg4[%add3A, %dma_wait3A_89, %dma_wait3A_90] : memref<32x80x125xi32, #tpu.memory_space<hbm>> -> memref<1x40x125xi32, #tpu.memory_space<hbm>>
      %dma_wait3A_92 = tpu.memref_squeeze %dma_wait3A_91 : memref<1x40x125xi32, #tpu.memory_space<hbm>> -> memref<40x125xi32, #tpu.memory_space<hbm>>
      tpu.wait_dma2 semaphore(%run_scoped3A_76 : memref<!tpu.dma_semaphore, #tpu.memory_space<semaphore_mem>>) src(%dma_wait3A_92 : memref<40x125xi32, #tpu.memory_space<hbm>>) dst(%arg9 : memref<40x125xi32, #tpu.memory_space<vmem>>)
      tpu.yield
    }) : () -> ()
    %dma_start3A_35 = arith.constant 0 : i32
    %dma_start3A_36 = arith.constant 0 : i32
    %dma_start3A_37 = tpu.memref_slice %arg8[%dma_start3A_35, %dma_start3A_36] : memref<40x125xi32, #tpu.memory_space<vmem>> -> memref<1x125xi32, #tpu.memory_space<vmem>>
    %dma_start3A_38 = tpu.memref_squeeze %dma_start3A_37 : memref<1x125xi32, #tpu.memory_space<vmem>> -> memref<125xi32, #tpu.memory_space<vmem>>
    %dma_start3A_39 = arith.constant 0 : i32
    %dma_start3A_40 = arith.constant 0 : i32
    %dma_start3A_41 = tpu.memref_slice %arg2[%dma_start3A_39, %dma_start3A_40] : memref<10000x128xf32, #tpu.memory_space<hbm>> -> memref<10000x128xf32, #tpu.memory_space<hbm>>
    tpu.enqueue_indirect_dma source(%dma_start3A_41 : memref<10000x128xf32, #tpu.memory_space<hbm>>) target(%arg10 : memref<125x128xf32, #tpu.memory_space<vmem>>) offsets(%dma_start3A_38 : memref<125xi32, #tpu.memory_space<vmem>>) semaphore(%arg13 : memref<!tpu.dma_semaphore, #tpu.memory_space<semaphore_mem>>)
    %scan3A_42 = arith.constant 0 : i32
    %scan3A_43 = arith.constant 0 : i32
    %scan3A_44 = arith.constant 19 : i32
    %scan3A_45 = arith.addi %scan3A_43, %scan3A_44 : i32
    %scan3A_46 = arith.constant 1 : i32
    scf.for %scan3A_76 = %scan3A_43 to %scan3A_45 step %scan3A_46  : i32 {
      %mul3A_77 = arith.constant 2 : i32
      %mul3A_78 = arith.muli %mul3A_77, %scan3A_76 : i32
      %add3A_79 = arith.constant 1 : i32
      %add3A_80 = arith.addi %mul3A_78, %add3A_79 : i32
      %dma_start3A_81 = arith.constant 0 : i32
      %dma_start3A_82 = tpu.memref_slice %arg8[%add3A_80, %dma_start3A_81] : memref<40x125xi32, #tpu.memory_space<vmem>> -> memref<1x125xi32, #tpu.memory_space<vmem>>
      %dma_start3A_83 = tpu.memref_squeeze %dma_start3A_82 : memref<1x125xi32, #tpu.memory_space<vmem>> -> memref<125xi32, #tpu.memory_space<vmem>>
      %dma_start3A_84 = arith.constant 0 : i32
      %dma_start3A_85 = arith.constant 0 : i32
      %dma_start3A_86 = tpu.memref_slice %arg2[%dma_start3A_84, %dma_start3A_85] : memref<10000x128xf32, #tpu.memory_space<hbm>> -> memref<10000x128xf32, #tpu.memory_space<hbm>>
      tpu.enqueue_indirect_dma source(%dma_start3A_86 : memref<10000x128xf32, #tpu.memory_space<hbm>>) target(%arg11 : memref<125x128xf32, #tpu.memory_space<vmem>>) offsets(%dma_start3A_83 : memref<125xi32, #tpu.memory_space<vmem>>) semaphore(%arg14 : memref<!tpu.dma_semaphore, #tpu.memory_space<semaphore_mem>>)
      %dma_wait3A_87 = arith.constant 0 : i32
      %dma_wait3A_88 = tpu.memref_slice %arg8[%mul3A_78, %dma_wait3A_87] : memref<40x125xi32, #tpu.memory_space<vmem>> -> memref<1x125xi32, #tpu.memory_space<vmem>>
      %dma_wait3A_89 = tpu.memref_squeeze %dma_wait3A_88 : memref<1x125xi32, #tpu.memory_space<vmem>> -> memref<125xi32, #tpu.memory_space<vmem>>
      %dma_wait3A_90 = arith.constant 0 : i32
      %dma_wait3A_91 = arith.constant 0 : i32
      %dma_wait3A_92 = tpu.memref_slice %arg2[%dma_wait3A_90, %dma_wait3A_91] : memref<10000x128xf32, #tpu.memory_space<hbm>> -> memref<10000x128xf32, #tpu.memory_space<hbm>>
      tpu.wait_indirect_dma semaphore(%arg13 : memref<!tpu.dma_semaphore, #tpu.memory_space<semaphore_mem>>) src(%dma_wait3A_92 : memref<10000x128xf32, #tpu.memory_space<hbm>>) dst(%arg10 : memref<125x128xf32, #tpu.memory_space<vmem>>)
      "tpu.region"() ({
        %run_scoped3A_111 = tpu.sem_alloc : memref<!tpu.dma_semaphore, #tpu.memory_space<semaphore_mem>>
        %dma_start3A_112 = arith.constant 0 : i32
        %dma_start3A_113 = tpu.memref_slice %arg9[%mul3A_78, %dma_start3A_112] : memref<40x125xi32, #tpu.memory_space<vmem>> -> memref<1x125xi32, #tpu.memory_space<vmem>>
        %dma_start3A_114 = tpu.memref_squeeze %dma_start3A_113 : memref<1x125xi32, #tpu.memory_space<vmem>> -> memref<125xi32, #tpu.memory_space<vmem>>
        %dma_start3A_115 = arith.constant 0 : i32
        %dma_start3A_116 = arith.constant 0 : i32
        %dma_start3A_117 = tpu.memref_slice %arg12[%dma_start3A_115, %dma_start3A_116] : memref<10240x128xf32, #tpu.memory_space<vmem_shared>> -> memref<10240x128xf32, #tpu.memory_space<vmem_shared>>
        tpu.enqueue_indirect_dma source(%arg10 : memref<125x128xf32, #tpu.memory_space<vmem>>) target(%dma_start3A_117 : memref<10240x128xf32, #tpu.memory_space<vmem_shared>>) offsets(%dma_start3A_114 : memref<125xi32, #tpu.memory_space<vmem>>) semaphore(%run_scoped3A_111 : memref<!tpu.dma_semaphore, #tpu.memory_space<semaphore_mem>>) {add = true}
        %dma_wait3A_118 = arith.constant 0 : i32
        %dma_wait3A_119 = tpu.memref_slice %arg9[%mul3A_78, %dma_wait3A_118] : memref<40x125xi32, #tpu.memory_space<vmem>> -> memref<1x125xi32, #tpu.memory_space<vmem>>
        %dma_wait3A_120 = tpu.memref_squeeze %dma_wait3A_119 : memref<1x125xi32, #tpu.memory_space<vmem>> -> memref<125xi32, #tpu.memory_space<vmem>>
        %dma_wait3A_121 = arith.constant 0 : i32
        %dma_wait3A_122 = arith.constant 0 : i32
        %dma_wait3A_123 = tpu.memref_slice %arg12[%dma_wait3A_121, %dma_wait3A_122] : memref<10240x128xf32, #tpu.memory_space<vmem_shared>> -> memref<10240x128xf32, #tpu.memory_space<vmem_shared>>
        tpu.wait_indirect_dma semaphore(%run_scoped3A_111 : memref<!tpu.dma_semaphore, #tpu.memory_space<semaphore_mem>>) src(%arg10 : memref<125x128xf32, #tpu.memory_space<vmem>>) dst(%dma_wait3A_123 : memref<10240x128xf32, #tpu.memory_space<vmem_shared>>)
        tpu.yield
      }) : () -> ()
      %add3A_93 = arith.constant 2 : i32
      %add3A_94 = arith.addi %mul3A_78, %add3A_93 : i32
      %dma_start3A_95 = arith.constant 0 : i32
      %dma_start3A_96 = tpu.memref_slice %arg8[%add3A_94, %dma_start3A_95] : memref<40x125xi32, #tpu.memory_space<vmem>> -> memref<1x125xi32, #tpu.memory_space<vmem>>
      %dma_start3A_97 = tpu.memref_squeeze %dma_start3A_96 : memref<1x125xi32, #tpu.memory_space<vmem>> -> memref<125xi32, #tpu.memory_space<vmem>>
      %dma_start3A_98 = arith.constant 0 : i32
      %dma_start3A_99 = arith.constant 0 : i32
      %dma_start3A_100 = tpu.memref_slice %arg2[%dma_start3A_98, %dma_start3A_99] : memref<10000x128xf32, #tpu.memory_space<hbm>> -> memref<10000x128xf32, #tpu.memory_space<hbm>>
      tpu.enqueue_indirect_dma source(%dma_start3A_100 : memref<10000x128xf32, #tpu.memory_space<hbm>>) target(%arg10 : memref<125x128xf32, #tpu.memory_space<vmem>>) offsets(%dma_start3A_97 : memref<125xi32, #tpu.memory_space<vmem>>) semaphore(%arg13 : memref<!tpu.dma_semaphore, #tpu.memory_space<semaphore_mem>>)
      %add3A_101 = arith.constant 1 : i32
      %add3A_102 = arith.addi %mul3A_78, %add3A_101 : i32
      %dma_wait3A_103 = arith.constant 0 : i32
      %dma_wait3A_104 = tpu.memref_slice %arg8[%add3A_102, %dma_wait3A_103] : memref<40x125xi32, #tpu.memory_space<vmem>> -> memref<1x125xi32, #tpu.memory_space<vmem>>
      %dma_wait3A_105 = tpu.memref_squeeze %dma_wait3A_104 : memref<1x125xi32, #tpu.memory_space<vmem>> -> memref<125xi32, #tpu.memory_space<vmem>>
      %dma_wait3A_106 = arith.constant 0 : i32
      %dma_wait3A_107 = arith.constant 0 : i32
      %dma_wait3A_108 = tpu.memref_slice %arg2[%dma_wait3A_106, %dma_wait3A_107] : memref<10000x128xf32, #tpu.memory_space<hbm>> -> memref<10000x128xf32, #tpu.memory_space<hbm>>
      tpu.wait_indirect_dma semaphore(%arg14 : memref<!tpu.dma_semaphore, #tpu.memory_space<semaphore_mem>>) src(%dma_wait3A_108 : memref<10000x128xf32, #tpu.memory_space<hbm>>) dst(%arg11 : memref<125x128xf32, #tpu.memory_space<vmem>>)
      %add3A_109 = arith.constant 1 : i32
      %add3A_110 = arith.addi %mul3A_78, %add3A_109 : i32
      "tpu.region"() ({
        %run_scoped3A_111 = tpu.sem_alloc : memref<!tpu.dma_semaphore, #tpu.memory_space<semaphore_mem>>
        %dma_start3A_112 = arith.constant 0 : i32
        %dma_start3A_113 = tpu.memref_slice %arg9[%add3A_110, %dma_start3A_112] : memref<40x125xi32, #tpu.memory_space<vmem>> -> memref<1x125xi32, #tpu.memory_space<vmem>>
        %dma_start3A_114 = tpu.memref_squeeze %dma_start3A_113 : memref<1x125xi32, #tpu.memory_space<vmem>> -> memref<125xi32, #tpu.memory_space<vmem>>
        %dma_start3A_115 = arith.constant 0 : i32
        %dma_start3A_116 = arith.constant 0 : i32
        %dma_start3A_117 = tpu.memref_slice %arg12[%dma_start3A_115, %dma_start3A_116] : memref<10240x128xf32, #tpu.memory_space<vmem_shared>> -> memref<10240x128xf32, #tpu.memory_space<vmem_shared>>
        tpu.enqueue_indirect_dma source(%arg11 : memref<125x128xf32, #tpu.memory_space<vmem>>) target(%dma_start3A_117 : memref<10240x128xf32, #tpu.memory_space<vmem_shared>>) offsets(%dma_start3A_114 : memref<125xi32, #tpu.memory_space<vmem>>) semaphore(%run_scoped3A_111 : memref<!tpu.dma_semaphore, #tpu.memory_space<semaphore_mem>>) {add = true}
        %dma_wait3A_118 = arith.constant 0 : i32
        %dma_wait3A_119 = tpu.memref_slice %arg9[%add3A_110, %dma_wait3A_118] : memref<40x125xi32, #tpu.memory_space<vmem>> -> memref<1x125xi32, #tpu.memory_space<vmem>>
        %dma_wait3A_120 = tpu.memref_squeeze %dma_wait3A_119 : memref<1x125xi32, #tpu.memory_space<vmem>> -> memref<125xi32, #tpu.memory_space<vmem>>
        %dma_wait3A_121 = arith.constant 0 : i32
        %dma_wait3A_122 = arith.constant 0 : i32
        %dma_wait3A_123 = tpu.memref_slice %arg12[%dma_wait3A_121, %dma_wait3A_122] : memref<10240x128xf32, #tpu.memory_space<vmem_shared>> -> memref<10240x128xf32, #tpu.memory_space<vmem_shared>>
        tpu.wait_indirect_dma semaphore(%run_scoped3A_111 : memref<!tpu.dma_semaphore, #tpu.memory_space<semaphore_mem>>) src(%arg11 : memref<125x128xf32, #tpu.memory_space<vmem>>) dst(%dma_wait3A_123 : memref<10240x128xf32, #tpu.memory_space<vmem_shared>>)
        tpu.yield
      }) : () -> ()
    }
    %scan3A_47 = arith.constant 19 : i32
    %dma_start3A_48 = arith.constant 39 : i32
    %dma_start3A_49 = arith.constant 0 : i32
    %dma_start3A_50 = tpu.memref_slice %arg8[%dma_start3A_48, %dma_start3A_49] : memref<40x125xi32, #tpu.memory_space<vmem>> -> memref<1x125xi32, #tpu.memory_space<vmem>>
    %dma_start3A_51 = tpu.memref_squeeze %dma_start3A_50 : memref<1x125xi32, #tpu.memory_space<vmem>> -> memref<125xi32, #tpu.memory_space<vmem>>
    %dma_start3A_52 = arith.constant 0 : i32
    %dma_start3A_53 = arith.constant 0 : i32
    %dma_start3A_54 = tpu.memref_slice %arg2[%dma_start3A_52, %dma_start3A_53] : memref<10000x128xf32, #tpu.memory_space<hbm>> -> memref<10000x128xf32, #tpu.memory_space<hbm>>
    tpu.enqueue_indirect_dma source(%dma_start3A_54 : memref<10000x128xf32, #tpu.memory_space<hbm>>) target(%arg11 : memref<125x128xf32, #tpu.memory_space<vmem>>) offsets(%dma_start3A_51 : memref<125xi32, #tpu.memory_space<vmem>>) semaphore(%arg14 : memref<!tpu.dma_semaphore, #tpu.memory_space<semaphore_mem>>)
    %dma_wait3A_55 = arith.constant 38 : i32
    %dma_wait3A_56 = arith.constant 0 : i32
    %dma_wait3A_57 = tpu.memref_slice %arg8[%dma_wait3A_55, %dma_wait3A_56] : memref<40x125xi32, #tpu.memory_space<vmem>> -> memref<1x125xi32, #tpu.memory_space<vmem>>
    %dma_wait3A_58 = tpu.memref_squeeze %dma_wait3A_57 : memref<1x125xi32, #tpu.memory_space<vmem>> -> memref<125xi32, #tpu.memory_space<vmem>>
    %dma_wait3A_59 = arith.constant 0 : i32
    %dma_wait3A_60 = arith.constant 0 : i32
    %dma_wait3A_61 = tpu.memref_slice %arg2[%dma_wait3A_59, %dma_wait3A_60] : memref<10000x128xf32, #tpu.memory_space<hbm>> -> memref<10000x128xf32, #tpu.memory_space<hbm>>
    tpu.wait_indirect_dma semaphore(%arg13 : memref<!tpu.dma_semaphore, #tpu.memory_space<semaphore_mem>>) src(%dma_wait3A_61 : memref<10000x128xf32, #tpu.memory_space<hbm>>) dst(%arg10 : memref<125x128xf32, #tpu.memory_space<vmem>>)
    %run_scoped3A_62 = arith.constant 38 : i32
    "tpu.region"() ({
      %run_scoped3A_76 = tpu.sem_alloc : memref<!tpu.dma_semaphore, #tpu.memory_space<semaphore_mem>>
      %dma_start3A_77 = arith.constant 0 : i32
      %dma_start3A_78 = tpu.memref_slice %arg9[%run_scoped3A_62, %dma_start3A_77] : memref<40x125xi32, #tpu.memory_space<vmem>> -> memref<1x125xi32, #tpu.memory_space<vmem>>
      %dma_start3A_79 = tpu.memref_squeeze %dma_start3A_78 : memref<1x125xi32, #tpu.memory_space<vmem>> -> memref<125xi32, #tpu.memory_space<vmem>>
      %dma_start3A_80 = arith.constant 0 : i32
      %dma_start3A_81 = arith.constant 0 : i32
      %dma_start3A_82 = tpu.memref_slice %arg12[%dma_start3A_80, %dma_start3A_81] : memref<10240x128xf32, #tpu.memory_space<vmem_shared>> -> memref<10240x128xf32, #tpu.memory_space<vmem_shared>>
      tpu.enqueue_indirect_dma source(%arg10 : memref<125x128xf32, #tpu.memory_space<vmem>>) target(%dma_start3A_82 : memref<10240x128xf32, #tpu.memory_space<vmem_shared>>) offsets(%dma_start3A_79 : memref<125xi32, #tpu.memory_space<vmem>>) semaphore(%run_scoped3A_76 : memref<!tpu.dma_semaphore, #tpu.memory_space<semaphore_mem>>) {add = true}
      %dma_wait3A_83 = arith.constant 0 : i32
      %dma_wait3A_84 = tpu.memref_slice %arg9[%run_scoped3A_62, %dma_wait3A_83] : memref<40x125xi32, #tpu.memory_space<vmem>> -> memref<1x125xi32, #tpu.memory_space<vmem>>
      %dma_wait3A_85 = tpu.memref_squeeze %dma_wait3A_84 : memref<1x125xi32, #tpu.memory_space<vmem>> -> memref<125xi32, #tpu.memory_space<vmem>>
      %dma_wait3A_86 = arith.constant 0 : i32
      %dma_wait3A_87 = arith.constant 0 : i32
      %dma_wait3A_88 = tpu.memref_slice %arg12[%dma_wait3A_86, %dma_wait3A_87] : memref<10240x128xf32, #tpu.memory_space<vmem_shared>> -> memref<10240x128xf32, #tpu.memory_space<vmem_shared>>
      tpu.wait_indirect_dma semaphore(%run_scoped3A_76 : memref<!tpu.dma_semaphore, #tpu.memory_space<semaphore_mem>>) src(%arg10 : memref<125x128xf32, #tpu.memory_space<vmem>>) dst(%dma_wait3A_88 : memref<10240x128xf32, #tpu.memory_space<vmem_shared>>)
      tpu.yield
    }) : () -> ()
    %dma_wait3A_63 = arith.constant 39 : i32
    %dma_wait3A_64 = arith.constant 0 : i32
    %dma_wait3A_65 = tpu.memref_slice %arg8[%dma_wait3A_63, %dma_wait3A_64] : memref<40x125xi32, #tpu.memory_space<vmem>> -> memref<1x125xi32, #tpu.memory_space<vmem>>
    %dma_wait3A_66 = tpu.memref_squeeze %dma_wait3A_65 : memref<1x125xi32, #tpu.memory_space<vmem>> -> memref<125xi32, #tpu.memory_space<vmem>>
    %dma_wait3A_67 = arith.constant 0 : i32
    %dma_wait3A_68 = arith.constant 0 : i32
    %dma_wait3A_69 = tpu.memref_slice %arg2[%dma_wait3A_67, %dma_wait3A_68] : memref<10000x128xf32, #tpu.memory_space<hbm>> -> memref<10000x128xf32, #tpu.memory_space<hbm>>
    tpu.wait_indirect_dma semaphore(%arg14 : memref<!tpu.dma_semaphore, #tpu.memory_space<semaphore_mem>>) src(%dma_wait3A_69 : memref<10000x128xf32, #tpu.memory_space<hbm>>) dst(%arg11 : memref<125x128xf32, #tpu.memory_space<vmem>>)
    %run_scoped3A_70 = arith.constant 39 : i32
    "tpu.region"() ({
      %run_scoped3A_76 = tpu.sem_alloc : memref<!tpu.dma_semaphore, #tpu.memory_space<semaphore_mem>>
      %dma_start3A_77 = arith.constant 0 : i32
      %dma_start3A_78 = tpu.memref_slice %arg9[%run_scoped3A_70, %dma_start3A_77] : memref<40x125xi32, #tpu.memory_space<vmem>> -> memref<1x125xi32, #tpu.memory_space<vmem>>
      %dma_start3A_79 = tpu.memref_squeeze %dma_start3A_78 : memref<1x125xi32, #tpu.memory_space<vmem>> -> memref<125xi32, #tpu.memory_space<vmem>>
      %dma_start3A_80 = arith.constant 0 : i32
      %dma_start3A_81 = arith.constant 0 : i32
      %dma_start3A_82 = tpu.memref_slice %arg12[%dma_start3A_80, %dma_start3A_81] : memref<10240x128xf32, #tpu.memory_space<vmem_shared>> -> memref<10240x128xf32, #tpu.memory_space<vmem_shared>>
      tpu.enqueue_indirect_dma source(%arg11 : memref<125x128xf32, #tpu.memory_space<vmem>>) target(%dma_start3A_82 : memref<10240x128xf32, #tpu.memory_space<vmem_shared>>) offsets(%dma_start3A_79 : memref<125xi32, #tpu.memory_space<vmem>>) semaphore(%run_scoped3A_76 : memref<!tpu.dma_semaphore, #tpu.memory_space<semaphore_mem>>) {add = true}
      %dma_wait3A_83 = arith.constant 0 : i32
      %dma_wait3A_84 = tpu.memref_slice %arg9[%run_scoped3A_70, %dma_wait3A_83] : memref<40x125xi32, #tpu.memory_space<vmem>> -> memref<1x125xi32, #tpu.memory_space<vmem>>
      %dma_wait3A_85 = tpu.memref_squeeze %dma_wait3A_84 : memref<1x125xi32, #tpu.memory_space<vmem>> -> memref<125xi32, #tpu.memory_space<vmem>>
      %dma_wait3A_86 = arith.constant 0 : i32
      %dma_wait3A_87 = arith.constant 0 : i32
      %dma_wait3A_88 = tpu.memref_slice %arg12[%dma_wait3A_86, %dma_wait3A_87] : memref<10240x128xf32, #tpu.memory_space<vmem_shared>> -> memref<10240x128xf32, #tpu.memory_space<vmem_shared>>
      tpu.wait_indirect_dma semaphore(%run_scoped3A_76 : memref<!tpu.dma_semaphore, #tpu.memory_space<semaphore_mem>>) src(%arg11 : memref<125x128xf32, #tpu.memory_space<vmem>>) dst(%dma_wait3A_88 : memref<10240x128xf32, #tpu.memory_space<vmem_shared>>)
      tpu.yield
    }) : () -> ()
    %barrier3A_71 = arith.constant 0 : index
    tpu.barrier barrier_id(%barrier3A_71)
    %mul3A_72 = arith.constant 640 : i32
    %mul3A_73 = arith.muli %arg1, %mul3A_72 : i32
    %mul3A_74 = arith.constant 640 : i32
    %mul3A_75 = arith.muli %arg1, %mul3A_74 : i32
    "tpu.region"() ({
      %run_scoped3A_76 = tpu.sem_alloc : memref<!tpu.dma_semaphore, #tpu.memory_space<semaphore_mem>>
      %dma_start3A_77 = arith.constant 0 : i32
      %dma_start3A_78 = tpu.memref_slice %arg7[%arg0, %mul3A_75, %dma_start3A_77] : memref<2x10240x128xf32, #tpu.memory_space<hbm>> -> memref<1x640x128xf32, #tpu.memory_space<hbm>>
      %dma_start3A_79 = tpu.memref_squeeze %dma_start3A_78 : memref<1x640x128xf32, #tpu.memory_space<hbm>> -> memref<640x128xf32, #tpu.memory_space<hbm>>
      %dma_start3A_80 = arith.constant 0 : i32
      %dma_start3A_81 = tpu.memref_slice %arg12[%mul3A_73, %dma_start3A_80] : memref<10240x128xf32, #tpu.memory_space<vmem_shared>> -> memref<640x128xf32, #tpu.memory_space<vmem_shared>>
      tpu.enqueue_dma source(%dma_start3A_81 : memref<640x128xf32, #tpu.memory_space<vmem_shared>>) target(%dma_start3A_79 : memref<640x128xf32, #tpu.memory_space<hbm>>) target_semaphore(%run_scoped3A_76 : memref<!tpu.dma_semaphore, #tpu.memory_space<semaphore_mem>>)
      %dma_wait3A_82 = arith.constant 0 : i32
      %dma_wait3A_83 = tpu.memref_slice %arg7[%arg0, %mul3A_75, %dma_wait3A_82] : memref<2x10240x128xf32, #tpu.memory_space<hbm>> -> memref<1x640x128xf32, #tpu.memory_space<hbm>>
      %dma_wait3A_84 = tpu.memref_squeeze %dma_wait3A_83 : memref<1x640x128xf32, #tpu.memory_space<hbm>> -> memref<640x128xf32, #tpu.memory_space<hbm>>
      %dma_wait3A_85 = arith.constant 0 : i32
      %dma_wait3A_86 = tpu.memref_slice %arg12[%mul3A_73, %dma_wait3A_85] : memref<10240x128xf32, #tpu.memory_space<vmem_shared>> -> memref<640x128xf32, #tpu.memory_space<vmem_shared>>
      tpu.wait_dma2 semaphore(%run_scoped3A_76 : memref<!tpu.dma_semaphore, #tpu.memory_space<semaphore_mem>>) src(%dma_wait3A_86 : memref<640x128xf32, #tpu.memory_space<vmem_shared>>) dst(%dma_wait3A_84 : memref<640x128xf32, #tpu.memory_space<hbm>>)
      tpu.yield
    }) : () -> ()
    return
  }
}

module attributes {stable_mosaic.version = 14 : i64} {
  func.func @_kr_body(%arg0: i32, %arg1: memref<400x128xf32, #tpu.memory_space<vmem>>, %arg2: memref<128x128xf32, #tpu.memory_space<vmem>>, %arg3: memref<1x128xf32, #tpu.memory_space<vmem>>, %arg4: memref<400x128xf32, #tpu.memory_space<vmem>>) attributes {dimension_semantics = [#tpu.dimension_semantics<arbitrary>], iteration_bounds = array<i64: 25>, scalar_prefetch = 0 : i64, scratch_operands = 0 : i64, tpu.core_type = #tpu.core_type<tc>, window_params = [{transform_indices = @transform_0, window_bounds = array<i64: 400, 128>}, {pipeline_mode = #tpu.pipeline_mode<synchronous>, transform_indices = @transform_1, window_bounds = array<i64: 128, 128>}, {pipeline_mode = #tpu.pipeline_mode<synchronous>, transform_indices = @transform_2, window_bounds = array<i64: 1, 128>}, {transform_indices = @transform_3, window_bounds = array<i64: 400, 128>}]} {
    %get3A = arith.constant 0 : index
    %get3A_0 = arith.constant 0 : index
    %get3A_1 = vector.load %arg1[%get3A, %get3A_0] : memref<400x128xf32, #tpu.memory_space<vmem>>, vector<400x128xf32>
    %get3A_2 = arith.constant 0 : index
    %get3A_3 = arith.constant 0 : index
    %get3A_4 = vector.load %arg2[%get3A_2, %get3A_3] : memref<128x128xf32, #tpu.memory_space<vmem>>, vector<128x128xf32>
    %dot_general3A = arith.constant dense<0.000000e+00> : vector<400x128xf32>
    %dot_general3A_5 = tpu.matmul %get3A_1, %get3A_4, %dot_general3A {dimension_numbers = #tpu.dot_dimension_numbers<[1], [0], [0], [1], [0, 0, 1, 1], [], []>, transpose_lhs_hint = false} : vector<400x128xf32>, vector<128x128xf32>, vector<400x128xf32> -> vector<400x128xf32>
    %get3A_6 = arith.constant 0 : index
    %get3A_7 = arith.constant 0 : index
    %get3A_8 = vector.load %arg3[%get3A_6, %get3A_7] : memref<1x128xf32, #tpu.memory_space<vmem>>, vector<1x128xf32>
    %add3A = vector.broadcast %get3A_8 : vector<1x128xf32> to vector<400x128xf32>
    %add3A_9 = arith.addf %dot_general3A_5, %add3A : vector<400x128xf32>
    %swap3A = arith.constant 0 : index
    %swap3A_10 = arith.constant 0 : index
    %swap3A_11 = vector.load %arg4[%swap3A, %swap3A_10] : memref<400x128xf32, #tpu.memory_space<vmem>>, vector<400x128xf32>
    tpu.vector_store %arg4[%swap3A, %swap3A_10], %add3A_9 {strides = array<i32>} : memref<400x128xf32, #tpu.memory_space<vmem>>, vector<400x128xf32>,
    return
  }
  func.func @transform_0(%arg0: i32) -> (i32, i32) {
    %c0_i32 = arith.constant 0 : i32
    %c0_i32_0 = arith.constant 0 : i32
    return %arg0, %c0_i32 : i32, i32
  }
  func.func @transform_1(%arg0: i32) -> (i32, i32) {
    %c0_i32 = arith.constant 0 : i32
    %c0_i32_0 = arith.constant 0 : i32
    %c0_i32_1 = arith.constant 0 : i32
    return %c0_i32, %c0_i32_0 : i32, i32
  }
  func.func @transform_2(%arg0: i32) -> (i32, i32) {
    %c0_i32 = arith.constant 0 : i32
    %c0_i32_0 = arith.constant 0 : i32
    %c0_i32_1 = arith.constant 0 : i32
    return %c0_i32, %c0_i32_0 : i32, i32
  }
  func.func @transform_3(%arg0: i32) -> (i32, i32) {
    %c0_i32 = arith.constant 0 : i32
    %c0_i32_0 = arith.constant 0 : i32
    return %arg0, %c0_i32 : i32, i32
  }
}

module attributes {stable_mosaic.version = 14 : i64} {
  func.func @_k1_body(%arg0: i32, %arg1: memref<400x128xf32, #tpu.memory_space<vmem>>, %arg2: memref<128x128xf32, #tpu.memory_space<vmem>>, %arg3: memref<1x128xf32, #tpu.memory_space<vmem>>, %arg4: memref<128x128xf32, #tpu.memory_space<vmem>>, %arg5: memref<400x128xf32, #tpu.memory_space<vmem>>, %arg6: memref<400x128xf32, #tpu.memory_space<vmem>>) attributes {dimension_semantics = [#tpu.dimension_semantics<arbitrary>], iteration_bounds = array<i64: 25>, scalar_prefetch = 0 : i64, scratch_operands = 0 : i64, tpu.core_type = #tpu.core_type<tc>, window_params = [{transform_indices = @transform_0, window_bounds = array<i64: 400, 128>}, {pipeline_mode = #tpu.pipeline_mode<synchronous>, transform_indices = @transform_1, window_bounds = array<i64: 128, 128>}, {pipeline_mode = #tpu.pipeline_mode<synchronous>, transform_indices = @transform_2, window_bounds = array<i64: 1, 128>}, {pipeline_mode = #tpu.pipeline_mode<synchronous>, transform_indices = @transform_3, window_bounds = array<i64: 128, 128>}, {transform_indices = @transform_4, window_bounds = array<i64: 400, 128>}, {transform_indices = @transform_5, window_bounds = array<i64: 400, 128>}]} {
    %get3A = arith.constant 0 : index
    %get3A_0 = arith.constant 0 : index
    %get3A_1 = vector.load %arg1[%get3A, %get3A_0] : memref<400x128xf32, #tpu.memory_space<vmem>>, vector<400x128xf32>
    %get3A_2 = arith.constant 0 : index
    %get3A_3 = arith.constant 0 : index
    %get3A_4 = vector.load %arg2[%get3A_2, %get3A_3] : memref<128x128xf32, #tpu.memory_space<vmem>>, vector<128x128xf32>
    %dot_general3A = arith.constant dense<0.000000e+00> : vector<400x128xf32>
    %dot_general3A_5 = tpu.matmul %get3A_1, %get3A_4, %dot_general3A {dimension_numbers = #tpu.dot_dimension_numbers<[1], [0], [0], [1], [0, 0, 1, 1], [], []>, transpose_lhs_hint = false} : vector<400x128xf32>, vector<128x128xf32>, vector<400x128xf32> -> vector<400x128xf32>
    %get3A_6 = arith.constant 0 : index
    %get3A_7 = arith.constant 0 : index
    %get3A_8 = vector.load %arg3[%get3A_6, %get3A_7] : memref<1x128xf32, #tpu.memory_space<vmem>>, vector<1x128xf32>
    %add3A = vector.broadcast %get3A_8 : vector<1x128xf32> to vector<400x128xf32>
    %add3A_9 = arith.addf %dot_general3A_5, %add3A : vector<400x128xf32>
    %max3A = arith.constant 0.000000e+00 : f32
    %max3A_10 = vector.broadcast %max3A : f32 to vector<400x128xf32>
    %max3A_11 = arith.maximumf %add3A_9, %max3A_10 : vector<400x128xf32>
    %swap3A = arith.constant 0 : index
    %swap3A_12 = arith.constant 0 : index
    %swap3A_13 = vector.load %arg5[%swap3A, %swap3A_12] : memref<400x128xf32, #tpu.memory_space<vmem>>, vector<400x128xf32>
    tpu.vector_store %arg5[%swap3A, %swap3A_12], %max3A_11 {strides = array<i32>} : memref<400x128xf32, #tpu.memory_space<vmem>>, vector<400x128xf32>,
    %get3A_14 = arith.constant 0 : index
    %get3A_15 = arith.constant 0 : index
    %get3A_16 = vector.load %arg4[%get3A_14, %get3A_15] : memref<128x128xf32, #tpu.memory_space<vmem>>, vector<128x128xf32>
    %dot_general3A_17 = arith.constant dense<0.000000e+00> : vector<400x128xf32>
    %dot_general3A_18 = tpu.matmul %max3A_11, %get3A_16, %dot_general3A_17 {dimension_numbers = #tpu.dot_dimension_numbers<[1], [0], [0], [1], [0, 0, 1, 1], [], []>, transpose_lhs_hint = false} : vector<400x128xf32>, vector<128x128xf32>, vector<400x128xf32> -> vector<400x128xf32>
    %swap3A_19 = arith.constant 0 : index
    %swap3A_20 = arith.constant 0 : index
    %swap3A_21 = vector.load %arg6[%swap3A_19, %swap3A_20] : memref<400x128xf32, #tpu.memory_space<vmem>>, vector<400x128xf32>
    tpu.vector_store %arg6[%swap3A_19, %swap3A_20], %dot_general3A_18 {strides = array<i32>} : memref<400x128xf32, #tpu.memory_space<vmem>>, vector<400x128xf32>,
    return
  }
  func.func @transform_0(%arg0: i32) -> (i32, i32) {
    %c0_i32 = arith.constant 0 : i32
    %c0_i32_0 = arith.constant 0 : i32
    return %arg0, %c0_i32 : i32, i32
  }
  func.func @transform_1(%arg0: i32) -> (i32, i32) {
    %c0_i32 = arith.constant 0 : i32
    %c0_i32_0 = arith.constant 0 : i32
    %c0_i32_1 = arith.constant 0 : i32
    return %c0_i32, %c0_i32_0 : i32, i32
  }
  func.func @transform_2(%arg0: i32) -> (i32, i32) {
    %c0_i32 = arith.constant 0 : i32
    %c0_i32_0 = arith.constant 0 : i32
    %c0_i32_1 = arith.constant 0 : i32
    return %c0_i32, %c0_i32_0 : i32, i32
  }
  func.func @transform_3(%arg0: i32) -> (i32, i32) {
    %c0_i32 = arith.constant 0 : i32
    %c0_i32_0 = arith.constant 0 : i32
    %c0_i32_1 = arith.constant 0 : i32
    return %c0_i32, %c0_i32_0 : i32, i32
  }
  func.func @transform_4(%arg0: i32) -> (i32, i32) {
    %c0_i32 = arith.constant 0 : i32
    %c0_i32_0 = arith.constant 0 : i32
    return %arg0, %c0_i32 : i32, i32
  }
  func.func @transform_5(%arg0: i32) -> (i32, i32) {
    %c0_i32 = arith.constant 0 : i32
    %c0_i32_0 = arith.constant 0 : i32
    return %arg0, %c0_i32 : i32, i32
  }
}

module attributes {stable_mosaic.version = 14 : i64} {
  func.func @_k2_body(%arg0: i32, %arg1: memref<2x400x128xf32, #tpu.memory_space<vmem>>, %arg2: memref<2x400x128xf32, #tpu.memory_space<vmem>>, %arg3: memref<400x128xf32, #tpu.memory_space<vmem>>, %arg4: memref<128x128xf32, #tpu.memory_space<vmem>>, %arg5: memref<400x128xf32, #tpu.memory_space<vmem>>, %arg6: memref<400x128xf32, #tpu.memory_space<vmem>>) attributes {dimension_semantics = [#tpu.dimension_semantics<arbitrary>], iteration_bounds = array<i64: 25>, scalar_prefetch = 0 : i64, scratch_operands = 0 : i64, tpu.core_type = #tpu.core_type<tc>, window_params = [{transform_indices = @transform_0, window_bounds = array<i64: 2, 400, 128>}, {transform_indices = @transform_1, window_bounds = array<i64: 2, 400, 128>}, {transform_indices = @transform_2, window_bounds = array<i64: 400, 128>}, {pipeline_mode = #tpu.pipeline_mode<synchronous>, transform_indices = @transform_3, window_bounds = array<i64: 128, 128>}, {transform_indices = @transform_4, window_bounds = array<i64: 400, 128>}, {transform_indices = @transform_5, window_bounds = array<i64: 400, 128>}]} {
    %get3A = arith.constant 0 : index
    %get3A_0 = arith.constant 0 : index
    %get3A_1 = arith.constant 0 : index
    %get3A_2 = vector.load %arg1[%get3A, %get3A_0, %get3A_1] : memref<2x400x128xf32, #tpu.memory_space<vmem>>, vector<1x400x128xf32>
    %get3A_3 = vector.shape_cast %get3A_2 : vector<1x400x128xf32> to vector<400x128xf32>
    %get3A_4 = arith.constant 1 : index
    %get3A_5 = arith.constant 0 : index
    %get3A_6 = arith.constant 0 : index
    %get3A_7 = vector.load %arg1[%get3A_4, %get3A_5, %get3A_6] : memref<2x400x128xf32, #tpu.memory_space<vmem>>, vector<1x400x128xf32>
    %get3A_8 = vector.shape_cast %get3A_7 : vector<1x400x128xf32> to vector<400x128xf32>
    %add3A = arith.addf %get3A_3, %get3A_8 : vector<400x128xf32>
    %get3A_9 = arith.constant 0 : index
    %get3A_10 = arith.constant 0 : index
    %get3A_11 = arith.constant 0 : index
    %get3A_12 = vector.load %arg2[%get3A_9, %get3A_10, %get3A_11] : memref<2x400x128xf32, #tpu.memory_space<vmem>>, vector<1x400x128xf32>
    %get3A_13 = vector.shape_cast %get3A_12 : vector<1x400x128xf32> to vector<400x128xf32>
    %get3A_14 = arith.constant 1 : index
    %get3A_15 = arith.constant 0 : index
    %get3A_16 = arith.constant 0 : index
    %get3A_17 = vector.load %arg2[%get3A_14, %get3A_15, %get3A_16] : memref<2x400x128xf32, #tpu.memory_space<vmem>>, vector<1x400x128xf32>
    %get3A_18 = vector.shape_cast %get3A_17 : vector<1x400x128xf32> to vector<400x128xf32>
    %add3A_19 = arith.addf %get3A_13, %get3A_18 : vector<400x128xf32>
    %reduce_sum3A = arith.constant dense<0.000000e+00> : vector<400xf32>
    %reduce_sum3A_20 = vector.multi_reduction <add>, %add3A_19, %reduce_sum3A [1] : vector<400x128xf32> to vector<400xf32>
    %broadcast_in_dim3A = vector.shape_cast %reduce_sum3A_20 : vector<400xf32> to vector<400x1xf32>
    %mul3A = arith.constant 7.812500e-03 : f32
    %mul3A_21 = vector.broadcast %mul3A : f32 to vector<400x1xf32>
    %mul3A_22 = arith.mulf %broadcast_in_dim3A, %mul3A_21 : vector<400x1xf32>
    %max3A = arith.constant 1.000000e+00 : f32
    %max3A_23 = vector.broadcast %max3A : f32 to vector<400x1xf32>
    %max3A_24 = arith.maximumf %mul3A_22, %max3A_23 : vector<400x1xf32>
    %div3A = arith.constant 1.000000e+00 : f32
    %div3A_25 = vector.broadcast %div3A : f32 to vector<400x1xf32>
    %div3A_26 = arith.divf %div3A_25, %max3A_24 : vector<400x1xf32>
    %mul3A_27 = vector.broadcast %div3A_26 : vector<400x1xf32> to vector<400x128xf32>
    %mul3A_28 = arith.mulf %add3A, %mul3A_27 : vector<400x128xf32>
    %get3A_29 = arith.constant 0 : index
    %get3A_30 = arith.constant 0 : index
    %get3A_31 = vector.load %arg3[%get3A_29, %get3A_30] : memref<400x128xf32, #tpu.memory_space<vmem>>, vector<400x128xf32>
    %add3A_32 = arith.addf %mul3A_28, %get3A_31 : vector<400x128xf32>
    %max3A_33 = arith.constant 0.000000e+00 : f32
    %max3A_34 = vector.broadcast %max3A_33 : f32 to vector<400x128xf32>
    %max3A_35 = arith.maximumf %add3A_32, %max3A_34 : vector<400x128xf32>
    %swap3A = arith.constant 0 : index
    %swap3A_36 = arith.constant 0 : index
    %swap3A_37 = vector.load %arg5[%swap3A, %swap3A_36] : memref<400x128xf32, #tpu.memory_space<vmem>>, vector<400x128xf32>
    tpu.vector_store %arg5[%swap3A, %swap3A_36], %max3A_35 {strides = array<i32>} : memref<400x128xf32, #tpu.memory_space<vmem>>, vector<400x128xf32>,
    %get3A_38 = arith.constant 0 : index
    %get3A_39 = arith.constant 0 : index
    %get3A_40 = vector.load %arg4[%get3A_38, %get3A_39] : memref<128x128xf32, #tpu.memory_space<vmem>>, vector<128x128xf32>
    %dot_general3A = arith.constant dense<0.000000e+00> : vector<400x128xf32>
    %dot_general3A_41 = tpu.matmul %max3A_35, %get3A_40, %dot_general3A {dimension_numbers = #tpu.dot_dimension_numbers<[1], [0], [0], [1], [0, 0, 1, 1], [], []>, transpose_lhs_hint = false} : vector<400x128xf32>, vector<128x128xf32>, vector<400x128xf32> -> vector<400x128xf32>
    %swap3A_42 = arith.constant 0 : index
    %swap3A_43 = arith.constant 0 : index
    %swap3A_44 = vector.load %arg6[%swap3A_42, %swap3A_43] : memref<400x128xf32, #tpu.memory_space<vmem>>, vector<400x128xf32>
    tpu.vector_store %arg6[%swap3A_42, %swap3A_43], %dot_general3A_41 {strides = array<i32>} : memref<400x128xf32, #tpu.memory_space<vmem>>, vector<400x128xf32>,
    return
  }
  func.func @transform_0(%arg0: i32) -> (i32, i32, i32) {
    %c0_i32 = arith.constant 0 : i32
    %c0_i32_0 = arith.constant 0 : i32
    %c0_i32_1 = arith.constant 0 : i32
    return %c0_i32, %arg0, %c0_i32_0 : i32, i32, i32
  }
  func.func @transform_1(%arg0: i32) -> (i32, i32, i32) {
    %c0_i32 = arith.constant 0 : i32
    %c0_i32_0 = arith.constant 0 : i32
    %c0_i32_1 = arith.constant 0 : i32
    return %c0_i32, %arg0, %c0_i32_0 : i32, i32, i32
  }
  func.func @transform_2(%arg0: i32) -> (i32, i32) {
    %c0_i32 = arith.constant 0 : i32
    %c0_i32_0 = arith.constant 0 : i32
    return %arg0, %c0_i32 : i32, i32
  }
  func.func @transform_3(%arg0: i32) -> (i32, i32) {
    %c0_i32 = arith.constant 0 : i32
    %c0_i32_0 = arith.constant 0 : i32
    %c0_i32_1 = arith.constant 0 : i32
    return %c0_i32, %c0_i32_0 : i32, i32
  }
  func.func @transform_4(%arg0: i32) -> (i32, i32) {
    %c0_i32 = arith.constant 0 : i32
    %c0_i32_0 = arith.constant 0 : i32
    return %arg0, %c0_i32 : i32, i32
  }
  func.func @transform_5(%arg0: i32) -> (i32, i32) {
    %c0_i32 = arith.constant 0 : i32
    %c0_i32_0 = arith.constant 0 : i32
    return %arg0, %c0_i32 : i32, i32
  }
}

module attributes {stable_mosaic.version = 14 : i64} {
  func.func @_k3_body(%arg0: i32, %arg1: memref<2x400x128xf32, #tpu.memory_space<vmem>>, %arg2: memref<2x400x128xf32, #tpu.memory_space<vmem>>, %arg3: memref<400x128xf32, #tpu.memory_space<vmem>>, %arg4: memref<128x64xf32, #tpu.memory_space<vmem>>, %arg5: memref<1x64xf32, #tpu.memory_space<vmem>>, %arg6: memref<64x128xf32, #tpu.memory_space<vmem>>, %arg7: memref<1x128xf32, #tpu.memory_space<vmem>>, %arg8: memref<1x128xf32, #tpu.memory_space<vmem>>, %arg9: memref<1x128xf32, #tpu.memory_space<vmem>>) attributes {dimension_semantics = [#tpu.dimension_semantics<arbitrary>], iteration_bounds = array<i64: 25>, scalar_prefetch = 0 : i64, scratch_operands = 1 : i64, tpu.core_type = #tpu.core_type<tc>, window_params = [{transform_indices = @transform_0, window_bounds = array<i64: 2, 400, 128>}, {transform_indices = @transform_1, window_bounds = array<i64: 2, 400, 128>}, {transform_indices = @transform_2, window_bounds = array<i64: 400, 128>}, {pipeline_mode = #tpu.pipeline_mode<synchronous>, transform_indices = @transform_3, window_bounds = array<i64: 128, 64>}, {pipeline_mode = #tpu.pipeline_mode<synchronous>, transform_indices = @transform_4, window_bounds = array<i64: 1, 64>}, {pipeline_mode = #tpu.pipeline_mode<synchronous>, transform_indices = @transform_5, window_bounds = array<i64: 64, 128>}, {pipeline_mode = #tpu.pipeline_mode<synchronous>, transform_indices = @transform_6, window_bounds = array<i64: 1, 128>}, {pipeline_mode = #tpu.pipeline_mode<synchronous>, transform_indices = @transform_7, window_bounds = array<i64: 1, 128>}]} {
    %get3A = arith.constant 0 : index
    %get3A_0 = arith.constant 0 : index
    %get3A_1 = arith.constant 0 : index
    %get3A_2 = vector.load %arg1[%get3A, %get3A_0, %get3A_1] : memref<2x400x128xf32, #tpu.memory_space<vmem>>, vector<1x400x128xf32>
    %get3A_3 = vector.shape_cast %get3A_2 : vector<1x400x128xf32> to vector<400x128xf32>
    %get3A_4 = arith.constant 1 : index
    %get3A_5 = arith.constant 0 : index
    %get3A_6 = arith.constant 0 : index
    %get3A_7 = vector.load %arg1[%get3A_4, %get3A_5, %get3A_6] : memref<2x400x128xf32, #tpu.memory_space<vmem>>, vector<1x400x128xf32>
    %get3A_8 = vector.shape_cast %get3A_7 : vector<1x400x128xf32> to vector<400x128xf32>
    %add3A = arith.addf %get3A_3, %get3A_8 : vector<400x128xf32>
    %get3A_9 = arith.constant 0 : index
    %get3A_10 = arith.constant 0 : index
    %get3A_11 = arith.constant 0 : index
    %get3A_12 = vector.load %arg2[%get3A_9, %get3A_10, %get3A_11] : memref<2x400x128xf32, #tpu.memory_space<vmem>>, vector<1x400x128xf32>
    %get3A_13 = vector.shape_cast %get3A_12 : vector<1x400x128xf32> to vector<400x128xf32>
    %get3A_14 = arith.constant 1 : index
    %get3A_15 = arith.constant 0 : index
    %get3A_16 = arith.constant 0 : index
    %get3A_17 = vector.load %arg2[%get3A_14, %get3A_15, %get3A_16] : memref<2x400x128xf32, #tpu.memory_space<vmem>>, vector<1x400x128xf32>
    %get3A_18 = vector.shape_cast %get3A_17 : vector<1x400x128xf32> to vector<400x128xf32>
    %add3A_19 = arith.addf %get3A_13, %get3A_18 : vector<400x128xf32>
    %reduce_sum3A = arith.constant dense<0.000000e+00> : vector<400xf32>
    %reduce_sum3A_20 = vector.multi_reduction <add>, %add3A_19, %reduce_sum3A [1] : vector<400x128xf32> to vector<400xf32>
    %broadcast_in_dim3A = vector.shape_cast %reduce_sum3A_20 : vector<400xf32> to vector<400x1xf32>
    %mul3A = arith.constant 7.812500e-03 : f32
    %mul3A_21 = vector.broadcast %mul3A : f32 to vector<400x1xf32>
    %mul3A_22 = arith.mulf %broadcast_in_dim3A, %mul3A_21 : vector<400x1xf32>
    %max3A = arith.constant 1.000000e+00 : f32
    %max3A_23 = vector.broadcast %max3A : f32 to vector<400x1xf32>
    %max3A_24 = arith.maximumf %mul3A_22, %max3A_23 : vector<400x1xf32>
    %div3A = arith.constant 1.000000e+00 : f32
    %div3A_25 = vector.broadcast %div3A : f32 to vector<400x1xf32>
    %div3A_26 = arith.divf %div3A_25, %max3A_24 : vector<400x1xf32>
    %mul3A_27 = vector.broadcast %div3A_26 : vector<400x1xf32> to vector<400x128xf32>
    %mul3A_28 = arith.mulf %add3A, %mul3A_27 : vector<400x128xf32>
    %get3A_29 = arith.constant 0 : index
    %get3A_30 = arith.constant 0 : index
    %get3A_31 = vector.load %arg3[%get3A_29, %get3A_30] : memref<400x128xf32, #tpu.memory_space<vmem>>, vector<400x128xf32>
    %add3A_32 = arith.addf %mul3A_28, %get3A_31 : vector<400x128xf32>
    %max3A_33 = arith.constant 0.000000e+00 : f32
    %max3A_34 = vector.broadcast %max3A_33 : f32 to vector<400x128xf32>
    %max3A_35 = arith.maximumf %add3A_32, %max3A_34 : vector<400x128xf32>
    %eq3A = arith.constant 0 : i32
    %eq3A_36 = arith.cmpi eq, %arg0, %eq3A : i32
    %convert_element_type3A = arith.extui %eq3A_36 : i1 to i32
    %cond3A = arith.constant 0 : i32
    %cond3A_37 = arith.cmpi ne, %convert_element_type3A, %cond3A : i32
    scf.if %cond3A_37 {
      %broadcast_in_dim3A_52 = arith.constant 0.000000e+00 : f32
      %broadcast_in_dim3A_53 = vector.broadcast %broadcast_in_dim3A_52 : f32 to vector<1x128xf32>
      %swap3A_54 = arith.constant 0 : index
      %swap3A_55 = arith.constant 0 : index
      %swap3A_56 = vector.load %arg9[%swap3A_54, %swap3A_55] : memref<1x128xf32, #tpu.memory_space<vmem>>, vector<1x128xf32>
      tpu.vector_store %arg9[%swap3A_54, %swap3A_55], %broadcast_in_dim3A_53 {strides = array<i32>} : memref<1x128xf32, #tpu.memory_space<vmem>>, vector<1x128xf32>,
    } else {
    }
    %get3A_38 = arith.constant 0 : index
    %get3A_39 = arith.constant 0 : index
    %get3A_40 = vector.load %arg9[%get3A_38, %get3A_39] : memref<1x128xf32, #tpu.memory_space<vmem>>, vector<1x128xf32>
    %reduce_sum3A_41 = arith.constant dense<0.000000e+00> : vector<128xf32>
    %reduce_sum3A_42 = vector.multi_reduction <add>, %max3A_35, %reduce_sum3A_41 [0] : vector<400x128xf32> to vector<128xf32>
    %broadcast_in_dim3A_43 = vector.shape_cast %reduce_sum3A_42 : vector<128xf32> to vector<1x128xf32>
    %add3A_44 = arith.addf %get3A_40, %broadcast_in_dim3A_43 : vector<1x128xf32>
    %swap3A = arith.constant 0 : index
    %swap3A_45 = arith.constant 0 : index
    %swap3A_46 = vector.load %arg9[%swap3A, %swap3A_45] : memref<1x128xf32, #tpu.memory_space<vmem>>, vector<1x128xf32>
    tpu.vector_store %arg9[%swap3A, %swap3A_45], %add3A_44 {strides = array<i32>} : memref<1x128xf32, #tpu.memory_space<vmem>>, vector<1x128xf32>,
    %eq3A_47 = arith.constant 24 : i32
    %eq3A_48 = arith.cmpi eq, %arg0, %eq3A_47 : i32
    %convert_element_type3A_49 = arith.extui %eq3A_48 : i1 to i32
    %cond3A_50 = arith.constant 0 : i32
    %cond3A_51 = arith.cmpi ne, %convert_element_type3A_49, %cond3A_50 : i32
    scf.if %cond3A_51 {
      %get3A_52 = arith.constant 0 : index
      %get3A_53 = arith.constant 0 : index
      %get3A_54 = vector.load %arg9[%get3A_52, %get3A_53] : memref<1x128xf32, #tpu.memory_space<vmem>>, vector<1x128xf32>
      %get3A_55 = arith.constant 0 : index
      %get3A_56 = arith.constant 0 : index
      %get3A_57 = vector.load %arg4[%get3A_55, %get3A_56] : memref<128x64xf32, #tpu.memory_space<vmem>>, vector<128x64xf32>
      %dot_general3A = arith.constant dense<0.000000e+00> : vector<1x64xf32>
      %dot_general3A_58 = tpu.matmul %get3A_54, %get3A_57, %dot_general3A {dimension_numbers = #tpu.dot_dimension_numbers<[1], [0], [0], [1], [0, 0, 1, 1], [], []>, transpose_lhs_hint = false} : vector<1x128xf32>, vector<128x64xf32>, vector<1x64xf32> -> vector<1x64xf32>
      %get3A_59 = arith.constant 0 : index
      %get3A_60 = arith.constant 0 : index
      %get3A_61 = vector.load %arg5[%get3A_59, %get3A_60] : memref<1x64xf32, #tpu.memory_space<vmem>>, vector<1x64xf32>
      %add3A_62 = arith.addf %dot_general3A_58, %get3A_61 : vector<1x64xf32>
      %max3A_63 = arith.constant 0.000000e+00 : f32
      %max3A_64 = vector.broadcast %max3A_63 : f32 to vector<1x64xf32>
      %max3A_65 = arith.maximumf %add3A_62, %max3A_64 : vector<1x64xf32>
      %get3A_66 = arith.constant 0 : index
      %get3A_67 = arith.constant 0 : index
      %get3A_68 = vector.load %arg6[%get3A_66, %get3A_67] : memref<64x128xf32, #tpu.memory_space<vmem>>, vector<64x128xf32>
      %dot_general3A_69 = arith.constant dense<0.000000e+00> : vector<1x128xf32>
      %dot_general3A_70 = tpu.matmul %max3A_65, %get3A_68, %dot_general3A_69 {dimension_numbers = #tpu.dot_dimension_numbers<[1], [0], [0], [1], [0, 0, 1, 1], [], []>, transpose_lhs_hint = false} : vector<1x64xf32>, vector<64x128xf32>, vector<1x128xf32> -> vector<1x128xf32>
      %get3A_71 = arith.constant 0 : index
      %get3A_72 = arith.constant 0 : index
      %get3A_73 = vector.load %arg7[%get3A_71, %get3A_72] : memref<1x128xf32, #tpu.memory_space<vmem>>, vector<1x128xf32>
      %add3A_74 = arith.addf %dot_general3A_70, %get3A_73 : vector<1x128xf32>
      %swap3A_75 = arith.constant 0 : index
      %swap3A_76 = arith.constant 0 : index
      %swap3A_77 = vector.load %arg8[%swap3A_75, %swap3A_76] : memref<1x128xf32, #tpu.memory_space<vmem>>, vector<1x128xf32>
      tpu.vector_store %arg8[%swap3A_75, %swap3A_76], %add3A_74 {strides = array<i32>} : memref<1x128xf32, #tpu.memory_space<vmem>>, vector<1x128xf32>,
    } else {
    }
    return
  }
  func.func @transform_0(%arg0: i32) -> (i32, i32, i32) {
    %c0_i32 = arith.constant 0 : i32
    %c0_i32_0 = arith.constant 0 : i32
    %c0_i32_1 = arith.constant 0 : i32
    return %c0_i32, %arg0, %c0_i32_0 : i32, i32, i32
  }
  func.func @transform_1(%arg0: i32) -> (i32, i32, i32) {
    %c0_i32 = arith.constant 0 : i32
    %c0_i32_0 = arith.constant 0 : i32
    %c0_i32_1 = arith.constant 0 : i32
    return %c0_i32, %arg0, %c0_i32_0 : i32, i32, i32
  }
  func.func @transform_2(%arg0: i32) -> (i32, i32) {
    %c0_i32 = arith.constant 0 : i32
    %c0_i32_0 = arith.constant 0 : i32
    return %arg0, %c0_i32 : i32, i32
  }
  func.func @transform_3(%arg0: i32) -> (i32, i32) {
    %c0_i32 = arith.constant 0 : i32
    %c0_i32_0 = arith.constant 0 : i32
    %c0_i32_1 = arith.constant 0 : i32
    return %c0_i32, %c0_i32_0 : i32, i32
  }
  func.func @transform_4(%arg0: i32) -> (i32, i32) {
    %c0_i32 = arith.constant 0 : i32
    %c0_i32_0 = arith.constant 0 : i32
    %c0_i32_1 = arith.constant 0 : i32
    return %c0_i32, %c0_i32_0 : i32, i32
  }
  func.func @transform_5(%arg0: i32) -> (i32, i32) {
    %c0_i32 = arith.constant 0 : i32
    %c0_i32_0 = arith.constant 0 : i32
    %c0_i32_1 = arith.constant 0 : i32
    return %c0_i32, %c0_i32_0 : i32, i32
  }
  func.func @transform_6(%arg0: i32) -> (i32, i32) {
    %c0_i32 = arith.constant 0 : i32
    %c0_i32_0 = arith.constant 0 : i32
    %c0_i32_1 = arith.constant 0 : i32
    return %c0_i32, %c0_i32_0 : i32, i32
  }
  func.func @transform_7(%arg0: i32) -> (i32, i32) {
    %c0_i32 = arith.constant 0 : i32
    %c0_i32_0 = arith.constant 0 : i32
    %c0_i32_1 = arith.constant 0 : i32
    return %c0_i32, %c0_i32_0 : i32, i32
  }
}

</mosaic_0001>

<sc_bundles>
// kernel: seg_cnt_sc.3.cloned.1.call-start
scs
__scs_entry_jumppad:
0x0: {  	(pc) =	sbr.rel $0x88, $3  }
0x1: {  	(tag) =	ssettag $0x0;
	lr =	simm.s32 $0x1  }
0x2: {  	[smem:$0x3F93] =	sst lr;
	_ =	strace $0xD0000000  }
0x3: {  	_ = 	snop  }
0x4: {  	_ = 	snop  }
0x5: {  	_ = 	snop  }
0x6: {  	_ = 	snop  }
0x7: {  	_ = 	snop  }
__scs_overlays_trampoline_lowered:
0x8: {  	[smem:$0x3FA2] =	sst s0  }
0x9: {  	[smem:$0x3FA3] =	sst s1  }
0xa: {  	[smem:$0x3FA4] =	sst s2  }
0xb: {  	[smem:$0x3FA5] =	sst s3  }
0xc: {  	[smem:$0x3FA6] =	sst s4  }
0xd: {  	[smem:$0x3FA7] =	sst s5  }
0xe: {  	[smem:$0x3FA8] =	sst s6  }
0xf: {  	[smem:$0x3FA9] =	sst s7  }
0x10: {  	[smem:$0x3FAA] =	sst s8  }
0x11: {  	[smem:$0x3FAB] =	sst s9;
	s0 =	simm.s32 @!p0 $0x0  }
0x12: {  	s1 =	sld [smem:$0x3F91];
	s0 =	simm.s32 @p0 $0x1  }
0x13: {  	[smem:$0x3FAC] =	sst s0;
	s0 =	simm.s32 @!p1 $0x0  }
0x14: {  	s2 =	sld [smem:$0x3F90];
	s0 =	simm.s32 @p1 $0x1  }
0x15: {  	[smem:$0x3FAD] =	sst s0;
	s0 =	simm.s32 @!p2 $0x0  }
0x16: {  	s3 =	sld [smem:$0x3FDB];
	s0 =	simm.s32 @p2 $0x1  }
0x17: {  	s4 =	simm.s32 $0x1BF5;
	[smem:$0x3FAF] =	sst s0  }
0x18: {  	s0 =	sld [smem:$0x3F92];
	_ =	swait.ge [sflag:s4], $0x0  }
0x19: {  	s7 =	sld [smem:$0x3F93]  }
0x1a: {  	s8 =	sadd.s32 $0xFFFFE003, lr  }
0x1b: {  	s9 =	sadd.s32 $0xFFFFFEF7, lr;
	s5 =	simm.s32 $0xFFFFFFFF;
	p2 =	slt.u32 s8, $0xFFFFF086  }
0x1c: {  	p1 =	slt.u32 s9, $0xF7A;
	s5 =	simm.s32 @!p2 $0x0  }
0x1d: {  	s5 =	simm.s32 @p1 $0x1;
	p0 =	seq.s32 s7, s2  }
0x1e: {  	s7 =	smul.u32 @!p0 $0xF7A, s2;
	p2 =	seq.s32 @!p0 s5, $0x0  }
0x1f: {  	s9 =	smul.u32 $0xF7A, s1;
	s8 =	simm.s32 @!p0 $0x1BF5;
	p2 =	por !p2, p0  }
0x20: {  	[sflag:s8] =	ssyncset.s32 @!p0 $0xFFFFF086;
	s6 =	sadd.s32 @!p0 s3, s7;
	s7 =	simm.s32 @!p0 $0x108  }
0x21: {  	s3 =	sadd.s32 s3, s9;
	s6 =	sadd.s32 @!p0 $0x88, s6;
	s7 =	simm.s32 @p2 $0x1082  }
0x22: {  	[simem:s7], [sflag:s8] =	dma.local @!p0 [hbm:s6], $0xF7A  }
0x23: {  	s9 =	sor.u32 $0xD0000000, s2;
	s6 =	simm.s32 $0x108;
	_ =	swait.ge @!p0 [sflag:s8], $0x0  }
0x24: {  	s3 =	sadd.s32 $0x88, s3;
	s6 =	simm.s32 @!p1 $0x1082;
	[sflag:s4] =	ssyncset.s32 $0xFFFFF086  }
0x25: {  	[simem:s6], [sflag:s4] =	dma.local [hbm:s3], $0xF7A  }
0x26: {  	[smem:$0x3F93] =	sst s1;
	(tag) =	ssettag s2;
	_ =	strace s9  }
0x27: {  	s1 =	sld [smem:$0x3FA3]  }
0x28: {  	s2 =	sld [smem:$0x3FA4]  }
0x29: {  	s4 =	sld [smem:$0x3FA6]  }
0x2a: {  	p0 =	seq.s32 s5, $0x0;
	s5 =	sld [smem:$0x3FA7]  }
0x2b: {  	s6 =	sld [smem:$0x3FA8]  }
0x2c: {  	s7 =	sld [smem:$0x3FA9]  }
0x2d: {  	s3 =	simm.s32 $0x108;
	s8 =	sld [smem:$0x3FAA]  }
0x2e: {  	s3 =	simm.s32 @!p0 $0x1082;
	s9 =	sld [smem:$0x3FAB]  }
0x2f: {  	lr =	sadd.s32 s0, s3;
	s0 =	sld [smem:$0x3FA2]  }
0x30: {  	s3 =	sld [smem:$0x3FA5]  }
0x31: {  	[smem:$0x3FAE] =	sst s10  }
0x32: {  	s10 =	sld [smem:$0x3FAC];
	_ =	sdelay $0x3  }
0x33: {  	p0 =	seq.s32 s10, $0x1;
	s10 =	sld [smem:$0x3FAE];
	_ =	sdelay $0x3  }
0x34: {  	[smem:$0x3FAE] =	sst s10  }
0x35: {  	s10 =	sld [smem:$0x3FAD];
	_ =	sdelay $0x3  }
0x36: {  	p1 =	seq.s32 s10, $0x1;
	s10 =	sld [smem:$0x3FAE];
	_ =	sdelay $0x3  }
0x37: {  	[smem:$0x3FAE] =	sst s10  }
0x38: {  	s10 =	sld [smem:$0x3FAF]  }
0x39: {  	_ = 	snop;
	(pc) =	sbr.ind lr, $3  }
0x3a: {  	_ = 	snop  }
0x3b: {  	_ = 	snop  }
0x3c: {  	p2 =	seq.s32 s10, $0x1;
	s10 =	sld [smem:$0x3FAE]  }
0x3d: {  	_ =	shalt  }
0x3e: {  	_ =	shalt  }
0x3f: {  	_ =	shalt  }
0x40: {  	_ =	shalt  }
0x41: {  	_ =	shalt  }
0x42: {  	_ =	shalt  }
0x43: {  	_ =	shalt  }
0x44: {  	_ =	shalt  }
0x45: {  	_ =	shalt  }
0x46: {  	_ =	shalt  }
0x47: {  	_ =	shalt  }
0x48: {  	_ =	shalt  }
0x49: {  	_ =	shalt  }
0x4a: {  	_ =	shalt  }
0x4b: {  	_ =	shalt  }
0x4c: {  	_ =	shalt  }
0x4d: {  	_ =	shalt  }
0x4e: {  	_ =	shalt  }
0x4f: {  	_ =	shalt  }
0x50: {  	_ =	shalt  }
0x51: {  	_ =	shalt  }
0x52: {  	_ =	shalt  }
0x53: {  	_ =	shalt  }
0x54: {  	_ =	shalt  }
0x55: {  	_ =	shalt  }
0x56: {  	_ =	shalt  }
0x57: {  	_ =	shalt  }
0x58: {  	_ =	shalt  }
0x59: {  	_ =	shalt  }
0x5a: {  	_ =	shalt  }
0x5b: {  	_ =	shalt  }
0x5c: {  	_ =	shalt  }
0x5d: {  	_ =	shalt  }
0x5e: {  	_ =	shalt  }
0x5f: {  	_ =	shalt  }
0x60: {  	_ =	shalt  }
0x61: {  	_ =	shalt  }
0x62: {  	_ =	shalt  }
0x63: {  	_ =	shalt  }
0x64: {  	_ =	shalt  }
0x65: {  	_ =	shalt  }
0x66: {  	_ =	shalt  }
0x67: {  	_ =	shalt  }
0x68: {  	_ =	shalt  }
0x69: {  	_ =	shalt  }
0x6a: {  	_ =	shalt  }
0x6b: {  	_ =	shalt  }
0x6c: {  	_ =	shalt  }
0x6d: {  	_ =	shalt  }
0x6e: {  	_ =	shalt  }
0x6f: {  	_ =	shalt  }
0x70: {  	_ =	shalt  }
0x71: {  	_ =	shalt  }
0x72: {  	_ =	shalt  }
0x73: {  	_ =	shalt  }
0x74: {  	_ =	shalt  }
0x75: {  	_ =	shalt  }
0x76: {  	_ =	shalt  }
0x77: {  	_ =	shalt  }
0x78: {  	_ =	shalt  }
0x79: {  	_ =	shalt  }
0x7a: {  	_ =	shalt  }
0x7b: {  	_ =	shalt  }
0x7c: {  	_ =	shalt  }
0x7d: {  	_ =	shalt  }
0x7e: {  	_ =	shalt  }
0x7f: {  	_ =	shalt  }
0x80: {  	_ =	shalt  }
0x81: {  	_ =	shalt  }
0x82: {  	_ =	shalt  }
0x83: {  	_ =	shalt  }
0x84: {  	_ =	shalt  }
0x85: {  	_ =	shalt  }
0x86: {  	_ =	shalt  }
0x87: {  	_ =	shalt  }
.Lfunc_end0:
.L_simem_size_0:
called_computation_lowered:
.L_overlay_start_0:
0x88: {  	s2 =	sld [smem:$0x3FD9]  }
0x89: {  	s3 =	sld [smem:$0x3FFE];
	_ =	sdelay $0x1  }
0x8a: {  	s1 =	srdreg.scid  }
0x8b: {  	s0 =	sand.u32 $0x1, s1  }
0x8c: {  	s16 =	sshll.u32 s0, $0xA;
	s2 =	sadd.s32 s3, s2  }
0x8d: {  	s2 =	sadd.s32 s2, s16  }
0x8e: {  	[smem:$0x3FBA] =	sst s2  }
0x8f: {  	_ = 	snop  }
0x90: {  	(tm) =	ssettm $0x1  }
0x91: {  	s17 =	sld [smem:$0x3FFB];
	_ =	sdelay $0x3  }
0x92: {  	_ =	strace s17  }
0x93: {  	s2 =	sld [smem:$0x3FFC];
	_ =	sdelay $0x3  }
0x94: {  	_ =	strace s2  }
0x95: {  	s2 =	sld [smem:$0x3FFD];
	_ =	sdelay $0x3  }
0x96: {  	_ =	strace s2  }
0x97: {  	_ =	strace $0x8FFFFFFF  }
0x98: {  	s18 =	sld [smem:$0x3FDB];
	_ =	sdelay $0x1  }
0x99: {  	s19 =	simm.s32 $_scs_section_size  }
0x9a: {  	s4 =	simm.s32 $_size__tile_overlayer_lowered;
	s5 =	simm.s32 $_tile_overlayer_lowered  }
0x9b: {  	s22 =	simm.s32 $0x1BFF;
	s21 =	sshll.u32 s5, $0x1;
	s2 =	sadd.s32 s19, s18  }
0x9c: {  	s6 =	simm.s32 $0x0;
	s20 =	sshll.u32 s4, $0x1;
	s4 =	sadd.s32 s21, s2  }
0x9d: {  	[timem:s6], [sflag:s22] =	dma.local [hbm:s4], s20  }
0x9e: {  	_ =	swait.ge [sflag:s22], s20  }
0x9f: {  	s3 =	ssub.s32 $0x0, s20;
	[sflag:s22] =	ssyncset.done $0x0  }
0xa0: {  	[sflag:s22] =	ssyncadd.s32 s3;
	_ =	sdelay $0x1  }
0xa1: {  	s23 =	simm.s32 $0x1B8B  }
0xa2: {  	_ =	swait.ge [sflag:s23], $0x1  }
0xa3: {  	[sflag:s23] =	ssyncset.done $0x0  }
0xa4: {  	s25 =	simm.s32 $0x1B8E;
	s24 =	sld [smem:$0x3FFE];
	[sflag:s23] =	ssyncadd.s32 $0xFFFFFFFF  }
0xa5: {  	s26 =	simm.s32 $execute0_lowered;
	[smem:$0x3FD2] =	sst s25  }
0xa6: {  	s4 =	sshll.u32 s26, $0x1;
	_ =	strace $0x80000046;
	[dreg:$0x1] =	wrdreg $0xFFFFFFFF  }
0xa7: {  	s28 =	simm.s32 $_size_execute0_lowered;
	s2 =	sadd.s32 s2, s4;
	[dreg:$0x0] =	wrdreg $0x0  }
0xa8: {  	s4 =	sshll.u32 s28, $0x1;
	[dreg:$0x2] =	wrdreg s2  }
0xa9: {  	[dreg:$0x3] =	wrdreg s4  }
0xaa: {  	[dreg:$0x4] =	wrdreg $0xC0  }
0xab: {  	_ =	task [dreg:s6], $0x5FFFF  }
0xac: {  	[dreg:$0x1] =	wrdreg $0xFFFFFFFF  }
0xad: {  	[dreg:$0x0] =	wrdreg $0x60  }
0xae: {  	[dreg:$0x2] =	wrdreg s24  }
0xaf: {  	[dreg:$0x3] =	wrdreg $0xA8000  }
0xb0: {  	[dreg:$0x4] =	wrdreg $0x9  }
0xb1: {  	_ =	task.clear_ibuf [dreg:s6], $0x5FFFF;
	_ =	strace $0x90000046  }
0xb2: {  	s29 =	simm.s32 $0x9;
	_ =	strace $0x80000048  }
0xb3: {  	_ =	swait.ge [sflag:s29], $0x1  }
0xb4: {  	[sflag:s29] =	ssyncadd.s32 $0xFFFFFFFF  }
0xb5: {  	_ =	strace $0x90000048  }
0xb6: {  	_ =	sfence  }
0xb7: {  	s30 =	sld [smem:$0x0];
	_ =	sdelay $0x2  }
0xb8: {  	s31 =	sshll.u32 s1, $0xD;
	s1 =	sshrl.u32 s1, $0x2  }
0xb9: {  	s3 =	sand.u32 $0x4000, s31;
	s1 =	sadd.s32 s1, s30  }
0xba: {  	s0 =	sor.u32 s3, s0;
	s1 =	sshll.u32 s1, $0x11  }
0xbb: {  	s0 =	sor.u32 s1, s0  }
0xbc: {  	s0 =	sadd.s32 $0x8F2B, s0  }
0xbd: {  	[sflag:s0] =	ssyncadd.remote.s32 $0x1  }
0xbe: {  	_ =	sfence.sel $0xFFFF  }
0xbf: {  	[dreg:$0x0] =	wrdreg $0xFFFFFFFF;
	(pc) =	sbr.abs _section_cstart, $3  }
0xc0: {  	[dreg:$0x1] =	wrdreg $0xFFFFFFFF  }
0xc1: {  	_ =	task.clear_ibuf [dreg:s6], $0x2FFFF;
	_ =	strace $0x9FFFFFFF  }
0xc2: {  	(tm) =	ssettm $0x7FFFFFFF  }
0xc3: {  	_ =	shalt  }
tec
execute0_lowered:
.L_overlay_start_1:
0x0: {  	(tag) =	ssettag $0x1  }
0x1: {  	s0 =	rddreg [dreg:$0x0]  }
0x2: {  	s1 =	rddreg [dreg:$0x1];
	s2 =	simm.s32 $0x0;
	s3 =	srdreg.scid  }
0x3: {  	s12 =	stileid.u32;
	s16 =	simm.s32 $0x3;
	s17 =	simm.s32 $0x2800  }
0x4: {  	s19 =	simm.s32 $0x7D;
	s28 =	simm.s32 $0x1;
	s14 =	simm.s32 $0x6800  }
0x5: {  	s18 =	simm.s32 $0x0;
	s15 =	simm.s32 $0x1400;
	[smem:$0x7FF] =	sst s2  }
0x6: {  	s3 =	sand.u32 $0x1, s3;
	s4 =	sadd.s32 $0x16200, s0;
	s10 =	sadd.s32 $0x2200, s0  }
0x7: {  	s7 =	smul.u32 $0x14000, s12;
	s9 =	sadd.s32 $0xC200, s0;
	s5 =	sadd.s32 $0x3D400, s0  }
0x8: {  	s8 =	sshll.u32 s12, $0x1;
	s21 =	smul.u32 $0x50000, s12;
	s11 =	sadd.s32 $0x3FC00, s0  }
0x9: {  	s25 =	sshll.u32 s12, $0x6;
	s2 =	simm.s32 $0x1400;
	s12 =	simm.s32 $0x1980  }
0xa: {  	_ =	strace $0x80000047;
	s6 =	smul.u32 $0x140000, s3;
	[dreg:$0x9] =	wrdreg s5  }
0xb: {  	s20 =	sor.u32 s3, s8;
	s3 =	ssub.s32 $0x2, s3;
	[dreg:$0x3] =	wrdreg s11  }
0xc: {  	s22 =	sshrl.u32 s3, $0x1;
	s23 =	sshrl.u32 s21, $0x2;
	s21 =	simm.s32 $0x1900  }
0xd: {  	s6 =	sadd.s32 s7, s6;
	s7 =	smul.u32 $0x2800, s20;
	s3 =	ssub.s32 s3, s22  }
0xe: {  	s20 =	simm.s32 $0x1800;
	s22 =	simm.s32 $0x1A00;
	s6 =	sshrl.u32 s6, $0x3  }
0xf: {  	s31 =	smax.u32 s3, $0x1;
	s0 =	sadd.s32 s6, s0;
	s24 =	sshrl.u32 s7, $0x3  }
0x10: {  	s6 =	sadd.s32 s23, s1;
	s7 =	sor.u32 $0x1C03, s25;
	[dreg:$0x8] =	wrdreg s31  }
0x11: {  	s25 =	simm.s32 $0x1A80;
	s23 =	simm.s32 $0x1B80;
	s29 =	sadd.s32 s9, s24  }
0x12: {  	s26 =	sadd.s32 $0x280, s24;
	s13 =	sadd.s32 $0x90400, s0;
	[dreg:$0xa] =	wrdreg s29  }
0x13: {  	s11 =	sadd.s32 s10, s24;
	s0 =	sadd.s32 $0x40400, s0;
	[dreg:$0x4] =	wrdreg s13  }
0x14: {  	s5 =	sshrl.u32 s6, $0x3;
	s24 =	simm.s32 $0x2;
	[dreg:$0x5] =	wrdreg s11  }
0x15: {  	s30 =	sadd.s32 s9, s26;
	s10 =	sadd.s32 s10, s26;
	[dreg:$0x7] =	wrdreg s0  }
0x16: {  	s13 =	simm.s32 $0x2700;
	s26 =	simm.s32 $0x0;
	[dreg:$0xb] =	wrdreg s30  }
0x17: {  	s11 =	simm.s32 $0x1880;
	[dreg:$0x6] =	wrdreg s10;
	s10 =	simm.s32 $0x1780  }
.LBB2_1:
0x18: {  	s8 =	rddreg [dreg:$0x9]  }
0x19: {  	[spmem:s5], [sflag:s7] =	dma.local [hbm:s8], $0x2800  }
0x1a: {  	_ =	swait.ge [sflag:s16], $0x2800  }
0x1b: {  	[sflag:s16] =	ssyncset.done $0x0  }
0x1c: {  	s0 =	rddreg [dreg:$0x3];
	[sflag:s16] =	ssyncadd.s32 $0xFFFFD800  }
0x1d: {  	[tilespmem:s17], [sflag:$0x3] =	stream.linear.gather [hbm4b:s0+s18], $0x3E80, $0x38;
	[tilespmem:$0x1E800] =	vst v63  }
0x1e: {  	_ =	swait.ge [sflag:s16], $0x3E80  }
0x1f: {  	[sflag:s16] =	ssyncset.done $0x0  }
0x20: {  	[sflag:s16] =	ssyncadd.s32 $0xFFFFC180  }
0x21: {  	[bflag:$0x0] =	sbarrier.arrive $0xFFFF  }
0x22: {  	s9 =	rddreg [dreg:$0xa]  }
0x23: {  	[tilespmem:s2], [sflag:$0x3] =	stream.linear.gather [hbm4b:s9+s18], $0x1400, $0x38;
	[tilespmem:$0x1E800] =	vst v63  }
0x24: {  	_ =	swait.ge [sflag:s16], $0x1400  }
0x25: {  	[sflag:s16] =	ssyncset.done $0x0  }
0x26: {  	[sflag:s16] =	ssyncadd.s32 $0xFFFFEC00  }
0x27: {  	[spmem:s1] =	stream.indirect.scatter.add.f32 [tilespmem:s17], [sflag:$0x1], $0x80, s2, s19, $0xb8;
	[tilespmem:$0x1E800] =	vst v63  }
0x28: {  	s6 =	simm.s32 $0x1480  }
0x29: {  	[spmem:s1] =	stream.indirect.scatter.add.f32 [tilespmem:s17], [sflag:$0x1], $0x80, s6, s19, $0xb8;
	[tilespmem:$0x1E800] =	vst v63  }
0x2a: {  	s31 =	simm.s32 $0x1500  }
0x2b: {  	[spmem:s1] =	stream.indirect.scatter.add.f32 [tilespmem:s17], [sflag:$0x1], $0x80, s31, s19, $0xb8;
	[tilespmem:$0x1E800] =	vst v63  }
0x2c: {  	s29 =	simm.s32 $0x1580  }
0x2d: {  	[spmem:s1] =	stream.indirect.scatter.add.f32 [tilespmem:s17], [sflag:$0x1], $0x80, s29, s19, $0xb8;
	[tilespmem:$0x1E800] =	vst v63  }
0x2e: {  	s30 =	simm.s32 $0x1600  }
0x2f: {  	[spmem:s1] =	stream.indirect.scatter.add.f32 [tilespmem:s17], [sflag:$0x1], $0x80, s30, s19, $0xb8;
	[tilespmem:$0x1E800] =	vst v63  }
0x30: {  	s31 =	simm.s32 $0x1680  }
0x31: {  	[spmem:s1] =	stream.indirect.scatter.add.f32 [tilespmem:s17], [sflag:$0x1], $0x80, s31, s19, $0xb8;
	[tilespmem:$0x1E800] =	vst v63  }
0x32: {  	s6 =	simm.s32 $0x1700  }
0x33: {  	[spmem:s1] =	stream.indirect.scatter.add.f32 [tilespmem:s17], [sflag:$0x1], $0x80, s6, s19, $0xb8;
	[tilespmem:$0x1E800] =	vst v63  }
0x34: {  	_ = 	snop  }
0x35: {  	[spmem:s1] =	stream.indirect.scatter.add.f32 [tilespmem:s17], [sflag:$0x1], $0x80, s10, s19, $0xb8;
	[tilespmem:$0x1E800] =	vst v63  }
0x36: {  	_ =	swait.ge [sflag:s28], $0x3E80  }
0x37: {  	[sflag:s28] =	ssyncset.done $0x0  }
0x38: {  	[sflag:s28] =	ssyncadd.s32 $0xFFFFC180  }
0x39: {  	_ =	swait.ge [sflag:s28], $0x3E80  }
0x3a: {  	[sflag:s28] =	ssyncset.done $0x0  }
0x3b: {  	[sflag:s28] =	ssyncadd.s32 $0xFFFFC180  }
0x3c: {  	_ =	swait.ge [sflag:s28], $0x3E80  }
0x3d: {  	[sflag:s28] =	ssyncset.done $0x0  }
0x3e: {  	[sflag:s28] =	ssyncadd.s32 $0xFFFFC180  }
0x3f: {  	_ =	swait.ge [sflag:s28], $0x3E80  }
0x40: {  	[sflag:s28] =	ssyncset.done $0x0  }
0x41: {  	[sflag:s28] =	ssyncadd.s32 $0xFFFFC180  }
0x42: {  	_ =	swait.ge [sflag:s28], $0x3E80  }
0x43: {  	[sflag:s28] =	ssyncset.done $0x0  }
0x44: {  	[sflag:s28] =	ssyncadd.s32 $0xFFFFC180  }
0x45: {  	_ =	swait.ge [sflag:s28], $0x3E80  }
0x46: {  	[sflag:s28] =	ssyncset.done $0x0  }
0x47: {  	[sflag:s28] =	ssyncadd.s32 $0xFFFFC180  }
0x48: {  	_ =	swait.ge [sflag:s28], $0x3E80  }
0x49: {  	[sflag:s28] =	ssyncset.done $0x0  }
0x4a: {  	[sflag:s28] =	ssyncadd.s32 $0xFFFFC180  }
0x4b: {  	_ =	swait.ge [sflag:s28], $0x3E80  }
0x4c: {  	[sflag:s28] =	ssyncset.done $0x0  }
0x4d: {  	[sflag:s28] =	ssyncadd.s32 $0xFFFFC180  }
0x4e: {  	[spmem:s1] =	stream.indirect.scatter.add.f32 [tilespmem:s17], [sflag:$0x1], $0x80, s20, s19, $0xb8;
	[tilespmem:$0x1E800] =	vst v63  }
0x4f: {  	_ = 	snop  }
0x50: {  	[spmem:s1] =	stream.indirect.scatter.add.f32 [tilespmem:s17], [sflag:$0x1], $0x80, s11, s19, $0xb8;
	[tilespmem:$0x1E800] =	vst v63  }
0x51: {  	_ = 	snop  }
0x52: {  	[spmem:s1] =	stream.indirect.scatter.add.f32 [tilespmem:s17], [sflag:$0x1], $0x80, s21, s19, $0xb8;
	[tilespmem:$0x1E800] =	vst v63  }
0x53: {  	_ = 	snop  }
0x54: {  	[spmem:s1] =	stream.indirect.scatter.add.f32 [tilespmem:s17], [sflag:$0x1], $0x80, s12, s19, $0xb8;
	[tilespmem:$0x1E800] =	vst v63  }
0x55: {  	_ = 	snop  }
0x56: {  	[spmem:s1] =	stream.indirect.scatter.add.f32 [tilespmem:s17], [sflag:$0x1], $0x80, s22, s19, $0xb8;
	[tilespmem:$0x1E800] =	vst v63  }
0x57: {  	_ = 	snop  }
0x58: {  	[spmem:s1] =	stream.indirect.scatter.add.f32 [tilespmem:s17], [sflag:$0x1], $0x80, s25, s19, $0xb8;
	[tilespmem:$0x1E800] =	vst v63  }
0x59: {  	s2 =	simm.s32 $0x1B00  }
0x5a: {  	[spmem:s1] =	stream.indirect.scatter.add.f32 [tilespmem:s17], [sflag:$0x1], $0x80, s2, s19, $0xb8;
	[tilespmem:$0x1E800] =	vst v63  }
0x5b: {  	_ = 	snop  }
0x5c: {  	[spmem:s1] =	stream.indirect.scatter.add.f32 [tilespmem:s17], [sflag:$0x1], $0x80, s23, s19, $0xb8;
	[tilespmem:$0x1E800] =	vst v63  }
0x5d: {  	_ =	swait.ge [sflag:s28], $0x3E80  }
0x5e: {  	[sflag:s28] =	ssyncset.done $0x0  }
0x5f: {  	[sflag:s28] =	ssyncadd.s32 $0xFFFFC180  }
0x60: {  	_ =	swait.ge [sflag:s28], $0x3E80  }
0x61: {  	[sflag:s28] =	ssyncset.done $0x0  }
0x62: {  	[sflag:s28] =	ssyncadd.s32 $0xFFFFC180  }
0x63: {  	_ =	swait.ge [sflag:s28], $0x3E80  }
0x64: {  	[sflag:s28] =	ssyncset.done $0x0  }
0x65: {  	[sflag:s28] =	ssyncadd.s32 $0xFFFFC180  }
0x66: {  	_ =	swait.ge [sflag:s28], $0x3E80  }
0x67: {  	[sflag:s28] =	ssyncset.done $0x0  }
0x68: {  	[sflag:s28] =	ssyncadd.s32 $0xFFFFC180  }
0x69: {  	_ =	swait.ge [sflag:s28], $0x3E80  }
0x6a: {  	[sflag:s28] =	ssyncset.done $0x0  }
0x6b: {  	[sflag:s28] =	ssyncadd.s32 $0xFFFFC180  }
0x6c: {  	_ =	swait.ge [sflag:s28], $0x3E80  }
0x6d: {  	[sflag:s28] =	ssyncset.done $0x0  }
0x6e: {  	[sflag:s28] =	ssyncadd.s32 $0xFFFFC180  }
0x6f: {  	_ =	swait.ge [sflag:s28], $0x3E80  }
0x70: {  	[sflag:s28] =	ssyncset.done $0x0  }
0x71: {  	[sflag:s28] =	ssyncadd.s32 $0xFFFFC180  }
0x72: {  	_ =	swait.ge [sflag:s28], $0x3E80  }
0x73: {  	[sflag:s28] =	ssyncset.done $0x0  }
0x74: {  	s3 =	simm.s32 $0x1C00;
	[sflag:s28] =	ssyncadd.s32 $0xFFFFC180  }
0x75: {  	[spmem:s1] =	stream.indirect.scatter.add.f32 [tilespmem:s17], [sflag:$0x1], $0x80, s3, s19, $0xb8;
	[tilespmem:$0x1E800] =	vst v63  }
0x76: {  	s0 =	simm.s32 $0x1C80  }
0x77: {  	[spmem:s1] =	stream.indirect.scatter.add.f32 [tilespmem:s17], [sflag:$0x1], $0x80, s0, s19, $0xb8;
	[tilespmem:$0x1E800] =	vst v63  }
0x78: {  	s3 =	simm.s32 $0x1D00  }
0x79: {  	[spmem:s1] =	stream.indirect.scatter.add.f32 [tilespmem:s17], [sflag:$0x1], $0x80, s3, s19, $0xb8;
	[tilespmem:$0x1E800] =	vst v63  }
0x7a: {  	s2 =	simm.s32 $0x1D80  }
0x7b: {  	[spmem:s1] =	stream.indirect.scatter.add.f32 [tilespmem:s17], [sflag:$0x1], $0x80, s2, s19, $0xb8;
	[tilespmem:$0x1E800] =	vst v63  }
0x7c: {  	s2 =	simm.s32 $0x1E00  }
0x7d: {  	[spmem:s1] =	stream.indirect.scatter.add.f32 [tilespmem:s17], [sflag:$0x1], $0x80, s2, s19, $0xb8;
	[tilespmem:$0x1E800] =	vst v63  }
0x7e: {  	s2 =	simm.s32 $0x1E80  }
0x7f: {  	[spmem:s1] =	stream.indirect.scatter.add.f32 [tilespmem:s17], [sflag:$0x1], $0x80, s2, s19, $0xb8;
	[tilespmem:$0x1E800] =	vst v63  }
0x80: {  	s2 =	simm.s32 $0x1F00  }
0x81: {  	[spmem:s1] =	stream.indirect.scatter.add.f32 [tilespmem:s17], [sflag:$0x1], $0x80, s2, s19, $0xb8;
	[tilespmem:$0x1E800] =	vst v63  }
0x82: {  	s2 =	simm.s32 $0x1F80  }
0x83: {  	[spmem:s1] =	stream.indirect.scatter.add.f32 [tilespmem:s17], [sflag:$0x1], $0x80, s2, s19, $0xb8;
	[tilespmem:$0x1E800] =	vst v63  }
0x84: {  	_ =	swait.ge [sflag:s28], $0x3E80  }
0x85: {  	[sflag:s28] =	ssyncset.done $0x0  }
0x86: {  	[sflag:s28] =	ssyncadd.s32 $0xFFFFC180  }
0x87: {  	_ =	swait.ge [sflag:s28], $0x3E80  }
0x88: {  	[sflag:s28] =	ssyncset.done $0x0  }
0x89: {  	[sflag:s28] =	ssyncadd.s32 $0xFFFFC180  }
0x8a: {  	_ =	swait.ge [sflag:s28], $0x3E80  }
0x8b: {  	[sflag:s28] =	ssyncset.done $0x0  }
0x8c: {  	[sflag:s28] =	ssyncadd.s32 $0xFFFFC180  }
0x8d: {  	_ =	swait.ge [sflag:s28], $0x3E80  }
0x8e: {  	[sflag:s28] =	ssyncset.done $0x0  }
0x8f: {  	[sflag:s28] =	ssyncadd.s32 $0xFFFFC180  }
0x90: {  	_ =	swait.ge [sflag:s28], $0x3E80  }
0x91: {  	[sflag:s28] =	ssyncset.done $0x0  }
0x92: {  	[sflag:s28] =	ssyncadd.s32 $0xFFFFC180  }
0x93: {  	_ =	swait.ge [sflag:s28], $0x3E80  }
0x94: {  	[sflag:s28] =	ssyncset.done $0x0  }
0x95: {  	[sflag:s28] =	ssyncadd.s32 $0xFFFFC180  }
0x96: {  	_ =	swait.ge [sflag:s28], $0x3E80  }
0x97: {  	[sflag:s28] =	ssyncset.done $0x0  }
0x98: {  	[sflag:s28] =	ssyncadd.s32 $0xFFFFC180  }
0x99: {  	_ =	swait.ge [sflag:s28], $0x3E80  }
0x9a: {  	[sflag:s28] =	ssyncset.done $0x0  }
0x9b: {  	s2 =	simm.s32 $0x2000;
	[sflag:s28] =	ssyncadd.s32 $0xFFFFC180  }
0x9c: {  	[spmem:s1] =	stream.indirect.scatter.add.f32 [tilespmem:s17], [sflag:$0x1], $0x80, s2, s19, $0xb8;
	[tilespmem:$0x1E800] =	vst v63  }
0x9d: {  	s2 =	simm.s32 $0x2080  }
0x9e: {  	[spmem:s1] =	stream.indirect.scatter.add.f32 [tilespmem:s17], [sflag:$0x1], $0x80, s2, s19, $0xb8;
	[tilespmem:$0x1E800] =	vst v63  }
0x9f: {  	s2 =	simm.s32 $0x2100  }
0xa0: {  	[spmem:s1] =	stream.indirect.scatter.add.f32 [tilespmem:s17], [sflag:$0x1], $0x80, s2, s19, $0xb8;
	[tilespmem:$0x1E800] =	vst v63  }
0xa1: {  	s2 =	simm.s32 $0x2180  }
0xa2: {  	[spmem:s1] =	stream.indirect.scatter.add.f32 [tilespmem:s17], [sflag:$0x1], $0x80, s2, s19, $0xb8;
	[tilespmem:$0x1E800] =	vst v63  }
0xa3: {  	s2 =	simm.s32 $0x2200  }
0xa4: {  	[spmem:s1] =	stream.indirect.scatter.add.f32 [tilespmem:s17], [sflag:$0x1], $0x80, s2, s19, $0xb8;
	[tilespmem:$0x1E800] =	vst v63  }
0xa5: {  	s2 =	simm.s32 $0x2280  }
0xa6: {  	[spmem:s1] =	stream.indirect.scatter.add.f32 [tilespmem:s17], [sflag:$0x1], $0x80, s2, s19, $0xb8;
	[tilespmem:$0x1E800] =	vst v63  }
0xa7: {  	s2 =	simm.s32 $0x2300  }
0xa8: {  	[spmem:s1] =	stream.indirect.scatter.add.f32 [tilespmem:s17], [sflag:$0x1], $0x80, s2, s19, $0xb8;
	[tilespmem:$0x1E800] =	vst v63  }
0xa9: {  	s2 =	simm.s32 $0x2380  }
0xaa: {  	[spmem:s1] =	stream.indirect.scatter.add.f32 [tilespmem:s17], [sflag:$0x1], $0x80, s2, s19, $0xb8;
	[tilespmem:$0x1E800] =	vst v63  }
0xab: {  	_ =	swait.ge [sflag:s28], $0x3E80  }
0xac: {  	[sflag:s28] =	ssyncset.done $0x0  }
0xad: {  	[sflag:s28] =	ssyncadd.s32 $0xFFFFC180  }
0xae: {  	_ =	swait.ge [sflag:s28], $0x3E80  }
0xaf: {  	[sflag:s28] =	ssyncset.done $0x0  }
0xb0: {  	[sflag:s28] =	ssyncadd.s32 $0xFFFFC180  }
0xb1: {  	_ =	swait.ge [sflag:s28], $0x3E80  }
0xb2: {  	[sflag:s28] =	ssyncset.done $0x0  }
0xb3: {  	[sflag:s28] =	ssyncadd.s32 $0xFFFFC180  }
0xb4: {  	_ =	swait.ge [sflag:s28], $0x3E80  }
0xb5: {  	[sflag:s28] =	ssyncset.done $0x0  }
0xb6: {  	[sflag:s28] =	ssyncadd.s32 $0xFFFFC180  }
0xb7: {  	_ =	swait.ge [sflag:s28], $0x3E80  }
0xb8: {  	[sflag:s28] =	ssyncset.done $0x0  }
0xb9: {  	[sflag:s28] =	ssyncadd.s32 $0xFFFFC180  }
0xba: {  	_ =	swait.ge [sflag:s28], $0x3E80  }
0xbb: {  	[sflag:s28] =	ssyncset.done $0x0  }
0xbc: {  	[sflag:s28] =	ssyncadd.s32 $0xFFFFC180  }
0xbd: {  	_ =	swait.ge [sflag:s28], $0x3E80  }
0xbe: {  	[sflag:s28] =	ssyncset.done $0x0  }
0xbf: {  	[sflag:s28] =	ssyncadd.s32 $0xFFFFC180  }
0xc0: {  	_ =	swait.ge [sflag:s28], $0x3E80  }
0xc1: {  	[sflag:s28] =	ssyncset.done $0x0  }
0xc2: {  	s2 =	simm.s32 $0x2400;
	[sflag:s28] =	ssyncadd.s32 $0xFFFFC180  }
0xc3: {  	[spmem:s1] =	stream.indirect.scatter.add.f32 [tilespmem:s17], [sflag:$0x1], $0x80, s2, s19, $0xb8;
	[tilespmem:$0x1E800] =	vst v63  }
0xc4: {  	s2 =	simm.s32 $0x2480  }
0xc5: {  	[spmem:s1] =	stream.indirect.scatter.add.f32 [tilespmem:s17], [sflag:$0x1], $0x80, s2, s19, $0xb8;
	[tilespmem:$0x1E800] =	vst v63  }
0xc6: {  	s2 =	simm.s32 $0x2500  }
0xc7: {  	[spmem:s1] =	stream.indirect.scatter.add.f32 [tilespmem:s17], [sflag:$0x1], $0x80, s2, s19, $0xb8;
	[tilespmem:$0x1E800] =	vst v63  }
0xc8: {  	s2 =	simm.s32 $0x2580  }
0xc9: {  	[spmem:s1] =	stream.indirect.scatter.add.f32 [tilespmem:s17], [sflag:$0x1], $0x80, s2, s19, $0xb8;
	[tilespmem:$0x1E800] =	vst v63  }
0xca: {  	s2 =	simm.s32 $0x2600  }
0xcb: {  	[spmem:s1] =	stream.indirect.scatter.add.f32 [tilespmem:s17], [sflag:$0x1], $0x80, s2, s19, $0xb8;
	[tilespmem:$0x1E800] =	vst v63  }
0xcc: {  	s2 =	simm.s32 $0x2680  }
0xcd: {  	[spmem:s1] =	stream.indirect.scatter.add.f32 [tilespmem:s17], [sflag:$0x1], $0x80, s2, s19, $0xb8;
	[tilespmem:$0x1E800] =	vst v63  }
0xce: {  	_ = 	snop  }
0xcf: {  	[spmem:s1] =	stream.indirect.scatter.add.f32 [tilespmem:s17], [sflag:$0x1], $0x80, s13, s19, $0xb8;
	[tilespmem:$0x1E800] =	vst v63  }
0xd0: {  	s2 =	simm.s32 $0x2780  }
0xd1: {  	[spmem:s1] =	stream.indirect.scatter.add.f32 [tilespmem:s17], [sflag:$0x1], $0x80, s2, s19, $0xb8;
	[tilespmem:$0x1E800] =	vst v63  }
0xd2: {  	_ =	swait.ge [sflag:s28], $0x3E80  }
0xd3: {  	[sflag:s28] =	ssyncset.done $0x0  }
0xd4: {  	[sflag:s28] =	ssyncadd.s32 $0xFFFFC180  }
0xd5: {  	_ =	swait.ge [sflag:s28], $0x3E80  }
0xd6: {  	[sflag:s28] =	ssyncset.done $0x0  }
0xd7: {  	[sflag:s28] =	ssyncadd.s32 $0xFFFFC180  }
0xd8: {  	_ =	swait.ge [sflag:s28], $0x3E80  }
0xd9: {  	[sflag:s28] =	ssyncset.done $0x0  }
0xda: {  	[sflag:s28] =	ssyncadd.s32 $0xFFFFC180  }
0xdb: {  	_ =	swait.ge [sflag:s28], $0x3E80  }
0xdc: {  	[sflag:s28] =	ssyncset.done $0x0  }
0xdd: {  	[sflag:s28] =	ssyncadd.s32 $0xFFFFC180  }
0xde: {  	_ =	swait.ge [sflag:s28], $0x3E80  }
0xdf: {  	[sflag:s28] =	ssyncset.done $0x0  }
0xe0: {  	[sflag:s28] =	ssyncadd.s32 $0xFFFFC180  }
0xe1: {  	_ =	swait.ge [sflag:s28], $0x3E80  }
0xe2: {  	[sflag:s28] =	ssyncset.done $0x0  }
0xe3: {  	[sflag:s28] =	ssyncadd.s32 $0xFFFFC180  }
0xe4: {  	_ =	swait.ge [sflag:s28], $0x3E80  }
0xe5: {  	[sflag:s28] =	ssyncset.done $0x0  }
0xe6: {  	[sflag:s28] =	ssyncadd.s32 $0xFFFFC180  }
0xe7: {  	_ =	swait.ge [sflag:s28], $0x3E80  }
0xe8: {  	[sflag:s28] =	ssyncset.done $0x0  }
0xe9: {  	s2 =	rddreg [dreg:$0xb];
	[sflag:s28] =	ssyncadd.s32 $0xFFFFC180  }
0xea: {  	[tilespmem:s15], [sflag:$0x3] =	stream.linear.gather [hbm4b:s2+s18], $0x1400, $0x38;
	[tilespmem:$0x1E800] =	vst v63  }
0xeb: {  	_ =	swait.ge [sflag:s16], $0x1400  }
0xec: {  	[sflag:s16] =	ssyncset.done $0x0  }
0xed: {  	[sflag:s16] =	ssyncadd.s32 $0xFFFFEC00  }
0xee: {  	[spmem:s1] =	stream.indirect.scatter.add.f32 [tilespmem:s17], [sflag:$0x1], $0x80, s15, s19, $0xb8;
	[tilespmem:$0x1E800] =	vst v63  }
0xef: {  	s2 =	simm.s32 $0x1480  }
0xf0: {  	[spmem:s1] =	stream.indirect.scatter.add.f32 [tilespmem:s17], [sflag:$0x1], $0x80, s2, s19, $0xb8;
	[tilespmem:$0x1E800] =	vst v63  }
0xf1: {  	s2 =	simm.s32 $0x1500  }
0xf2: {  	[spmem:s1] =	stream.indirect.scatter.add.f32 [tilespmem:s17], [sflag:$0x1], $0x80, s2, s19, $0xb8;
	[tilespmem:$0x1E800] =	vst v63  }
0xf3: {  	_ = 	snop  }
0xf4: {  	[spmem:s1] =	stream.indirect.scatter.add.f32 [tilespmem:s17], [sflag:$0x1], $0x80, s29, s19, $0xb8;
	[tilespmem:$0x1E800] =	vst v63  }
0xf5: {  	_ = 	snop  }
0xf6: {  	[spmem:s1] =	stream.indirect.scatter.add.f32 [tilespmem:s17], [sflag:$0x1], $0x80, s30, s19, $0xb8;
	[tilespmem:$0x1E800] =	vst v63  }
0xf7: {  	_ = 	snop  }
0xf8: {  	[spmem:s1] =	stream.indirect.scatter.add.f32 [tilespmem:s17], [sflag:$0x1], $0x80, s31, s19, $0xb8;
	[tilespmem:$0x1E800] =	vst v63  }
0xf9: {  	_ = 	snop  }
0xfa: {  	[spmem:s1] =	stream.indirect.scatter.add.f32 [tilespmem:s17], [sflag:$0x1], $0x80, s6, s19, $0xb8;
	[tilespmem:$0x1E800] =	vst v63  }
0xfb: {  	_ = 	snop  }
0xfc: {  	[spmem:s1] =	stream.indirect.scatter.add.f32 [tilespmem:s17], [sflag:$0x1], $0x80, s10, s19, $0xb8;
	[tilespmem:$0x1E800] =	vst v63  }
0xfd: {  	_ =	swait.ge [sflag:s28], $0x3E80  }
0xfe: {  	[sflag:s28] =	ssyncset.done $0x0  }
0xff: {  	[sflag:s28] =	ssyncadd.s32 $0xFFFFC180  }
0x100: {  	_ =	swait.ge [sflag:s28], $0x3E80  }
0x101: {  	[sflag:s28] =	ssyncset.done $0x0  }
0x102: {  	[sflag:s28] =	ssyncadd.s32 $0xFFFFC180  }
0x103: {  	_ =	swait.ge [sflag:s28], $0x3E80  }
0x104: {  	[sflag:s28] =	ssyncset.done $0x0  }
0x105: {  	[sflag:s28] =	ssyncadd.s32 $0xFFFFC180  }
0x106: {  	_ =	swait.ge [sflag:s28], $0x3E80  }
0x107: {  	[sflag:s28] =	ssyncset.done $0x0  }
0x108: {  	[sflag:s28] =	ssyncadd.s32 $0xFFFFC180  }
0x109: {  	_ =	swait.ge [sflag:s28], $0x3E80  }
0x10a: {  	[sflag:s28] =	ssyncset.done $0x0  }
0x10b: {  	[sflag:s28] =	ssyncadd.s32 $0xFFFFC180  }
0x10c: {  	_ =	swait.ge [sflag:s28], $0x3E80  }
0x10d: {  	[sflag:s28] =	ssyncset.done $0x0  }
0x10e: {  	[sflag:s28] =	ssyncadd.s32 $0xFFFFC180  }
0x10f: {  	_ =	swait.ge [sflag:s28], $0x3E80  }
0x110: {  	[sflag:s28] =	ssyncset.done $0x0  }
0x111: {  	[sflag:s28] =	ssyncadd.s32 $0xFFFFC180  }
0x112: {  	_ =	swait.ge [sflag:s28], $0x3E80  }
0x113: {  	[sflag:s28] =	ssyncset.done $0x0  }
0x114: {  	[sflag:s28] =	ssyncadd.s32 $0xFFFFC180  }
0x115: {  	[spmem:s1] =	stream.indirect.scatter.add.f32 [tilespmem:s17], [sflag:$0x1], $0x80, s20, s19, $0xb8;
	[tilespmem:$0x1E800] =	vst v63  }
0x116: {  	_ = 	snop  }
0x117: {  	[spmem:s1] =	stream.indirect.scatter.add.f32 [tilespmem:s17], [sflag:$0x1], $0x80, s11, s19, $0xb8;
	[tilespmem:$0x1E800] =	vst v63  }
0x118: {  	_ = 	snop  }
0x119: {  	[spmem:s1] =	stream.indirect.scatter.add.f32 [tilespmem:s17], [sflag:$0x1], $0x80, s21, s19, $0xb8;
	[tilespmem:$0x1E800] =	vst v63  }
0x11a: {  	_ = 	snop  }
0x11b: {  	[spmem:s1] =	stream.indirect.scatter.add.f32 [tilespmem:s17], [sflag:$0x1], $0x80, s12, s19, $0xb8;
	[tilespmem:$0x1E800] =	vst v63  }
0x11c: {  	_ = 	snop  }
0x11d: {  	[spmem:s1] =	stream.indirect.scatter.add.f32 [tilespmem:s17], [sflag:$0x1], $0x80, s22, s19, $0xb8;
	[tilespmem:$0x1E800] =	vst v63  }
0x11e: {  	_ = 	snop  }
0x11f: {  	[spmem:s1] =	stream.indirect.scatter.add.f32 [tilespmem:s17], [sflag:$0x1], $0x80, s25, s19, $0xb8;
	[tilespmem:$0x1E800] =	vst v63  }
0x120: {  	s31 =	simm.s32 $0x1B00  }
0x121: {  	[spmem:s1] =	stream.indirect.scatter.add.f32 [tilespmem:s17], [sflag:$0x1], $0x80, s31, s19, $0xb8;
	[tilespmem:$0x1E800] =	vst v63  }
0x122: {  	_ = 	snop  }
0x123: {  	[spmem:s1] =	stream.indirect.scatter.add.f32 [tilespmem:s17], [sflag:$0x1], $0x80, s23, s19, $0xb8;
	[tilespmem:$0x1E800] =	vst v63  }
0x124: {  	_ =	swait.ge [sflag:s28], $0x3E80  }
0x125: {  	[sflag:s28] =	ssyncset.done $0x0  }
0x126: {  	[sflag:s28] =	ssyncadd.s32 $0xFFFFC180  }
0x127: {  	_ =	swait.ge [sflag:s28], $0x3E80  }
0x128: {  	[sflag:s28] =	ssyncset.done $0x0  }
0x129: {  	[sflag:s28] =	ssyncadd.s32 $0xFFFFC180  }
0x12a: {  	_ =	swait.ge [sflag:s28], $0x3E80  }
0x12b: {  	[sflag:s28] =	ssyncset.done $0x0  }
0x12c: {  	[sflag:s28] =	ssyncadd.s32 $0xFFFFC180  }
0x12d: {  	_ =	swait.ge [sflag:s28], $0x3E80  }
0x12e: {  	[sflag:s28] =	ssyncset.done $0x0  }
0x12f: {  	[sflag:s28] =	ssyncadd.s32 $0xFFFFC180  }
0x130: {  	_ =	swait.ge [sflag:s28], $0x3E80  }
0x131: {  	[sflag:s28] =	ssyncset.done $0x0  }
0x132: {  	[sflag:s28] =	ssyncadd.s32 $0xFFFFC180  }
0x133: {  	_ =	swait.ge [sflag:s28], $0x3E80  }
0x134: {  	[sflag:s28] =	ssyncset.done $0x0  }
0x135: {  	[sflag:s28] =	ssyncadd.s32 $0xFFFFC180  }
0x136: {  	_ =	swait.ge [sflag:s28], $0x3E80  }
0x137: {  	[sflag:s28] =	ssyncset.done $0x0  }
0x138: {  	[sflag:s28] =	ssyncadd.s32 $0xFFFFC180  }
0x139: {  	_ =	swait.ge [sflag:s28], $0x3E80  }
0x13a: {  	[sflag:s28] =	ssyncset.done $0x0  }
0x13b: {  	s31 =	simm.s32 $0x1C00;
	[sflag:s28] =	ssyncadd.s32 $0xFFFFC180  }
0x13c: {  	[spmem:s1] =	stream.indirect.scatter.add.f32 [tilespmem:s17], [sflag:$0x1], $0x80, s31, s19, $0xb8;
	[tilespmem:$0x1E800] =	vst v63  }
0x13d: {  	_ = 	snop  }
0x13e: {  	[spmem:s1] =	stream.indirect.scatter.add.f32 [tilespmem:s17], [sflag:$0x1], $0x80, s0, s19, $0xb8;
	[tilespmem:$0x1E800] =	vst v63  }
0x13f: {  	_ = 	snop  }
0x140: {  	[spmem:s1] =	stream.indirect.scatter.add.f32 [tilespmem:s17], [sflag:$0x1], $0x80, s3, s19, $0xb8;
	[tilespmem:$0x1E800] =	vst v63  }
0x141: {  	s31 =	simm.s32 $0x1D80  }
0x142: {  	[spmem:s1] =	stream.indirect.scatter.add.f32 [tilespmem:s17], [sflag:$0x1], $0x80, s31, s19, $0xb8;
	[tilespmem:$0x1E800] =	vst v63  }
0x143: {  	s3 =	simm.s32 $0x1E00  }
0x144: {  	[spmem:s1] =	stream.indirect.scatter.add.f32 [tilespmem:s17], [sflag:$0x1], $0x80, s3, s19, $0xb8;
	[tilespmem:$0x1E800] =	vst v63  }
0x145: {  	s31 =	simm.s32 $0x1E80  }
0x146: {  	[spmem:s1] =	stream.indirect.scatter.add.f32 [tilespmem:s17], [sflag:$0x1], $0x80, s31, s19, $0xb8;
	[tilespmem:$0x1E800] =	vst v63  }
0x147: {  	s3 =	simm.s32 $0x1F00  }
0x148: {  	[spmem:s1] =	stream.indirect.scatter.add.f32 [tilespmem:s17], [sflag:$0x1], $0x80, s3, s19, $0xb8;
	[tilespmem:$0x1E800] =	vst v63  }
0x149: {  	s31 =	simm.s32 $0x1F80  }
0x14a: {  	[spmem:s1] =	stream.indirect.scatter.add.f32 [tilespmem:s17], [sflag:$0x1], $0x80, s31, s19, $0xb8;
	[tilespmem:$0x1E800] =	vst v63  }
0x14b: {  	_ =	swait.ge [sflag:s28], $0x3E80  }
0x14c: {  	[sflag:s28] =	ssyncset.done $0x0  }
0x14d: {  	[sflag:s28] =	ssyncadd.s32 $0xFFFFC180  }
0x14e: {  	_ =	swait.ge [sflag:s28], $0x3E80  }
0x14f: {  	[sflag:s28] =	ssyncset.done $0x0  }
0x150: {  	[sflag:s28] =	ssyncadd.s32 $0xFFFFC180  }
0x151: {  	_ =	swait.ge [sflag:s28], $0x3E80  }
0x152: {  	[sflag:s28] =	ssyncset.done $0x0  }
0x153: {  	[sflag:s28] =	ssyncadd.s32 $0xFFFFC180  }
0x154: {  	_ =	swait.ge [sflag:s28], $0x3E80  }
0x155: {  	[sflag:s28] =	ssyncset.done $0x0  }
0x156: {  	[sflag:s28] =	ssyncadd.s32 $0xFFFFC180  }
0x157: {  	_ =	swait.ge [sflag:s28], $0x3E80  }
0x158: {  	[sflag:s28] =	ssyncset.done $0x0  }
0x159: {  	[sflag:s28] =	ssyncadd.s32 $0xFFFFC180  }
0x15a: {  	_ =	swait.ge [sflag:s28], $0x3E80  }
0x15b: {  	[sflag:s28] =	ssyncset.done $0x0  }
0x15c: {  	[sflag:s28] =	ssyncadd.s32 $0xFFFFC180  }
0x15d: {  	_ =	swait.ge [sflag:s28], $0x3E80  }
0x15e: {  	[sflag:s28] =	ssyncset.done $0x0  }
0x15f: {  	[sflag:s28] =	ssyncadd.s32 $0xFFFFC180  }
0x160: {  	_ =	swait.ge [sflag:s28], $0x3E80  }
0x161: {  	[sflag:s28] =	ssyncset.done $0x0  }
0x162: {  	s3 =	simm.s32 $0x2000;
	[sflag:s28] =	ssyncadd.s32 $0xFFFFC180  }
0x163: {  	[spmem:s1] =	stream.indirect.scatter.add.f32 [tilespmem:s17], [sflag:$0x1], $0x80, s3, s19, $0xb8;
	[tilespmem:$0x1E800] =	vst v63  }
0x164: {  	s31 =	simm.s32 $0x2080  }
0x165: {  	[spmem:s1] =	stream.indirect.scatter.add.f32 [tilespmem:s17], [sflag:$0x1], $0x80, s31, s19, $0xb8;
	[tilespmem:$0x1E800] =	vst v63  }
0x166: {  	s3 =	simm.s32 $0x2100  }
0x167: {  	[spmem:s1] =	stream.indirect.scatter.add.f32 [tilespmem:s17], [sflag:$0x1], $0x80, s3, s19, $0xb8;
	[tilespmem:$0x1E800] =	vst v63  }
0x168: {  	s31 =	simm.s32 $0x2180  }
0x169: {  	[spmem:s1] =	stream.indirect.scatter.add.f32 [tilespmem:s17], [sflag:$0x1], $0x80, s31, s19, $0xb8;
	[tilespmem:$0x1E800] =	vst v63  }
0x16a: {  	s3 =	simm.s32 $0x2200  }
0x16b: {  	[spmem:s1] =	stream.indirect.scatter.add.f32 [tilespmem:s17], [sflag:$0x1], $0x80, s3, s19, $0xb8;
	[tilespmem:$0x1E800] =	vst v63  }
0x16c: {  	s31 =	simm.s32 $0x2280  }
0x16d: {  	[spmem:s1] =	stream.indirect.scatter.add.f32 [tilespmem:s17], [sflag:$0x1], $0x80, s31, s19, $0xb8;
	[tilespmem:$0x1E800] =	vst v63  }
0x16e: {  	s3 =	simm.s32 $0x2300  }
0x16f: {  	[spmem:s1] =	stream.indirect.scatter.add.f32 [tilespmem:s17], [sflag:$0x1], $0x80, s3, s19, $0xb8;
	[tilespmem:$0x1E800] =	vst v63  }
0x170: {  	s31 =	simm.s32 $0x2380  }
0x171: {  	[spmem:s1] =	stream.indirect.scatter.add.f32 [tilespmem:s17], [sflag:$0x1], $0x80, s31, s19, $0xb8;
	[tilespmem:$0x1E800] =	vst v63  }
0x172: {  	_ =	swait.ge [sflag:s28], $0x3E80  }
0x173: {  	[sflag:s28] =	ssyncset.done $0x0  }
0x174: {  	[sflag:s28] =	ssyncadd.s32 $0xFFFFC180  }
0x175: {  	_ =	swait.ge [sflag:s28], $0x3E80  }
0x176: {  	[sflag:s28] =	ssyncset.done $0x0  }
0x177: {  	[sflag:s28] =	ssyncadd.s32 $0xFFFFC180  }
0x178: {  	_ =	swait.ge [sflag:s28], $0x3E80  }
0x179: {  	[sflag:s28] =	ssyncset.done $0x0  }
0x17a: {  	[sflag:s28] =	ssyncadd.s32 $0xFFFFC180  }
0x17b: {  	_ =	swait.ge [sflag:s28], $0x3E80  }
0x17c: {  	[sflag:s28] =	ssyncset.done $0x0  }
0x17d: {  	[sflag:s28] =	ssyncadd.s32 $0xFFFFC180  }
0x17e: {  	_ =	swait.ge [sflag:s28], $0x3E80  }
0x17f: {  	[sflag:s28] =	ssyncset.done $0x0  }
0x180: {  	[sflag:s28] =	ssyncadd.s32 $0xFFFFC180  }
0x181: {  	_ =	swait.ge [sflag:s28], $0x3E80  }
0x182: {  	[sflag:s28] =	ssyncset.done $0x0  }
0x183: {  	[sflag:s28] =	ssyncadd.s32 $0xFFFFC180  }
0x184: {  	_ =	swait.ge [sflag:s28], $0x3E80  }
0x185: {  	[sflag:s28] =	ssyncset.done $0x0  }
0x186: {  	[sflag:s28] =	ssyncadd.s32 $0xFFFFC180  }
0x187: {  	_ =	swait.ge [sflag:s28], $0x3E80  }
0x188: {  	[sflag:s28] =	ssyncset.done $0x0  }
0x189: {  	s3 =	simm.s32 $0x2400;
	[sflag:s28] =	ssyncadd.s32 $0xFFFFC180  }
0x18a: {  	[spmem:s1] =	stream.indirect.scatter.add.f32 [tilespmem:s17], [sflag:$0x1], $0x80, s3, s19, $0xb8;
	[tilespmem:$0x1E800] =	vst v63  }
0x18b: {  	s31 =	simm.s32 $0x2480  }
0x18c: {  	[spmem:s1] =	stream.indirect.scatter.add.f32 [tilespmem:s17], [sflag:$0x1], $0x80, s31, s19, $0xb8;
	[tilespmem:$0x1E800] =	vst v63  }
0x18d: {  	s3 =	simm.s32 $0x2500  }
0x18e: {  	[spmem:s1] =	stream.indirect.scatter.add.f32 [tilespmem:s17], [sflag:$0x1], $0x80, s3, s19, $0xb8;
	[tilespmem:$0x1E800] =	vst v63  }
0x18f: {  	s31 =	simm.s32 $0x2580  }
0x190: {  	[spmem:s1] =	stream.indirect.scatter.add.f32 [tilespmem:s17], [sflag:$0x1], $0x80, s31, s19, $0xb8;
	[tilespmem:$0x1E800] =	vst v63  }
0x191: {  	s3 =	simm.s32 $0x2600  }
0x192: {  	[spmem:s1] =	stream.indirect.scatter.add.f32 [tilespmem:s17], [sflag:$0x1], $0x80, s3, s19, $0xb8;
	[tilespmem:$0x1E800] =	vst v63  }
0x193: {  	s31 =	simm.s32 $0x2680  }
0x194: {  	[spmem:s1] =	stream.indirect.scatter.add.f32 [tilespmem:s17], [sflag:$0x1], $0x80, s31, s19, $0xb8;
	[tilespmem:$0x1E800] =	vst v63  }
0x195: {  	s13 =	simm.s32 $0x2700  }
0x196: {  	[spmem:s1] =	stream.indirect.scatter.add.f32 [tilespmem:s17], [sflag:$0x1], $0x80, s13, s19, $0xb8;
	[tilespmem:$0x1E800] =	vst v63  }
0x197: {  	s6 =	simm.s32 $0x2780  }
0x198: {  	[spmem:s1] =	stream.indirect.scatter.add.f32 [tilespmem:s17], [sflag:$0x1], $0x80, s6, s19, $0xb8;
	[tilespmem:$0x1E800] =	vst v63  }
0x199: {  	_ =	swait.ge [sflag:s28], $0x3E80  }
0x19a: {  	[sflag:s28] =	ssyncset.done $0x0  }
0x19b: {  	[sflag:s28] =	ssyncadd.s32 $0xFFFFC180  }
0x19c: {  	_ =	swait.ge [sflag:s28], $0x3E80  }
0x19d: {  	[sflag:s28] =	ssyncset.done $0x0  }
0x19e: {  	[sflag:s28] =	ssyncadd.s32 $0xFFFFC180  }
0x19f: {  	_ =	swait.ge [sflag:s28], $0x3E80  }
0x1a0: {  	[sflag:s28] =	ssyncset.done $0x0  }
0x1a1: {  	[sflag:s28] =	ssyncadd.s32 $0xFFFFC180  }
0x1a2: {  	_ =	swait.ge [sflag:s28], $0x3E80  }
0x1a3: {  	[sflag:s28] =	ssyncset.done $0x0  }
0x1a4: {  	[sflag:s28] =	ssyncadd.s32 $0xFFFFC180  }
0x1a5: {  	_ =	swait.ge [sflag:s28], $0x3E80  }
0x1a6: {  	[sflag:s28] =	ssyncset.done $0x0  }
0x1a7: {  	[sflag:s28] =	ssyncadd.s32 $0xFFFFC180  }
0x1a8: {  	_ =	swait.ge [sflag:s28], $0x3E80  }
0x1a9: {  	[sflag:s28] =	ssyncset.done $0x0  }
0x1aa: {  	[sflag:s28] =	ssyncadd.s32 $0xFFFFC180  }
0x1ab: {  	_ =	swait.ge [sflag:s28], $0x3E80  }
0x1ac: {  	[sflag:s28] =	ssyncset.done $0x0  }
0x1ad: {  	[sflag:s28] =	ssyncadd.s32 $0xFFFFC180  }
0x1ae: {  	_ =	swait.ge [sflag:s28], $0x3E80  }
0x1af: {  	[sflag:s28] =	ssyncset.done $0x0  }
0x1b0: {  	[sflag:s28] =	ssyncadd.s32 $0xFFFFC180  }
0x1b1: {  	[bflag:$0x0] =	sbarrier.arrive $0xFFFF  }
0x1b2: {  	s3 =	rddreg [dreg:$0x4]  }
0x1b3: {  	[hbm:s3], [sflag:s7] =	dma.local [spmem:s5], $0x2800  }
0x1b4: {  	_ =	swait.ge [sflag:s16], $0x2800  }
0x1b5: {  	[sflag:s16] =	ssyncset.done $0x0  }
0x1b6: {  	[sflag:s16] =	ssyncadd.s32 $0xFFFFD800  }
0x1b7: {  	[bflag:$0x0] =	sbarrier.arrive $0xFFFF  }
0x1b8: {  	[spmem:s5], [sflag:s7] =	dma.local [hbm:s8], $0x2800  }
0x1b9: {  	_ =	swait.ge [sflag:s16], $0x2800  }
0x1ba: {  	[sflag:s16] =	ssyncset.done $0x0  }
0x1bb: {  	[sflag:s16] =	ssyncadd.s32 $0xFFFFD800  }
0x1bc: {  	[bflag:$0x0] =	sbarrier.arrive $0xFFFF  }
0x1bd: {  	s31 =	rddreg [dreg:$0x5]  }
0x1be: {  	[tilespmem:s18], [sflag:$0x3] =	stream.linear.gather [hbm4b:s31+s18], $0x1400, $0x38;
	[tilespmem:$0x1E800] =	vst v63  }
0x1bf: {  	_ =	swait.ge [sflag:s16], $0x1400  }
0x1c0: {  	[sflag:s16] =	ssyncset.done $0x0  }
0x1c1: {  	s2 =	simm.s32 $0x1400;
	[sflag:s16] =	ssyncadd.s32 $0xFFFFEC00  }
0x1c2: {  	[tilespmem:s2], [sflag:$0x3] =	stream.linear.gather [hbm4b:s9+s18], $0x1400, $0x38;
	[tilespmem:$0x1E800] =	vst v63  }
0x1c3: {  	_ =	swait.ge [sflag:s16], $0x1400  }
0x1c4: {  	[sflag:s16] =	ssyncset.done $0x0  }
0x1c5: {  	[sflag:s16] =	ssyncadd.s32 $0xFFFFEC00  }
0x1c6: {  	[tilespmem:s17], [sflag:$0x1] =	stream.indirect.gather [hbm4b:s4+s19], $0x80, s18, s19, $0xb8;
	[tilespmem:$0x1E800] =	vst v63  }
0x1c7: {  	s29 =	simm.s32 $0x80  }
0x1c8: {  	[tilespmem:s14], [sflag:$0x2] =	stream.indirect.gather [hbm4b:s4+s19], $0x80, s29, s19, $0xb8;
	[tilespmem:$0x1E800] =	vst v63  }
0x1c9: {  	_ =	swait.ge [sflag:s28], $0x3E80  }
0x1ca: {  	[sflag:s28] =	ssyncset.done $0x0  }
0x1cb: {  	s29 =	simm.s32 $0x1400;
	[sflag:s28] =	ssyncadd.s32 $0xFFFFC180  }
0x1cc: {  	[spmem:s1] =	stream.indirect.scatter.add.f32 [tilespmem:s17], [sflag:$0x3], $0x80, s29, s19, $0xb8;
	[tilespmem:$0x1E800] =	vst v63  }
0x1cd: {  	_ =	swait.ge [sflag:s16], $0x3E80  }
0x1ce: {  	[sflag:s16] =	ssyncset.done $0x0  }
0x1cf: {  	s29 =	simm.s32 $0x100;
	[sflag:s16] =	ssyncadd.s32 $0xFFFFC180  }
0x1d0: {  	[tilespmem:s17], [sflag:$0x1] =	stream.indirect.gather [hbm4b:s4+s19], $0x80, s29, s19, $0xb8;
	[tilespmem:$0x1E800] =	vst v63  }
0x1d1: {  	_ =	swait.ge [sflag:s24], $0x3E80  }
0x1d2: {  	[sflag:s24] =	ssyncset.done $0x0  }
0x1d3: {  	s29 =	simm.s32 $0x1480;
	[sflag:s24] =	ssyncadd.s32 $0xFFFFC180  }
0x1d4: {  	[spmem:s1] =	stream.indirect.scatter.add.f32 [tilespmem:s14], [sflag:$0x3], $0x80, s29, s19, $0xb8;
	[tilespmem:$0x1E800] =	vst v63  }
0x1d5: {  	_ =	swait.ge [sflag:s16], $0x3E80  }
0x1d6: {  	s30 =	simm.s32 $0x800;
	s29 =	simm.s32 $0x100;
	[sflag:s16] =	ssyncset.done $0x0  }
.LBB2_2:
0x1d7: {  	s31 =	sadd.s32 $0x80, s29  }
0x1d8: {  	[sflag:s16] =	ssyncadd.s32 $0xFFFFC180;
	s0 =	smov.u32 s30;
	s3 =	sadd.s32 $0x400, s30  }
0x1d9: {  	[tilespmem:s14], [sflag:$0x2] =	stream.indirect.gather [hbm4b:s4+s19], $0x80, s31, s19, $0xb8;
	[tilespmem:$0x1E800] =	vst v63  }
0x1da: {  	p0 =	sne.s32 s30, $0x4800;
	_ =	swait.ge [sflag:s28], $0x3E80  }
0x1db: {  	[sflag:s28] =	ssyncset.done $0x0  }
0x1dc: {  	s30 =	sadd.s32 $0x1400, s29;
	[sflag:s28] =	ssyncadd.s32 $0xFFFFC180  }
0x1dd: {  	[spmem:s1] =	stream.indirect.scatter.add.f32 [tilespmem:s17], [sflag:$0x3], $0x80, s30, s19, $0xb8;
	[tilespmem:$0x1E800] =	vst v63  }
0x1de: {  	_ =	swait.ge [sflag:s16], $0x3E80  }
0x1df: {  	[sflag:s16] =	ssyncset.done $0x0  }
0x1e0: {  	s30 =	sadd.s32 $0x100, s29;
	[sflag:s16] =	ssyncadd.s32 $0xFFFFC180  }
0x1e1: {  	[tilespmem:s17], [sflag:$0x1] =	stream.indirect.gather [hbm4b:s4+s19], $0x80, s30, s19, $0xb8;
	[tilespmem:$0x1E800] =	vst v63  }
0x1e2: {  	_ =	swait.ge [sflag:s24], $0x3E80  }
.Ltmp0:
0x1e3: {  	[sflag:s24] =	ssyncset.done $0x0;
	(pc) =	sbr.rel @p0 .LBB2_2-.Ltmp0, $4  }
0x1e4: {  	s29 =	sadd.s32 $0x1480, s29;
	[sflag:s24] =	ssyncadd.s32 $0xFFFFC180  }
0x1e5: {  	[spmem:s1] =	stream.indirect.scatter.add.f32 [tilespmem:s14], [sflag:$0x3], $0x80, s29, s19, $0xb8;
	[tilespmem:$0x1E800] =	vst v63  }
0x1e6: {  	_ =	swait.ge [sflag:s16], $0x3E80  }
0x1e7: {  	s30 =	smov.u32 s3;
	s29 =	sshra.s32 s0, $0x2;
	[sflag:s16] =	ssyncset.done $0x0  }
0x1e8: {  	s0 =	sadd.s32 $0x80, s29;
	[sflag:s16] =	ssyncadd.s32 $0xFFFFC180  }
0x1e9: {  	[tilespmem:s14], [sflag:$0x2] =	stream.indirect.gather [hbm4b:s4+s19], $0x80, s0, s19, $0xb8;
	[tilespmem:$0x1E800] =	vst v63  }
0x1ea: {  	_ =	swait.ge [sflag:s28], $0x3E80  }
0x1eb: {  	[sflag:s28] =	ssyncset.done $0x0  }
0x1ec: {  	s3 =	sadd.s32 $0x1400, s29;
	[sflag:s28] =	ssyncadd.s32 $0xFFFFC180  }
0x1ed: {  	[spmem:s1] =	stream.indirect.scatter.add.f32 [tilespmem:s17], [sflag:$0x3], $0x80, s3, s19, $0xb8;
	[tilespmem:$0x1E800] =	vst v63  }
0x1ee: {  	_ =	swait.ge [sflag:s16], $0x3E80  }
0x1ef: {  	[sflag:s16] =	ssyncset.done $0x0  }
0x1f0: {  	s8 =	sadd.s32 $0x100, s29;
	[sflag:s16] =	ssyncadd.s32 $0xFFFFC180  }
0x1f1: {  	[tilespmem:s17], [sflag:$0x1] =	stream.indirect.gather [hbm4b:s4+s19], $0x80, s8, s19, $0xb8;
	[tilespmem:$0x1E800] =	vst v63  }
0x1f2: {  	_ =	swait.ge [sflag:s24], $0x3E80  }
0x1f3: {  	[sflag:s24] =	ssyncset.done $0x0  }
0x1f4: {  	s9 =	sadd.s32 $0x1480, s29;
	[sflag:s24] =	ssyncadd.s32 $0xFFFFC180  }
0x1f5: {  	[spmem:s1] =	stream.indirect.scatter.add.f32 [tilespmem:s14], [sflag:$0x3], $0x80, s9, s19, $0xb8;
	[tilespmem:$0x1E800] =	vst v63  }
0x1f6: {  	_ =	swait.ge [sflag:s16], $0x3E80  }
0x1f7: {  	[sflag:s16] =	ssyncset.done $0x0  }
0x1f8: {  	s8 =	simm.s32 $0x1380;
	[sflag:s16] =	ssyncadd.s32 $0xFFFFC180  }
0x1f9: {  	[tilespmem:s14], [sflag:$0x2] =	stream.indirect.gather [hbm4b:s4+s19], $0x80, s8, s19, $0xb8;
	[tilespmem:$0x1E800] =	vst v63  }
0x1fa: {  	_ =	swait.ge [sflag:s28], $0x3E80  }
0x1fb: {  	[sflag:s28] =	ssyncset.done $0x0  }
0x1fc: {  	[sflag:s28] =	ssyncadd.s32 $0xFFFFC180  }
0x1fd: {  	[spmem:s1] =	stream.indirect.scatter.add.f32 [tilespmem:s17], [sflag:$0x3], $0x80, s13, s19, $0xb8;
	[tilespmem:$0x1E800] =	vst v63  }
0x1fe: {  	_ =	swait.ge [sflag:s16], $0x3E80  }
0x1ff: {  	[sflag:s16] =	ssyncset.done $0x0  }
0x200: {  	[sflag:s16] =	ssyncadd.s32 $0xFFFFC180  }
0x201: {  	_ =	swait.ge [sflag:s24], $0x3E80  }
0x202: {  	[sflag:s24] =	ssyncset.done $0x0  }
0x203: {  	[sflag:s24] =	ssyncadd.s32 $0xFFFFC180  }
0x204: {  	[spmem:s1] =	stream.indirect.scatter.add.f32 [tilespmem:s14], [sflag:$0x3], $0x80, s6, s19, $0xb8;
	[tilespmem:$0x1E800] =	vst v63  }
0x205: {  	_ =	swait.ge [sflag:s16], $0x3E80  }
0x206: {  	[sflag:s16] =	ssyncset.done $0x0  }
0x207: {  	s31 =	simm.s32 $0x0;
	s3 =	rddreg [dreg:$0x6];
	[sflag:s16] =	ssyncadd.s32 $0xFFFFC180  }
0x208: {  	[tilespmem:s31], [sflag:$0x3] =	stream.linear.gather [hbm4b:s3+s31], $0x1400, $0x38;
	[tilespmem:$0x1E800] =	vst v63  }
0x209: {  	_ =	swait.ge [sflag:s16], $0x1400  }
0x20a: {  	[sflag:s16] =	ssyncset.done $0x0  }
0x20b: {  	s9 =	rddreg [dreg:$0xb];
	[sflag:s16] =	ssyncadd.s32 $0xFFFFEC00  }
0x20c: {  	[tilespmem:s2], [sflag:$0x3] =	stream.linear.gather [hbm4b:s9+s31], $0x1400, $0x38;
	[tilespmem:$0x1E800] =	vst v63  }
0x20d: {  	_ =	swait.ge [sflag:s16], $0x1400  }
0x20e: {  	[sflag:s16] =	ssyncset.done $0x0  }
0x20f: {  	[sflag:s16] =	ssyncadd.s32 $0xFFFFEC00  }
0x210: {  	[tilespmem:s17], [sflag:$0x1] =	stream.indirect.gather [hbm4b:s4+s19], $0x80, s31, s19, $0xb8;
	[tilespmem:$0x1E800] =	vst v63  }
0x211: {  	s31 =	simm.s32 $0x80  }
0x212: {  	[tilespmem:s14], [sflag:$0x2] =	stream.indirect.gather [hbm4b:s4+s19], $0x80, s31, s19, $0xb8;
	[tilespmem:$0x1E800] =	vst v63  }
0x213: {  	_ =	swait.ge [sflag:s28], $0x3E80  }
0x214: {  	[sflag:s28] =	ssyncset.done $0x0  }
0x215: {  	s3 =	simm.s32 $0x1400;
	[sflag:s28] =	ssyncadd.s32 $0xFFFFC180  }
0x216: {  	[spmem:s1] =	stream.indirect.scatter.add.f32 [tilespmem:s17], [sflag:$0x3], $0x80, s3, s19, $0xb8;
	[tilespmem:$0x1E800] =	vst v63  }
0x217: {  	_ =	swait.ge [sflag:s16], $0x3E80  }
0x218: {  	[sflag:s16] =	ssyncset.done $0x0  }
0x219: {  	s9 =	simm.s32 $0x100;
	[sflag:s16] =	ssyncadd.s32 $0xFFFFC180  }
0x21a: {  	[tilespmem:s17], [sflag:$0x1] =	stream.indirect.gather [hbm4b:s4+s19], $0x80, s9, s19, $0xb8;
	[tilespmem:$0x1E800] =	vst v63  }
0x21b: {  	_ =	swait.ge [sflag:s24], $0x3E80  }
0x21c: {  	[sflag:s24] =	ssyncset.done $0x0  }
0x21d: {  	s31 =	simm.s32 $0x1480;
	[sflag:s24] =	ssyncadd.s32 $0xFFFFC180  }
0x21e: {  	[spmem:s1] =	stream.indirect.scatter.add.f32 [tilespmem:s14], [sflag:$0x3], $0x80, s31, s19, $0xb8;
	[tilespmem:$0x1E800] =	vst v63  }
0x21f: {  	_ =	swait.ge [sflag:s16], $0x3E80  }
0x220: {  	s30 =	simm.s32 $0x800;
	s29 =	simm.s32 $0x100;
	[sflag:s16] =	ssyncset.done $0x0  }
.LBB2_4:
0x221: {  	s0 =	sadd.s32 $0x80, s29  }
0x222: {  	[sflag:s16] =	ssyncadd.s32 $0xFFFFC180;
	s3 =	smov.u32 s30;
	s31 =	sadd.s32 $0x400, s30  }
0x223: {  	[tilespmem:s14], [sflag:$0x2] =	stream.indirect.gather [hbm4b:s4+s19], $0x80, s0, s19, $0xb8;
	[tilespmem:$0x1E800] =	vst v63  }
0x224: {  	p0 =	sne.s32 s30, $0x4800;
	_ =	swait.ge [sflag:s28], $0x3E80  }
0x225: {  	[sflag:s28] =	ssyncset.done $0x0  }
0x226: {  	s0 =	sadd.s32 $0x1400, s29;
	[sflag:s28] =	ssyncadd.s32 $0xFFFFC180  }
0x227: {  	[spmem:s1] =	stream.indirect.scatter.add.f32 [tilespmem:s17], [sflag:$0x3], $0x80, s0, s19, $0xb8;
	[tilespmem:$0x1E800] =	vst v63  }
0x228: {  	_ =	swait.ge [sflag:s16], $0x3E80  }
0x229: {  	[sflag:s16] =	ssyncset.done $0x0  }
0x22a: {  	s0 =	sadd.s32 $0x100, s29;
	[sflag:s16] =	ssyncadd.s32 $0xFFFFC180  }
0x22b: {  	[tilespmem:s17], [sflag:$0x1] =	stream.indirect.gather [hbm4b:s4+s19], $0x80, s0, s19, $0xb8;
	[tilespmem:$0x1E800] =	vst v63  }
0x22c: {  	_ =	swait.ge [sflag:s24], $0x3E80  }
.Ltmp1:
0x22d: {  	[sflag:s24] =	ssyncset.done $0x0;
	(pc) =	sbr.rel @p0 .LBB2_4-.Ltmp1, $4  }
0x22e: {  	s0 =	sadd.s32 $0x1480, s29;
	[sflag:s24] =	ssyncadd.s32 $0xFFFFC180  }
0x22f: {  	[spmem:s1] =	stream.indirect.scatter.add.f32 [tilespmem:s14], [sflag:$0x3], $0x80, s0, s19, $0xb8;
	[tilespmem:$0x1E800] =	vst v63  }
0x230: {  	_ =	swait.ge [sflag:s16], $0x3E80  }
0x231: {  	s30 =	smov.u32 s31;
	s29 =	sshra.s32 s3, $0x2;
	[sflag:s16] =	ssyncset.done $0x0  }
0x232: {  	s0 =	sadd.s32 $0x80, s29;
	[sflag:s16] =	ssyncadd.s32 $0xFFFFC180  }
0x233: {  	[tilespmem:s14], [sflag:$0x2] =	stream.indirect.gather [hbm4b:s4+s19], $0x80, s0, s19, $0xb8;
	[tilespmem:$0x1E800] =	vst v63  }
0x234: {  	_ =	swait.ge [sflag:s28], $0x3E80  }
0x235: {  	[sflag:s28] =	ssyncset.done $0x0  }
0x236: {  	s3 =	sadd.s32 $0x1400, s29;
	[sflag:s28] =	ssyncadd.s32 $0xFFFFC180  }
0x237: {  	[spmem:s1] =	stream.indirect.scatter.add.f32 [tilespmem:s17], [sflag:$0x3], $0x80, s3, s19, $0xb8;
	[tilespmem:$0x1E800] =	vst v63  }
0x238: {  	_ =	swait.ge [sflag:s16], $0x3E80  }
0x239: {  	[sflag:s16] =	ssyncset.done $0x0  }
0x23a: {  	s9 =	sadd.s32 $0x100, s29;
	[sflag:s16] =	ssyncadd.s32 $0xFFFFC180  }
0x23b: {  	[tilespmem:s17], [sflag:$0x1] =	stream.indirect.gather [hbm4b:s4+s19], $0x80, s9, s19, $0xb8;
	[tilespmem:$0x1E800] =	vst v63  }
0x23c: {  	_ =	swait.ge [sflag:s24], $0x3E80  }
0x23d: {  	[sflag:s24] =	ssyncset.done $0x0  }
0x23e: {  	s29 =	sadd.s32 $0x1480, s29;
	[sflag:s24] =	ssyncadd.s32 $0xFFFFC180  }
0x23f: {  	[spmem:s1] =	stream.indirect.scatter.add.f32 [tilespmem:s14], [sflag:$0x3], $0x80, s29, s19, $0xb8;
	[tilespmem:$0x1E800] =	vst v63  }
0x240: {  	_ =	swait.ge [sflag:s16], $0x3E80  }
0x241: {  	[sflag:s16] =	ssyncset.done $0x0  }
0x242: {  	[sflag:s16] =	ssyncadd.s32 $0xFFFFC180  }
0x243: {  	[tilespmem:s14], [sflag:$0x2] =	stream.indirect.gather [hbm4b:s4+s19], $0x80, s8, s19, $0xb8;
	[tilespmem:$0x1E800] =	vst v63  }
0x244: {  	_ =	swait.ge [sflag:s28], $0x3E80  }
0x245: {  	[sflag:s28] =	ssyncset.done $0x0  }
0x246: {  	[sflag:s28] =	ssyncadd.s32 $0xFFFFC180  }
0x247: {  	[spmem:s1] =	stream.indirect.scatter.add.f32 [tilespmem:s17], [sflag:$0x3], $0x80, s13, s19, $0xb8;
	[tilespmem:$0x1E800] =	vst v63  }
0x248: {  	_ =	swait.ge [sflag:s16], $0x3E80  }
0x249: {  	[sflag:s16] =	ssyncset.done $0x0  }
0x24a: {  	[sflag:s16] =	ssyncadd.s32 $0xFFFFC180  }
0x24b: {  	_ =	swait.ge [sflag:s24], $0x3E80  }
0x24c: {  	[sflag:s24] =	ssyncset.done $0x0  }
0x24d: {  	[sflag:s24] =	ssyncadd.s32 $0xFFFFC180  }
0x24e: {  	[spmem:s1] =	stream.indirect.scatter.add.f32 [tilespmem:s14], [sflag:$0x3], $0x80, s6, s19, $0xb8;
	[tilespmem:$0x1E800] =	vst v63  }
0x24f: {  	_ =	swait.ge [sflag:s16], $0x3E80  }
0x250: {  	[sflag:s16] =	ssyncset.done $0x0  }
0x251: {  	[sflag:s16] =	ssyncadd.s32 $0xFFFFC180  }
0x252: {  	[bflag:$0x0] =	sbarrier.arrive $0xFFFF  }
0x253: {  	s30 =	rddreg [dreg:$0x7]  }
0x254: {  	[hbm:s30], [sflag:s7] =	dma.local [spmem:s5], $0x2800  }
0x255: {  	_ =	swait.ge [sflag:s16], $0x2800  }
0x256: {  	s26 =	sadd.s32 $0x1, s26;
	s31 =	rddreg [dreg:$0x8]  }
0x257: {  	p0 =	sne.s32 s26, s31  }
.Ltmp2:
0x258: {  	_ = 	snop;
	(pc) =	sbr.rel @p0 .LBB2_1-.Ltmp2, $3  }
0x259: {  	_ =	sdelay $0x1  }
0x25a: {  	[sflag:s16] =	ssyncset.done $0x0  }
0x25b: {  	[sflag:s16] =	ssyncadd.s32 $0xFFFFD800  }
0x25c: {  	_ =	sfence.sel $0x180000  }
0x25d: {  	[bflag:$0x0] =	sbarrier.arrive $0xFFFF  }
0x25e: {  	_ =	strace $0x90000047  }
0x25f: {  	s0 =	stileid.u32;
	[bflag:$0x2] =	sbarrier.arrive $0xFFFF  }
0x260: {  	p0 =	sne.s32 s0, $0x0;
	s0 =	rddreg [dreg:$0x2]  }
0x261: {  	s0 =	sadd.s32 @!p0 $0x100000, s0  }
0x262: {  	[sflag:s0] =	ssyncadd.tile.s32 @!p0 $0x1;
	_ =	shalt  }
.Lfunc_end2:
_tile_overlayer_lowered:
.L_overlay_start_2:
0x263: {  	(tag) =	ssettag $0x2  }
0x264: {  	s0 =	rddreg [dreg:$0x0];
	s2 =	stileid.u32  }
0x265: {  	s1 =	rddreg [dreg:$0x1];
	p0 =	sne.s32 s2, $0x0  }
0x266: {  	s3 =	rddreg [dreg:$0x2];
	[bflag:$0x3] =	sbarrier.arrive $0xFFFF;
	s2 =	simm.s32 @!p0 $0x1C03  }
0x267: {  	[timem:s3], [sflag:s2] =	dma.local @!p0 [hbm:s0], s1  }
0x268: {  	s0 =	simm.s32 @!p0 $0x3  }
0x269: {  	_ =	swait.ge @!p0 [sflag:s0], s1  }
0x26a: {  	s1 =	ssub.s32 @!p0 $0x0, s1;
	[sflag:s0] =	ssyncset.done @!p0 $0x0  }
0x26b: {  	[sflag:s0] =	ssyncadd.s32 @!p0 s1  }
0x26c: {  	[bflag:$0x3] =	sbarrier.arrive $0xFFFF  }
0x26d: {  	_ =	shalt  }

// kernel: seg_sum_sc.3.cloned.1.call-start
scs
__scs_entry_jumppad:
0x0: {  	(pc) =	sbr.rel $0x88, $3  }
0x1: {  	(tag) =	ssettag $0x0;
	lr =	simm.s32 $0x1  }
0x2: {  	[smem:$0x3F93] =	sst lr;
	_ =	strace $0xD0000000  }
0x3: {  	_ = 	snop  }
0x4: {  	_ = 	snop  }
0x5: {  	_ = 	snop  }
0x6: {  	_ = 	snop  }
0x7: {  	_ = 	snop  }
__scs_overlays_trampoline_lowered:
0x8: {  	[smem:$0x3FA2] =	sst s0  }
0x9: {  	[smem:$0x3FA3] =	sst s1  }
0xa: {  	[smem:$0x3FA4] =	sst s2  }
0xb: {  	[smem:$0x3FA5] =	sst s3  }
0xc: {  	[smem:$0x3FA6] =	sst s4  }
0xd: {  	[smem:$0x3FA7] =	sst s5  }
0xe: {  	[smem:$0x3FA8] =	sst s6  }
0xf: {  	[smem:$0x3FA9] =	sst s7  }
0x10: {  	[smem:$0x3FAA] =	sst s8  }
0x11: {  	[smem:$0x3FAB] =	sst s9;
	s0 =	simm.s32 @!p0 $0x0  }
0x12: {  	s1 =	sld [smem:$0x3F91];
	s0 =	simm.s32 @p0 $0x1  }
0x13: {  	[smem:$0x3FAC] =	sst s0;
	s0 =	simm.s32 @!p1 $0x0  }
0x14: {  	s2 =	sld [smem:$0x3F90];
	s0 =	simm.s32 @p1 $0x1  }
0x15: {  	[smem:$0x3FAD] =	sst s0;
	s0 =	simm.s32 @!p2 $0x0  }
0x16: {  	s3 =	sld [smem:$0x3FDB];
	s0 =	simm.s32 @p2 $0x1  }
0x17: {  	s4 =	simm.s32 $0x1BF5;
	[smem:$0x3FAF] =	sst s0  }
0x18: {  	s0 =	sld [smem:$0x3F92];
	_ =	swait.ge [sflag:s4], $0x0  }
0x19: {  	s7 =	sld [smem:$0x3F93]  }
0x1a: {  	s8 =	sadd.s32 $0xFFFFE003, lr  }
0x1b: {  	s9 =	sadd.s32 $0xFFFFFEF7, lr;
	s5 =	simm.s32 $0xFFFFFFFF;
	p2 =	slt.u32 s8, $0xFFFFF086  }
0x1c: {  	p1 =	slt.u32 s9, $0xF7A;
	s5 =	simm.s32 @!p2 $0x0  }
0x1d: {  	s5 =	simm.s32 @p1 $0x1;
	p0 =	seq.s32 s7, s2  }
0x1e: {  	s7 =	smul.u32 @!p0 $0xF7A, s2;
	p2 =	seq.s32 @!p0 s5, $0x0  }
0x1f: {  	s9 =	smul.u32 $0xF7A, s1;
	s8 =	simm.s32 @!p0 $0x1BF5;
	p2 =	por !p2, p0  }
0x20: {  	[sflag:s8] =	ssyncset.s32 @!p0 $0xFFFFF086;
	s6 =	sadd.s32 @!p0 s3, s7;
	s7 =	simm.s32 @!p0 $0x108  }
0x21: {  	s3 =	sadd.s32 s3, s9;
	s6 =	sadd.s32 @!p0 $0x88, s6;
	s7 =	simm.s32 @p2 $0x1082  }
0x22: {  	[simem:s7], [sflag:s8] =	dma.local @!p0 [hbm:s6], $0xF7A  }
0x23: {  	s9 =	sor.u32 $0xD0000000, s2;
	s6 =	simm.s32 $0x108;
	_ =	swait.ge @!p0 [sflag:s8], $0x0  }
0x24: {  	s3 =	sadd.s32 $0x88, s3;
	s6 =	simm.s32 @!p1 $0x1082;
	[sflag:s4] =	ssyncset.s32 $0xFFFFF086  }
0x25: {  	[simem:s6], [sflag:s4] =	dma.local [hbm:s3], $0xF7A  }
0x26: {  	[smem:$0x3F93] =	sst s1;
	(tag) =	ssettag s2;
	_ =	strace s9  }
0x27: {  	s1 =	sld [smem:$0x3FA3]  }
0x28: {  	s2 =	sld [smem:$0x3FA4]  }
0x29: {  	s4 =	sld [smem:$0x3FA6]  }
0x2a: {  	p0 =	seq.s32 s5, $0x0;
	s5 =	sld [smem:$0x3FA7]  }
0x2b: {  	s6 =	sld [smem:$0x3FA8]  }
0x2c: {  	s7 =	sld [smem:$0x3FA9]  }
0x2d: {  	s3 =	simm.s32 $0x108;
	s8 =	sld [smem:$0x3FAA]  }
0x2e: {  	s3 =	simm.s32 @!p0 $0x1082;
	s9 =	sld [smem:$0x3FAB]  }
0x2f: {  	lr =	sadd.s32 s0, s3;
	s0 =	sld [smem:$0x3FA2]  }
0x30: {  	s3 =	sld [smem:$0x3FA5]  }
0x31: {  	[smem:$0x3FAE] =	sst s10  }
0x32: {  	s10 =	sld [smem:$0x3FAC];
	_ =	sdelay $0x3  }
0x33: {  	p0 =	seq.s32 s10, $0x1;
	s10 =	sld [smem:$0x3FAE];
	_ =	sdelay $0x3  }
0x34: {  	[smem:$0x3FAE] =	sst s10  }
0x35: {  	s10 =	sld [smem:$0x3FAD];
	_ =	sdelay $0x3  }
0x36: {  	p1 =	seq.s32 s10, $0x1;
	s10 =	sld [smem:$0x3FAE];
	_ =	sdelay $0x3  }
0x37: {  	[smem:$0x3FAE] =	sst s10  }
0x38: {  	s10 =	sld [smem:$0x3FAF]  }
0x39: {  	_ = 	snop;
	(pc) =	sbr.ind lr, $3  }
0x3a: {  	_ = 	snop  }
0x3b: {  	_ = 	snop  }
0x3c: {  	p2 =	seq.s32 s10, $0x1;
	s10 =	sld [smem:$0x3FAE]  }
0x3d: {  	_ =	shalt  }
0x3e: {  	_ =	shalt  }
0x3f: {  	_ =	shalt  }
0x40: {  	_ =	shalt  }
0x41: {  	_ =	shalt  }
0x42: {  	_ =	shalt  }
0x43: {  	_ =	shalt  }
0x44: {  	_ =	shalt  }
0x45: {  	_ =	shalt  }
0x46: {  	_ =	shalt  }
0x47: {  	_ =	shalt  }
0x48: {  	_ =	shalt  }
0x49: {  	_ =	shalt  }
0x4a: {  	_ =	shalt  }
0x4b: {  	_ =	shalt  }
0x4c: {  	_ =	shalt  }
0x4d: {  	_ =	shalt  }
0x4e: {  	_ =	shalt  }
0x4f: {  	_ =	shalt  }
0x50: {  	_ =	shalt  }
0x51: {  	_ =	shalt  }
0x52: {  	_ =	shalt  }
0x53: {  	_ =	shalt  }
0x54: {  	_ =	shalt  }
0x55: {  	_ =	shalt  }
0x56: {  	_ =	shalt  }
0x57: {  	_ =	shalt  }
0x58: {  	_ =	shalt  }
0x59: {  	_ =	shalt  }
0x5a: {  	_ =	shalt  }
0x5b: {  	_ =	shalt  }
0x5c: {  	_ =	shalt  }
0x5d: {  	_ =	shalt  }
0x5e: {  	_ =	shalt  }
0x5f: {  	_ =	shalt  }
0x60: {  	_ =	shalt  }
0x61: {  	_ =	shalt  }
0x62: {  	_ =	shalt  }
0x63: {  	_ =	shalt  }
0x64: {  	_ =	shalt  }
0x65: {  	_ =	shalt  }
0x66: {  	_ =	shalt  }
0x67: {  	_ =	shalt  }
0x68: {  	_ =	shalt  }
0x69: {  	_ =	shalt  }
0x6a: {  	_ =	shalt  }
0x6b: {  	_ =	shalt  }
0x6c: {  	_ =	shalt  }
0x6d: {  	_ =	shalt  }
0x6e: {  	_ =	shalt  }
0x6f: {  	_ =	shalt  }
0x70: {  	_ =	shalt  }
0x71: {  	_ =	shalt  }
0x72: {  	_ =	shalt  }
0x73: {  	_ =	shalt  }
0x74: {  	_ =	shalt  }
0x75: {  	_ =	shalt  }
0x76: {  	_ =	shalt  }
0x77: {  	_ =	shalt  }
0x78: {  	_ =	shalt  }
0x79: {  	_ =	shalt  }
0x7a: {  	_ =	shalt  }
0x7b: {  	_ =	shalt  }
0x7c: {  	_ =	shalt  }
0x7d: {  	_ =	shalt  }
0x7e: {  	_ =	shalt  }
0x7f: {  	_ =	shalt  }
0x80: {  	_ =	shalt  }
0x81: {  	_ =	shalt  }
0x82: {  	_ =	shalt  }
0x83: {  	_ =	shalt  }
0x84: {  	_ =	shalt  }
0x85: {  	_ =	shalt  }
0x86: {  	_ =	shalt  }
0x87: {  	_ =	shalt  }
.Lfunc_end0:
.L_simem_size_0:
called_computation.1_lowered:
.L_overlay_start_0:
0x88: {  	s2 =	sld [smem:$0x3FD9]  }
0x89: {  	s3 =	sld [smem:$0x3FFE];
	_ =	sdelay $0x1  }
0x8a: {  	s1 =	srdreg.scid  }
0x8b: {  	s0 =	sand.u32 $0x1, s1  }
0x8c: {  	s16 =	sshll.u32 s0, $0xA;
	s2 =	sadd.s32 s3, s2  }
0x8d: {  	s2 =	sadd.s32 s2, s16  }
0x8e: {  	[smem:$0x3FBA] =	sst s2  }
0x8f: {  	_ = 	snop  }
0x90: {  	(tm) =	ssettm $0x1  }
0x91: {  	s17 =	sld [smem:$0x3FFB];
	_ =	sdelay $0x3  }
0x92: {  	_ =	strace s17  }
0x93: {  	s2 =	sld [smem:$0x3FFC];
	_ =	sdelay $0x3  }
0x94: {  	_ =	strace s2  }
0x95: {  	s2 =	sld [smem:$0x3FFD];
	_ =	sdelay $0x3  }
0x96: {  	_ =	strace s2  }
0x97: {  	_ =	strace $0x8FFFFFFF  }
0x98: {  	s18 =	sld [smem:$0x3FDB];
	_ =	sdelay $0x1  }
0x99: {  	s19 =	simm.s32 $_scs_section_size  }
0x9a: {  	s4 =	simm.s32 $_size__tile_overlayer_lowered;
	s5 =	simm.s32 $_tile_overlayer_lowered  }
0x9b: {  	s22 =	simm.s32 $0x1BFF;
	s21 =	sshll.u32 s5, $0x1;
	s2 =	sadd.s32 s19, s18  }
0x9c: {  	s6 =	simm.s32 $0x0;
	s20 =	sshll.u32 s4, $0x1;
	s4 =	sadd.s32 s21, s2  }
0x9d: {  	[timem:s6], [sflag:s22] =	dma.local [hbm:s4], s20  }
0x9e: {  	_ =	swait.ge [sflag:s22], s20  }
0x9f: {  	s3 =	ssub.s32 $0x0, s20;
	[sflag:s22] =	ssyncset.done $0x0  }
0xa0: {  	[sflag:s22] =	ssyncadd.s32 s3;
	_ =	sdelay $0x1  }
0xa1: {  	s23 =	simm.s32 $0x1B8B  }
0xa2: {  	_ =	swait.ge [sflag:s23], $0x1  }
0xa3: {  	[sflag:s23] =	ssyncset.done $0x0  }
0xa4: {  	s25 =	simm.s32 $0x1B8E;
	s24 =	sld [smem:$0x3FFE];
	[sflag:s23] =	ssyncadd.s32 $0xFFFFFFFF  }
0xa5: {  	s26 =	simm.s32 $execute0_lowered;
	[smem:$0x3FD2] =	sst s25  }
0xa6: {  	s4 =	sshll.u32 s26, $0x1;
	_ =	strace $0x80000049;
	[dreg:$0x1] =	wrdreg $0xFFFFFFFF  }
0xa7: {  	s28 =	simm.s32 $_size_execute0_lowered;
	s2 =	sadd.s32 s2, s4;
	[dreg:$0x0] =	wrdreg $0x0  }
0xa8: {  	s4 =	sshll.u32 s28, $0x1;
	[dreg:$0x2] =	wrdreg s2  }
0xa9: {  	[dreg:$0x3] =	wrdreg s4  }
0xaa: {  	[dreg:$0x4] =	wrdreg $0xC0  }
0xab: {  	_ =	task [dreg:s6], $0x5FFFF  }
0xac: {  	[dreg:$0x1] =	wrdreg $0xFFFFFFFF  }
0xad: {  	[dreg:$0x0] =	wrdreg $0x60  }
0xae: {  	[dreg:$0x2] =	wrdreg s24  }
0xaf: {  	[dreg:$0x3] =	wrdreg $0xA8000  }
0xb0: {  	[dreg:$0x4] =	wrdreg $0x9  }
0xb1: {  	_ =	task.clear_ibuf [dreg:s6], $0x5FFFF;
	_ =	strace $0x90000049  }
0xb2: {  	s29 =	simm.s32 $0x9;
	_ =	strace $0x8000004B  }
0xb3: {  	_ =	swait.ge [sflag:s29], $0x1  }
0xb4: {  	[sflag:s29] =	ssyncadd.s32 $0xFFFFFFFF  }
0xb5: {  	_ =	strace $0x9000004B  }
0xb6: {  	_ =	sfence  }
0xb7: {  	s30 =	sld [smem:$0x0];
	_ =	sdelay $0x2  }
0xb8: {  	s31 =	sshll.u32 s1, $0xD;
	s1 =	sshrl.u32 s1, $0x2  }
0xb9: {  	s3 =	sand.u32 $0x4000, s31;
	s1 =	sadd.s32 s1, s30  }
0xba: {  	s0 =	sor.u32 s3, s0;
	s1 =	sshll.u32 s1, $0x11  }
0xbb: {  	s0 =	sor.u32 s1, s0  }
0xbc: {  	s0 =	sadd.s32 $0x8F2B, s0  }
0xbd: {  	[sflag:s0] =	ssyncadd.remote.s32 $0x1  }
0xbe: {  	_ =	sfence.sel $0xFFFF  }
0xbf: {  	[dreg:$0x0] =	wrdreg $0xFFFFFFFF;
	(pc) =	sbr.abs _section_cstart, $3  }
0xc0: {  	[dreg:$0x1] =	wrdreg $0xFFFFFFFF  }
0xc1: {  	_ =	task.clear_ibuf [dreg:s6], $0x2FFFF;
	_ =	strace $0x9FFFFFFF  }
0xc2: {  	(tm) =	ssettm $0x7FFFFFFF  }
0xc3: {  	_ =	shalt  }
tec
execute0_lowered:
.L_overlay_start_1:
0x0: {  	(tag) =	ssettag $0x1  }
0x1: {  	s6 =	rddreg [dreg:$0x0]  }
0x2: {  	s1 =	rddreg [dreg:$0x1]  }
0x3: {  	s2 =	srdreg.scid;
	s0 =	rddreg [dreg:$0x2]  }
0x4: {  	s3 =	simm.s32 $0x0;
	s15 =	simm.s32 $0x1400;
	s16 =	simm.s32 $0x7D  }
0x5: {  	s17 =	simm.s32 $0x2800;
	s18 =	simm.s32 $0x6800;
	s19 =	simm.s32 $0x1  }
0x6: {  	s20 =	simm.s32 $0x2;
	s21 =	simm.s32 $0x1380;
	s22 =	simm.s32 $0x2700  }
0x7: {  	s23 =	simm.s32 $0x2780;
	s5 =	sand.u32 $0x1, s2;
	s2 =	stileid.u32  }
0x8: {  	[smem:$0x7FF] =	sst s3;
	s4 =	sadd.s32 $0x16200, s6;
	s7 =	smul.u32 $0x140000, s5  }
0x9: {  	s9 =	sadd.s32 $0x2200, s6;
	s10 =	sadd.s32 $0xC200, s6;
	s8 =	smul.u32 $0x14000, s2  }
0xa: {  	_ =	strace $0x8000004A;
	s24 =	sshll.u32 s2, $0x1;
	s11 =	ssub.s32 $0x2, s5  }
0xb: {  	s25 =	smul.u32 $0x50000, s2;
	s28 =	sshll.u32 s2, $0x6;
	s5 =	sor.u32 s5, s24  }
0xc: {  	s12 =	sshrl.u32 s11, $0x1;
	s24 =	simm.s32 $0x0;
	s7 =	sadd.s32 s8, s7  }
0xd: {  	s13 =	smul.u32 $0x2800, s5;
	s5 =	sadd.s32 $0x3D400, s6;
	s26 =	sshrl.u32 s25, $0x2  }
0xe: {  	s12 =	ssub.s32 s11, s12;
	s7 =	sshrl.u32 s7, $0x3;
	s30 =	sadd.s32 s26, s1  }
0xf: {  	s12 =	smax.u32 s12, $0x1;
	s14 =	sadd.s32 s7, s6;
	s29 =	sshrl.u32 s13, $0x3  }
0x10: {  	s6 =	sor.u32 $0x1C03, s28;
	s13 =	sshrl.u32 s30, $0x3;
	s31 =	sadd.s32 $0x280, s29  }
0x11: {  	s7 =	sadd.s32 s9, s29;
	s8 =	sadd.s32 s10, s29;
	s11 =	sadd.s32 $0x40400, s14  }
0x12: {  	s14 =	simm.s32 $0x3;
	s9 =	sadd.s32 s9, s31;
	s10 =	sadd.s32 s10, s31  }
.LBB2_1:
0x13: {  	[spmem:s13], [sflag:s6] =	dma.local [hbm:s5], $0x2800  }
0x14: {  	_ =	swait.ge [sflag:s14], $0x2800  }
0x15: {  	[sflag:s14] =	ssyncset.done $0x0  }
0x16: {  	[sflag:s14] =	ssyncadd.s32 $0xFFFFD800  }
0x17: {  	[bflag:$0x0] =	sbarrier.arrive $0xFFFF  }
0x18: {  	[tilespmem:s3], [sflag:$0x3] =	stream.linear.gather [hbm4b:s7+s3], $0x1400, $0x38;
	[tilespmem:$0x1E800] =	vst v63  }
0x19: {  	_ =	swait.ge [sflag:s14], $0x1400  }
0x1a: {  	[sflag:s14] =	ssyncset.done $0x0  }
0x1b: {  	[sflag:s14] =	ssyncadd.s32 $0xFFFFEC00  }
0x1c: {  	[tilespmem:s15], [sflag:$0x3] =	stream.linear.gather [hbm4b:s8+s3], $0x1400, $0x38;
	[tilespmem:$0x1E800] =	vst v63  }
0x1d: {  	_ =	swait.ge [sflag:s14], $0x1400  }
0x1e: {  	[sflag:s14] =	ssyncset.done $0x0  }
0x1f: {  	[sflag:s14] =	ssyncadd.s32 $0xFFFFEC00  }
0x20: {  	[tilespmem:s17], [sflag:$0x1] =	stream.indirect.gather [hbm4b:s4+s16], $0x80, s3, s16, $0xb8;
	[tilespmem:$0x1E800] =	vst v63  }
0x21: {  	s25 =	simm.s32 $0x80  }
0x22: {  	[tilespmem:s18], [sflag:$0x2] =	stream.indirect.gather [hbm4b:s4+s16], $0x80, s25, s16, $0xb8;
	[tilespmem:$0x1E800] =	vst v63  }
0x23: {  	_ =	swait.ge [sflag:s19], $0x3E80  }
0x24: {  	[sflag:s19] =	ssyncset.done $0x0  }
0x25: {  	s29 =	simm.s32 $0x1400;
	[sflag:s19] =	ssyncadd.s32 $0xFFFFC180  }
0x26: {  	[spmem:s1] =	stream.indirect.scatter.add.f32 [tilespmem:s17], [sflag:$0x3], $0x80, s29, s16, $0xb8;
	[tilespmem:$0x1E800] =	vst v63  }
0x27: {  	_ =	swait.ge [sflag:s14], $0x3E80  }
0x28: {  	[sflag:s14] =	ssyncset.done $0x0  }
0x29: {  	s30 =	simm.s32 $0x100;
	[sflag:s14] =	ssyncadd.s32 $0xFFFFC180  }
0x2a: {  	[tilespmem:s17], [sflag:$0x1] =	stream.indirect.gather [hbm4b:s4+s16], $0x80, s30, s16, $0xb8;
	[tilespmem:$0x1E800] =	vst v63  }
0x2b: {  	_ =	swait.ge [sflag:s20], $0x3E80  }
0x2c: {  	[sflag:s20] =	ssyncset.done $0x0  }
0x2d: {  	s31 =	simm.s32 $0x1480;
	[sflag:s20] =	ssyncadd.s32 $0xFFFFC180  }
0x2e: {  	[spmem:s1] =	stream.indirect.scatter.add.f32 [tilespmem:s18], [sflag:$0x3], $0x80, s31, s16, $0xb8;
	[tilespmem:$0x1E800] =	vst v63  }
0x2f: {  	_ =	swait.ge [sflag:s14], $0x3E80  }
0x30: {  	s26 =	simm.s32 $0x800;
	s25 =	simm.s32 $0x100;
	[sflag:s14] =	ssyncset.done $0x0  }
.LBB2_2:
0x31: {  	s28 =	sadd.s32 $0x80, s25  }
0x32: {  	[sflag:s14] =	ssyncadd.s32 $0xFFFFC180;
	s29 =	smov.u32 s26;
	s30 =	sadd.s32 $0x400, s26  }
0x33: {  	[tilespmem:s18], [sflag:$0x2] =	stream.indirect.gather [hbm4b:s4+s16], $0x80, s28, s16, $0xb8;
	[tilespmem:$0x1E800] =	vst v63  }
0x34: {  	p0 =	sne.s32 s26, $0x4800;
	_ =	swait.ge [sflag:s19], $0x3E80  }
0x35: {  	[sflag:s19] =	ssyncset.done $0x0  }
0x36: {  	s26 =	sadd.s32 $0x1400, s25;
	[sflag:s19] =	ssyncadd.s32 $0xFFFFC180  }
0x37: {  	[spmem:s1] =	stream.indirect.scatter.add.f32 [tilespmem:s17], [sflag:$0x3], $0x80, s26, s16, $0xb8;
	[tilespmem:$0x1E800] =	vst v63  }
0x38: {  	_ =	swait.ge [sflag:s14], $0x3E80  }
0x39: {  	[sflag:s14] =	ssyncset.done $0x0  }
0x3a: {  	s26 =	sadd.s32 $0x100, s25;
	[sflag:s14] =	ssyncadd.s32 $0xFFFFC180  }
0x3b: {  	[tilespmem:s17], [sflag:$0x1] =	stream.indirect.gather [hbm4b:s4+s16], $0x80, s26, s16, $0xb8;
	[tilespmem:$0x1E800] =	vst v63  }
0x3c: {  	_ =	swait.ge [sflag:s20], $0x3E80  }
.Ltmp0:
0x3d: {  	[sflag:s20] =	ssyncset.done $0x0;
	(pc) =	sbr.rel @p0 .LBB2_2-.Ltmp0, $4  }
0x3e: {  	s25 =	sadd.s32 $0x1480, s25;
	[sflag:s20] =	ssyncadd.s32 $0xFFFFC180  }
0x3f: {  	[spmem:s1] =	stream.indirect.scatter.add.f32 [tilespmem:s18], [sflag:$0x3], $0x80, s25, s16, $0xb8;
	[tilespmem:$0x1E800] =	vst v63  }
0x40: {  	_ =	swait.ge [sflag:s14], $0x3E80  }
0x41: {  	s26 =	smov.u32 s30;
	s25 =	sshra.s32 s29, $0x2;
	[sflag:s14] =	ssyncset.done $0x0  }
0x42: {  	s26 =	sadd.s32 $0x80, s25;
	[sflag:s14] =	ssyncadd.s32 $0xFFFFC180  }
0x43: {  	[tilespmem:s18], [sflag:$0x2] =	stream.indirect.gather [hbm4b:s4+s16], $0x80, s26, s16, $0xb8;
	[tilespmem:$0x1E800] =	vst v63  }
0x44: {  	_ =	swait.ge [sflag:s19], $0x3E80  }
0x45: {  	[sflag:s19] =	ssyncset.done $0x0  }
0x46: {  	s29 =	sadd.s32 $0x1400, s25;
	[sflag:s19] =	ssyncadd.s32 $0xFFFFC180  }
0x47: {  	[spmem:s1] =	stream.indirect.scatter.add.f32 [tilespmem:s17], [sflag:$0x3], $0x80, s29, s16, $0xb8;
	[tilespmem:$0x1E800] =	vst v63  }
0x48: {  	_ =	swait.ge [sflag:s14], $0x3E80  }
0x49: {  	[sflag:s14] =	ssyncset.done $0x0  }
0x4a: {  	s30 =	sadd.s32 $0x100, s25;
	[sflag:s14] =	ssyncadd.s32 $0xFFFFC180  }
0x4b: {  	[tilespmem:s17], [sflag:$0x1] =	stream.indirect.gather [hbm4b:s4+s16], $0x80, s30, s16, $0xb8;
	[tilespmem:$0x1E800] =	vst v63  }
0x4c: {  	_ =	swait.ge [sflag:s20], $0x3E80  }
0x4d: {  	[sflag:s20] =	ssyncset.done $0x0  }
0x4e: {  	s31 =	sadd.s32 $0x1480, s25;
	[sflag:s20] =	ssyncadd.s32 $0xFFFFC180  }
0x4f: {  	[spmem:s1] =	stream.indirect.scatter.add.f32 [tilespmem:s18], [sflag:$0x3], $0x80, s31, s16, $0xb8;
	[tilespmem:$0x1E800] =	vst v63  }
0x50: {  	_ =	swait.ge [sflag:s14], $0x3E80  }
0x51: {  	[sflag:s14] =	ssyncset.done $0x0  }
0x52: {  	[sflag:s14] =	ssyncadd.s32 $0xFFFFC180  }
0x53: {  	[tilespmem:s18], [sflag:$0x2] =	stream.indirect.gather [hbm4b:s4+s16], $0x80, s21, s16, $0xb8;
	[tilespmem:$0x1E800] =	vst v63  }
0x54: {  	_ =	swait.ge [sflag:s19], $0x3E80  }
0x55: {  	[sflag:s19] =	ssyncset.done $0x0  }
0x56: {  	[sflag:s19] =	ssyncadd.s32 $0xFFFFC180  }
0x57: {  	[spmem:s1] =	stream.indirect.scatter.add.f32 [tilespmem:s17], [sflag:$0x3], $0x80, s22, s16, $0xb8;
	[tilespmem:$0x1E800] =	vst v63  }
0x58: {  	_ =	swait.ge [sflag:s14], $0x3E80  }
0x59: {  	[sflag:s14] =	ssyncset.done $0x0  }
0x5a: {  	[sflag:s14] =	ssyncadd.s32 $0xFFFFC180  }
0x5b: {  	_ =	swait.ge [sflag:s20], $0x3E80  }
0x5c: {  	[sflag:s20] =	ssyncset.done $0x0  }
0x5d: {  	[sflag:s20] =	ssyncadd.s32 $0xFFFFC180  }
0x5e: {  	[spmem:s1] =	stream.indirect.scatter.add.f32 [tilespmem:s18], [sflag:$0x3], $0x80, s23, s16, $0xb8;
	[tilespmem:$0x1E800] =	vst v63  }
0x5f: {  	_ =	swait.ge [sflag:s14], $0x3E80  }
0x60: {  	[sflag:s14] =	ssyncset.done $0x0  }
0x61: {  	s26 =	simm.s32 $0x0;
	[sflag:s14] =	ssyncadd.s32 $0xFFFFC180  }
0x62: {  	[tilespmem:s26], [sflag:$0x3] =	stream.linear.gather [hbm4b:s9+s26], $0x1400, $0x38;
	[tilespmem:$0x1E800] =	vst v63  }
0x63: {  	_ =	swait.ge [sflag:s14], $0x1400  }
0x64: {  	[sflag:s14] =	ssyncset.done $0x0  }
0x65: {  	[sflag:s14] =	ssyncadd.s32 $0xFFFFEC00  }
0x66: {  	[tilespmem:s15], [sflag:$0x3] =	stream.linear.gather [hbm4b:s10+s26], $0x1400, $0x38;
	[tilespmem:$0x1E800] =	vst v63  }
0x67: {  	_ =	swait.ge [sflag:s14], $0x1400  }
0x68: {  	[sflag:s14] =	ssyncset.done $0x0  }
0x69: {  	[sflag:s14] =	ssyncadd.s32 $0xFFFFEC00  }
0x6a: {  	[tilespmem:s17], [sflag:$0x1] =	stream.indirect.gather [hbm4b:s4+s16], $0x80, s26, s16, $0xb8;
	[tilespmem:$0x1E800] =	vst v63  }
0x6b: {  	s28 =	simm.s32 $0x80  }
0x6c: {  	[tilespmem:s18], [sflag:$0x2] =	stream.indirect.gather [hbm4b:s4+s16], $0x80, s28, s16, $0xb8;
	[tilespmem:$0x1E800] =	vst v63  }
0x6d: {  	_ =	swait.ge [sflag:s19], $0x3E80  }
0x6e: {  	[sflag:s19] =	ssyncset.done $0x0  }
0x6f: {  	s29 =	simm.s32 $0x1400;
	[sflag:s19] =	ssyncadd.s32 $0xFFFFC180  }
0x70: {  	[spmem:s1] =	stream.indirect.scatter.add.f32 [tilespmem:s17], [sflag:$0x3], $0x80, s29, s16, $0xb8;
	[tilespmem:$0x1E800] =	vst v63  }
0x71: {  	_ =	swait.ge [sflag:s14], $0x3E80  }
0x72: {  	[sflag:s14] =	ssyncset.done $0x0  }
0x73: {  	s30 =	simm.s32 $0x100;
	[sflag:s14] =	ssyncadd.s32 $0xFFFFC180  }
0x74: {  	[tilespmem:s17], [sflag:$0x1] =	stream.indirect.gather [hbm4b:s4+s16], $0x80, s30, s16, $0xb8;
	[tilespmem:$0x1E800] =	vst v63  }
0x75: {  	_ =	swait.ge [sflag:s20], $0x3E80  }
0x76: {  	[sflag:s20] =	ssyncset.done $0x0  }
0x77: {  	s31 =	simm.s32 $0x1480;
	[sflag:s20] =	ssyncadd.s32 $0xFFFFC180  }
0x78: {  	[spmem:s1] =	stream.indirect.scatter.add.f32 [tilespmem:s18], [sflag:$0x3], $0x80, s31, s16, $0xb8;
	[tilespmem:$0x1E800] =	vst v63  }
0x79: {  	_ =	swait.ge [sflag:s14], $0x3E80  }
0x7a: {  	s25 =	simm.s32 $0x100;
	s26 =	simm.s32 $0x800;
	[sflag:s14] =	ssyncset.done $0x0  }
.LBB2_4:
0x7b: {  	s28 =	sadd.s32 $0x80, s25  }
0x7c: {  	[sflag:s14] =	ssyncadd.s32 $0xFFFFC180;
	s29 =	smov.u32 s26;
	s30 =	sadd.s32 $0x400, s26  }
0x7d: {  	[tilespmem:s18], [sflag:$0x2] =	stream.indirect.gather [hbm4b:s4+s16], $0x80, s28, s16, $0xb8;
	[tilespmem:$0x1E800] =	vst v63  }
0x7e: {  	p0 =	sne.s32 s26, $0x4800;
	_ =	swait.ge [sflag:s19], $0x3E80  }
0x7f: {  	[sflag:s19] =	ssyncset.done $0x0  }
0x80: {  	s26 =	sadd.s32 $0x1400, s25;
	[sflag:s19] =	ssyncadd.s32 $0xFFFFC180  }
0x81: {  	[spmem:s1] =	stream.indirect.scatter.add.f32 [tilespmem:s17], [sflag:$0x3], $0x80, s26, s16, $0xb8;
	[tilespmem:$0x1E800] =	vst v63  }
0x82: {  	_ =	swait.ge [sflag:s14], $0x3E80  }
0x83: {  	[sflag:s14] =	ssyncset.done $0x0  }
0x84: {  	s26 =	sadd.s32 $0x100, s25;
	[sflag:s14] =	ssyncadd.s32 $0xFFFFC180  }
0x85: {  	[tilespmem:s17], [sflag:$0x1] =	stream.indirect.gather [hbm4b:s4+s16], $0x80, s26, s16, $0xb8;
	[tilespmem:$0x1E800] =	vst v63  }
0x86: {  	_ =	swait.ge [sflag:s20], $0x3E80  }
.Ltmp1:
0x87: {  	[sflag:s20] =	ssyncset.done $0x0;
	(pc) =	sbr.rel @p0 .LBB2_4-.Ltmp1, $4  }
0x88: {  	s25 =	sadd.s32 $0x1480, s25;
	[sflag:s20] =	ssyncadd.s32 $0xFFFFC180  }
0x89: {  	[spmem:s1] =	stream.indirect.scatter.add.f32 [tilespmem:s18], [sflag:$0x3], $0x80, s25, s16, $0xb8;
	[tilespmem:$0x1E800] =	vst v63  }
0x8a: {  	_ =	swait.ge [sflag:s14], $0x3E80  }
0x8b: {  	s26 =	smov.u32 s30;
	s25 =	sshra.s32 s29, $0x2;
	[sflag:s14] =	ssyncset.done $0x0  }
0x8c: {  	s26 =	sadd.s32 $0x80, s25;
	[sflag:s14] =	ssyncadd.s32 $0xFFFFC180  }
0x8d: {  	[tilespmem:s18], [sflag:$0x2] =	stream.indirect.gather [hbm4b:s4+s16], $0x80, s26, s16, $0xb8;
	[tilespmem:$0x1E800] =	vst v63  }
0x8e: {  	_ =	swait.ge [sflag:s19], $0x3E80  }
0x8f: {  	[sflag:s19] =	ssyncset.done $0x0  }
0x90: {  	s29 =	sadd.s32 $0x1400, s25;
	[sflag:s19] =	ssyncadd.s32 $0xFFFFC180  }
0x91: {  	[spmem:s1] =	stream.indirect.scatter.add.f32 [tilespmem:s17], [sflag:$0x3], $0x80, s29, s16, $0xb8;
	[tilespmem:$0x1E800] =	vst v63  }
0x92: {  	_ =	swait.ge [sflag:s14], $0x3E80  }
0x93: {  	[sflag:s14] =	ssyncset.done $0x0  }
0x94: {  	s30 =	sadd.s32 $0x100, s25;
	[sflag:s14] =	ssyncadd.s32 $0xFFFFC180  }
0x95: {  	[tilespmem:s17], [sflag:$0x1] =	stream.indirect.gather [hbm4b:s4+s16], $0x80, s30, s16, $0xb8;
	[tilespmem:$0x1E800] =	vst v63  }
0x96: {  	_ =	swait.ge [sflag:s20], $0x3E80  }
0x97: {  	[sflag:s20] =	ssyncset.done $0x0  }
0x98: {  	s31 =	sadd.s32 $0x1480, s25;
	[sflag:s20] =	ssyncadd.s32 $0xFFFFC180  }
0x99: {  	[spmem:s1] =	stream.indirect.scatter.add.f32 [tilespmem:s18], [sflag:$0x3], $0x80, s31, s16, $0xb8;
	[tilespmem:$0x1E800] =	vst v63  }
0x9a: {  	_ =	swait.ge [sflag:s14], $0x3E80  }
0x9b: {  	[sflag:s14] =	ssyncset.done $0x0  }
0x9c: {  	[sflag:s14] =	ssyncadd.s32 $0xFFFFC180  }
0x9d: {  	[tilespmem:s18], [sflag:$0x2] =	stream.indirect.gather [hbm4b:s4+s16], $0x80, s21, s16, $0xb8;
	[tilespmem:$0x1E800] =	vst v63  }
0x9e: {  	_ =	swait.ge [sflag:s19], $0x3E80  }
0x9f: {  	[sflag:s19] =	ssyncset.done $0x0  }
0xa0: {  	[sflag:s19] =	ssyncadd.s32 $0xFFFFC180  }
0xa1: {  	[spmem:s1] =	stream.indirect.scatter.add.f32 [tilespmem:s17], [sflag:$0x3], $0x80, s22, s16, $0xb8;
	[tilespmem:$0x1E800] =	vst v63  }
0xa2: {  	_ =	swait.ge [sflag:s14], $0x3E80  }
0xa3: {  	[sflag:s14] =	ssyncset.done $0x0  }
0xa4: {  	[sflag:s14] =	ssyncadd.s32 $0xFFFFC180  }
0xa5: {  	_ =	swait.ge [sflag:s20], $0x3E80  }
0xa6: {  	[sflag:s20] =	ssyncset.done $0x0  }
0xa7: {  	[sflag:s20] =	ssyncadd.s32 $0xFFFFC180  }
0xa8: {  	[spmem:s1] =	stream.indirect.scatter.add.f32 [tilespmem:s18], [sflag:$0x3], $0x80, s23, s16, $0xb8;
	[tilespmem:$0x1E800] =	vst v63  }
0xa9: {  	_ =	swait.ge [sflag:s14], $0x3E80  }
0xaa: {  	s24 =	sadd.s32 $0x1, s24;
	[sflag:s14] =	ssyncset.done $0x0  }
0xab: {  	p0 =	sne.s32 s24, s12;
	[sflag:s14] =	ssyncadd.s32 $0xFFFFC180  }
.Ltmp2:
0xac: {  	[bflag:$0x0] =	sbarrier.arrive $0xFFFF;
	(pc) =	sbr.rel @p0 .LBB2_1-.Ltmp2, $4  }
0xad: {  	[hbm:s11], [sflag:s6] =	dma.local [spmem:s13], $0x2800  }
0xae: {  	_ =	swait.ge [sflag:s14], $0x2800  }
0xaf: {  	[sflag:s14] =	ssyncset.done $0x0  }
0xb0: {  	[sflag:s14] =	ssyncadd.s32 $0xFFFFD800  }
0xb1: {  	_ =	sfence.sel $0x180000  }
0xb2: {  	[bflag:$0x0] =	sbarrier.arrive $0xFFFF  }
0xb3: {  	p0 =	sne.s32 s2, $0x0;
	_ =	strace $0x9000004A  }
0xb4: {  	s0 =	sadd.s32 @!p0 $0x100000, s0;
	[bflag:$0x2] =	sbarrier.arrive $0xFFFF  }
0xb5: {  	[sflag:s0] =	ssyncadd.tile.s32 @!p0 $0x1;
	_ =	shalt  }
.Lfunc_end2:
_tile_overlayer_lowered:
.L_overlay_start_2:
0xb6: {  	(tag) =	ssettag $0x2  }
0xb7: {  	s0 =	rddreg [dreg:$0x0];
	s2 =	stileid.u32  }
0xb8: {  	s1 =	rddreg [dreg:$0x1];
	p0 =	sne.s32 s2, $0x0  }
0xb9: {  	s3 =	rddreg [dreg:$0x2];
	[bflag:$0x3] =	sbarrier.arrive $0xFFFF;
	s2 =	simm.s32 @!p0 $0x1C03  }
0xba: {  	[timem:s3], [sflag:s2] =	dma.local @!p0 [hbm:s0], s1  }
0xbb: {  	s0 =	simm.s32 @!p0 $0x3  }
0xbc: {  	_ =	swait.ge @!p0 [sflag:s0], s1  }
0xbd: {  	s1 =	ssub.s32 @!p0 $0x0, s1;
	[sflag:s0] =	ssyncset.done @!p0 $0x0  }
0xbe: {  	[sflag:s0] =	ssyncadd.s32 @!p0 s1  }
0xbf: {  	[bflag:$0x3] =	sbarrier.arrive $0xFFFF  }
0xc0: {  	_ =	shalt  }

</sc_bundles>
